<compile_context>
chip_gen: v7x
topology: tpu7x:2x2x1
jax: 0.10.2.dev20260603
libtpu: 0.0.44.dev20260713+nightly
codegen_flags: <defaults>
</compile_context>

<pallas_src>
import functools
import jax
import jax.numpy as jnp
from jax import lax
from jax.experimental import pallas as pl
from jax.experimental.pallas import tpu as pltpu
from jax.experimental.pallas import tpu_sc as plsc

N, S, B, C, M = 256, 7, 2, 20, 20
HW = S * S
NCH = 5 * B + C
OSZ = HW * NCH
TSZ = M * 5
NC, NS, L = 2, 16, 16
NW = NC * NS
IMG_PER = N // NW
f32 = jnp.float32
i32 = jnp.int32


def _sig(x):
    return 1.0 / (1.0 + jnp.exp(-x))


def _sq(x):
    return x * x


def _fsqrt(x):
    i = plsc.bitcast(x, i32)
    y = plsc.bitcast(jnp.int32(0x5F3759DF) - (i >> 1), f32)
    h = 0.5 * x
    for _ in range(4):
        y = y * (1.5 - (h * y) * y)
    return x * y


def _iou(ax, ay, aw, ah, bx, by, bw, bh):
    tlx = jnp.maximum(ax - aw * 0.5, bx - bw * 0.5)
    tly = jnp.maximum(ay - ah * 0.5, by - bh * 0.5)
    brx = jnp.minimum(ax + aw * 0.5, bx + bw * 0.5)
    bry = jnp.minimum(ay + ah * 0.5, by + bh * 0.5)
    iw = jnp.maximum(brx - tlx, 0.0)
    ih = jnp.maximum(bry - tly, 0.0)
    inter = iw * ih
    return inter / (aw * ah + bw * bh - inter)


@functools.partial(
    pl.kernel,
    out_type=jax.ShapeDtypeStruct((NW, L), f32),
    mesh=plsc.VectorSubcoreMesh(core_axis_name="c", subcore_axis_name="s"),
    compiler_params=pltpu.CompilerParams(needs_layout_passes=False),
    scratch_types=[
        pltpu.VMEM((IMG_PER * OSZ,), f32),
        pltpu.VMEM((IMG_PER * TSZ,), f32),
        pltpu.VMEM((128,), f32),
        pltpu.VMEM((64,), i32),
        pltpu.VMEM((L,), f32),
        pltpu.SemaphoreType.DMA,
        pltpu.SemaphoreType.DMA,
    ],
)
def _yolo_loss_sc(o_hbm, t_hbm, out_hbm, o_v, t_v, pf_v, pi_v, res_v, sem_o, sem_t):
    wid = lax.axis_index("c") * NS + lax.axis_index("s")
    cp_o = pltpu.async_copy(
        o_hbm.at[pl.ds(wid * (IMG_PER * OSZ), IMG_PER * OSZ)], o_v, sem_o)
    cp_t = pltpu.async_copy(
        t_hbm.at[pl.ds(wid * (IMG_PER * TSZ), IMG_PER * TSZ)], t_v, sem_t)
    cp_t.wait()
    cp_o.wait()
    lanes = lax.iota(i32, L)

    def img_body(im, acc):
        ot = im * OSZ
        tt = im * TSZ

        def tgt_chunk(k):
            objv = k * 16 + lanes
            lanemask = objv < M
            ti = tt + jnp.where(lanemask, objv, 0) * 5
            gx = plsc.load_gather(t_v, [ti])
            gy = plsc.load_gather(t_v, [ti + 1])
            gw = plsc.load_gather(t_v, [ti + 2])
            gh = plsc.load_gather(t_v, [ti + 3])
            gc = plsc.load_gather(t_v, [ti + 4])
            rvk = lanemask & ((gx + gy + gw + gh + gc) > 0.0)
            return (gx, gy, gw, gh, gc, rvk)

        def out_chunk(k, tg):
            gx, gy, gw, gh, gc, rvk = tg
            clsk = gc.astype(i32)
            cxi = gx.astype(i32)
            cyi = gy.astype(i32)
            cxf = cxi.astype(f32)
            cyf = cyi.astype(f32)
            cellk = cyi * S + cxi
            ob = ot + cellk * NCH
            bx0 = _sig(plsc.load_gather(o_v, [ob]))
            by0 = _sig(plsc.load_gather(o_v, [ob + 1]))
            bw0 = _sig(plsc.load_gather(o_v, [ob + 2]))
            bh0 = _sig(plsc.load_gather(o_v, [ob + 3]))
            bx1 = _sig(plsc.load_gather(o_v, [ob + 4]))
            by1 = _sig(plsc.load_gather(o_v, [ob + 5]))
            bw1 = _sig(plsc.load_gather(o_v, [ob + 6]))
            bh1 = _sig(plsc.load_gather(o_v, [ob + 7]))
            iou0 = _iou(bx0 + cxf, by0 + cyf, bw0, bh0, gx, gy, gw, gh)
            iou1 = _iou(bx1 + cxf, by1 + cyf, bw1, bh1, gx, gy, gw, gh)
            am = iou1 > iou0
            ami = jnp.where(am, 1, 0)
            keyk = cellk * B + ami
            sxk = jnp.where(am, bx1, bx0)
            syk = jnp.where(am, by1, by0)
            swk = jnp.where(am, bw1, bw0)
            shk = jnp.where(am, bh1, bh0)
            pck = _sig(plsc.load_gather(o_v, [ob + (4 * B) + ami]))
            ppck = _sig(plsc.load_gather(o_v, [ob + (5 * B) + clsk]))
            ss = jnp.zeros((L,), f32)
            for ch in range(C):
                a = _sig(plsc.load_gather(o_v, [ob + (5 * B) + ch]))
                ss = ss + a * a
            pf_v[pl.ds(k * 16, 16)] = gx
            pf_v[pl.ds(32 + k * 16, 16)] = gy
            pf_v[pl.ds(64 + k * 16, 16)] = gw
            pf_v[pl.ds(96 + k * 16, 16)] = gh
            pi_v[pl.ds(k * 16, 16)] = keyk
            pi_v[pl.ds(32 + k * 16, 16)] = clsk
            return (rvk, cellk, clsk, keyk, sxk + cxf, syk + cyf, swk, shk,
                    sxk, syk, swk, shk, gx - cxf, gy - cyf, gw, gh, pck, ppck, ss)

        def make_pair_body(states):
            def pair_body(oj, cs):
                js = jnp.full((L,), oj, i32)
                bgx = plsc.load_gather(pf_v, [js])
                bgy = plsc.load_gather(pf_v, [js + 32])
                bgw = plsc.load_gather(pf_v, [js + 64])
                bgh = plsc.load_gather(pf_v, [js + 96])
                bkey = plsc.load_gather(pi_v, [js])
                bcls = plsc.load_gather(pi_v, [js + 32])
                bcell = bkey >> 1
                out = []
                for k, st in enumerate(states):
                    cellk, clsk, keyk, pxk, pyk, pwk, phk = st[1:8]
                    mik, owk, dcck, dck = cs[4 * k:4 * k + 4]
                    iou = _iou(pxk, pyk, pwk, phk, bgx, bgy, bgw, bgh)
                    gl = k * 16 + lanes
                    samec = bcell == cellk
                    out += [
                        jnp.maximum(mik, iou),
                        owk | jnp.where((bkey == keyk) & (oj > gl), 1, 0),
                        dcck | jnp.where(samec & (bcls == clsk) & (oj < gl), 1, 0),
                        dck | jnp.where(samec & (oj < gl), 1, 0),
                    ]
                return tuple(out)
            return pair_body

        def contrib(st, mik, owk, dcck, dck):
            (rvk, cellk, clsk, keyk, pxk, pyk, pwk, phk,
             sxk, syk, swk, shk, txk, tyk, gwk, ghk, pck, ppck, ssk) = st
            winner = rvk & (owk == 0)
            first_cell = rvk & (dck == 0)
            first_cc = rvk & (dcck == 0)
            box = (_sq(sxk - txk) + _sq(syk - tyk)
                   + _sq(_fsqrt(swk) - _fsqrt(gwk))
                   + _sq(_fsqrt(shk) - _fsqrt(ghk)))
            wterm = _sq(pck - mik) - 0.25 * _sq(pck) + 5.0 * box
            return (jnp.where(winner, wterm, 0.0)
                    + jnp.where(first_cell, ssk, 0.0)
                    + jnp.where(first_cc, 1.0 - 2.0 * ppck, 0.0))

        tg0 = tgt_chunk(0)
        tg1 = tgt_chunk(1)
        nvalid = jnp.max(plsc.all_reduce_population_count(tg0[5])
                         + plsc.all_reduce_population_count(tg1[5]))
        st0 = out_chunk(0, tg0)
        neg = jnp.full((L,), -3e38, f32)
        zi = jnp.zeros((L,), i32)

        def light(a):
            r = lax.fori_loop(0, nvalid, make_pair_body([st0]),
                              (neg, zi, zi, zi))
            return a + contrib(st0, *r)

        def heavy(a):
            st1 = out_chunk(1, tg1)
            r = lax.fori_loop(0, nvalid, make_pair_body([st0, st1]),
                              (neg, zi, zi, zi, neg, zi, zi, zi))
            return a + contrib(st0, *r[0:4]) + contrib(st1, *r[4:8])

        acc = acc + lax.cond(nvalid > 16, heavy, light, jnp.zeros((L,), f32))

        def cell_body(cc, accb):
            cv = cc * 16 + lanes
            ob = ot + jnp.minimum(cv, HW - 1) * NCH
            c0 = _sig(plsc.load_gather(o_v, [ob + 8]))
            c1 = _sig(plsc.load_gather(o_v, [ob + 9]))
            return accb + jnp.where(cv < HW, c0 * c0 + c1 * c1, 0.0)

        baseacc = lax.fori_loop(0, 4, cell_body, jnp.zeros((L,), f32))
        return acc + jnp.where(nvalid > 0, 0.25 * baseacc, 0.0)

    acc = lax.fori_loop(0, IMG_PER, img_body, jnp.zeros((L,), f32))
    total = jnp.sum(acc)
    res_v[...] = jnp.where(lanes == 0, total, jnp.zeros((L,), f32))
    pltpu.sync_copy(res_v, out_hbm.at[wid])


@jax.jit
def kernel(outputs, targets):
    of = outputs.astype(f32).reshape(-1)
    tf = targets.astype(f32).reshape(-1)
    parts = _yolo_loss_sc(of, tf)
    return jnp.sum(parts)

# --- scband reference (transcript-rebuilt; emitter-appended) ---
"""Pipeline reference for scband-yolov1-loss-15152644621136 (READ-ONLY COPY).

The authoritative reference and input builder live on the scoring server;
editing this copy changes nothing except your own understanding.
"""

import jax, jax.numpy as jnp
import numpy as np

S = 7; B = 2; C = 20
LAMBDA_COORD = 5.0; LAMBDA_OBJ = 1.0; LAMBDA_NOOBJ = 0.5; LAMBDA_CLASS = 1.0
N = 256; MAX_OBJ = 20


def _bboxes_iou_np(a, b):
    # a: [M,4] (cx,cy,w,h), b: [K,4] (cx,cy,w,h) -> [M,K]
    tl = np.maximum(a[:, None, :2] - a[:, None, 2:4] / 2.0, b[None, :, :2] - b[None, :, 2:4] / 2.0)
    br = np.minimum(a[:, None, :2] + a[:, None, 2:4] / 2.0, b[None, :, :2] + b[None, :, 2:4] / 2.0)
    wh = np.clip(br - tl, 0.0, None)
    inter = wh[..., 0] * wh[..., 1]
    area_a = (a[:, 2] * a[:, 3])[:, None]
    area_b = (b[:, 2] * b[:, 3])[None, :]
    return inter / (area_a + area_b - inter)


def _build_target_np(outputs, targets):
    n, H, W, n_ch = outputs.shape
    assert n_ch == B * 5 + C and H == W == S
    HW = H * W
    M = targets.shape[1]
    iou_target = jnp.zeros((n, HW, B), dtype=jnp.float32)
    iou_mask = jnp.full((n, HW, B), LAMBDA_NOOBJ, dtype=jnp.float32)
    box_target = jnp.zeros((n, HW, B, 4), dtype=jnp.float32)
    box_mask = jnp.zeros((n, HW, B, 1), dtype=jnp.float32)
    class_target = jnp.zeros((n, HW, C), dtype=jnp.float32)
    class_mask = jnp.zeros((n, HW, 1), dtype=jnp.float32)
    x_shift = jnp.broadcast_to(jnp.arange(W).reshape(1, W, 1), (H, W, B)).astype(jnp.float32)
    y_shift = jnp.broadcast_to(jnp.arange(H).reshape(H, 1, 1), (H, W, B)).astype(jnp.float32)
    ap = outputs[..., :4 * B].reshape(n, H, W, B, 4)
    ap = 1.0 / (1.0 + jnp.exp(-ap))
    ap = jnp.concatenate([
        (ap[..., 0] + x_shift[None])[..., None],
        (ap[..., 1] + y_shift[None])[..., None],
        ap[..., 2:4],
    ], axis=-1)
    gt_num = (targets.sum(axis=2) > 0).sum(axis=1)
    gt_boxes = targets[:, :, :4].astype(jnp.float32)
    gt_cls = targets[:, :, 4].astype(jnp.int32)
    pred = ap.reshape(n, HW * B, 4)
    tl = jnp.maximum(pred[:, :, None, :2] - pred[:, :, None, 2:4] / 2.0,
                     gt_boxes[:, None, :, :2] - gt_boxes[:, None, :, 2:4] / 2.0)
    br = jnp.minimum(pred[:, :, None, :2] + pred[:, :, None, 2:4] / 2.0,
                     gt_boxes[:, None, :, :2] + gt_boxes[:, None, :, 2:4] / 2.0)
    whi = jnp.clip(br - tl, 0.0, None)
    inter = whi[..., 0] * whi[..., 1]
    area_a = (pred[:, :, 2] * pred[:, :, 3])[:, :, None]
    area_b = (gt_boxes[:, :, 2] * gt_boxes[:, :, 3])[:, None, :]
    ious = (inter / (area_a + area_b - inter)).reshape(n, HW, B, M)
    obj_idx = jnp.arange(M)
    valid_obj = obj_idx[None, :] < gt_num[:, None]
    max_iou = jnp.where(valid_obj[:, None, None, :], ious, -jnp.inf).max(axis=-1)
    batch = jnp.arange(n)
    for oi in range(M):
        valid = oi < gt_num
        gb = gt_boxes[:, oi, :]
        cx = jnp.floor(gb[:, 0]); cy = jnp.floor(gb[:, 1])
        cell = (cy * W + cx).astype(jnp.int32)
        cls = gt_cls[:, oi]
        cur = class_target[batch, cell, cls]
        class_target = class_target.at[batch, cell, cls].set(jnp.where(valid, 1.0, cur))
        cur = class_mask[batch, cell, 0]
        class_mask = class_mask.at[batch, cell, 0].set(jnp.where(valid, 1.0, cur))
        iou_cell = ious[batch, cell, :, oi]
        am = jnp.argmax(iou_cell, axis=-1)
        gb_shift = jnp.stack([gb[:, 0] - cx, gb[:, 1] - cy, gb[:, 2], gb[:, 3]], axis=-1)
        cur = box_target[batch, cell, am, :]
        box_target = box_target.at[batch, cell, am, :].set(jnp.where(valid[:, None], gb_shift, cur))
        cur = box_mask[batch, cell, am, 0]
        box_mask = box_mask.at[batch, cell, am, 0].set(jnp.where(valid, 1.0, cur))
        mi = max_iou[batch, cell, am]
        cur = iou_target[batch, cell, am]
        iou_target = iou_target.at[batch, cell, am].set(jnp.where(valid, mi, cur))
        cur = iou_mask[batch, cell, am]
        iou_mask = iou_mask.at[batch, cell, am].set(jnp.where(valid, LAMBDA_OBJ, cur))
    iou_mask = jnp.where((gt_num == 0)[:, None, None], 0.0, iou_mask)
    return (iou_target.reshape(-1), iou_mask.reshape(-1), box_target.reshape(-1, 4),
            box_mask.reshape(-1, 1), class_target.reshape(-1, C), class_mask.reshape(-1, 1))


def setup_inputs(seed: int = 0):
    key = jax.random.key(seed)
    outputs = jax.random.normal(key, (N, S, S, 5 * B + C), dtype=jnp.float32)
    rng = np.random.RandomState(0)
    xy = rng.rand(N, MAX_OBJ, 2).astype(np.float32) * S
    wh = rng.rand(N, MAX_OBJ, 2).astype(np.float32) * 0.8 + 0.1
    cls = rng.randint(0, C, size=(N, MAX_OBJ, 1)).astype(np.float32)
    t = np.concatenate([xy, wh, cls], axis=2)
    nobj = rng.randint(1, MAX_OBJ + 1, size=(N,))
    for i in range(N):
        t[i, nobj[i]:, :] = 0.0
    return {"outputs": outputs, "targets": jnp.asarray(t)}


def reference(outputs, targets):
    it, im, bt, bm, ct, cm = _build_target_np(jnp.asarray(outputs, dtype=jnp.float32),
                                              jnp.asarray(targets, dtype=jnp.float32))
    it = jnp.asarray(it); im = jnp.asarray(im); bt = jnp.asarray(bt)
    bm = jnp.asarray(bm); ct = jnp.asarray(ct); cm = jnp.asarray(cm)
    o = jax.nn.sigmoid(outputs)
    pred_boxes = o[..., :4 * B].reshape(-1, 4)
    pred_confs = o[..., 4 * B:5 * B].reshape(-1)
    pred_probs = o[..., 5 * B:].reshape(-1, C)
    pred_confs = pred_confs * im
    it = it * im
    loss_conf = jnp.sum((pred_confs - it) ** 2)
    pb = pred_boxes * bm
    btm = bt * bm
    loss_xy = jnp.sum((pb[..., :2] - btm[..., :2]) ** 2)
    loss_wh = jnp.sum((jnp.sqrt(pb[..., 2:4]) - jnp.sqrt(btm[..., 2:4])) ** 2)
    pp = pred_probs * cm
    ctm = ct * cm
    loss_class = jnp.sum((pp - ctm) ** 2)
    return (loss_xy + loss_wh) * LAMBDA_COORD + loss_conf + loss_class * LAMBDA_CLASS

if __name__ == "__main__":
    import jax
    _d = setup_inputs()
    print(jax.jit(kernel)(*tuple(_d.values())))

</pallas_src>

<mosaic_0001>
#map = affine_map<(d0, d1) -> (0)>
#map1 = affine_map<(d0, d1) -> (0, 0)>
module attributes {stable_mosaic.version = 14 : i64} {
  func.func @_yolo_loss_sc(%arg0: i32, %arg1: i32, %arg2: memref<376320xf32, #tpu.memory_space<hbm>>, %arg3: memref<25600xf32, #tpu.memory_space<hbm>>, %arg4: memref<32x16xf32, #tpu.memory_space<hbm>>, %arg5: memref<11760xf32, #tpu.memory_space<vmem>>, %arg6: memref<800xf32, #tpu.memory_space<vmem>>, %arg7: memref<128xf32, #tpu.memory_space<vmem>>, %arg8: memref<64xi32, #tpu.memory_space<vmem>>, %arg9: memref<16xf32, #tpu.memory_space<vmem>>, %arg10: memref<!tpu.dma_semaphore, #tpu.memory_space<semaphore_mem>>, %arg11: memref<!tpu.dma_semaphore, #tpu.memory_space<semaphore_mem>>) attributes {dimension_semantics = [#tpu.dimension_semantics<core_parallel>, #tpu.dimension_semantics<subcore_parallel>], iteration_bounds = array<i64: 2, 16>, scalar_prefetch = 0 : i64, scratch_operands = 7 : i64, tpu.core_type = #tpu.core_type<sc_vector_subcore>, window_params = [{transform_indices = #map}, {transform_indices = #map}, {transform_indices = #map1}]} {
    %mul3A = arith.constant 16 : i32
    %mul3A_0 = arith.muli %arg0, %mul3A : i32
    %add3A = arith.addi %mul3A_0, %arg1 : i32
    %mul3A_1 = arith.constant 11760 : i32
    %mul3A_2 = arith.muli %add3A, %mul3A_1 : i32
    %dma_start3A = tpu.memref_slice %arg2[%mul3A_2] : memref<376320xf32, #tpu.memory_space<hbm>> -> memref<11760xf32, #tpu.memory_space<hbm>>
    %dma_start3A_3 = tpu.memref_slice %arg2[%mul3A_2] : memref<376320xf32, #tpu.memory_space<hbm>> -> memref<11760xf32, #tpu.memory_space<hbm>>
    tpu.enqueue_dma source(%dma_start3A_3 : memref<11760xf32, #tpu.memory_space<hbm>>) target(%arg5 : memref<11760xf32, #tpu.memory_space<vmem>>) target_semaphore(%arg10 : memref<!tpu.dma_semaphore, #tpu.memory_space<semaphore_mem>>)
    %mul3A_4 = arith.constant 800 : i32
    %mul3A_5 = arith.muli %add3A, %mul3A_4 : i32
    %dma_start3A_6 = tpu.memref_slice %arg3[%mul3A_5] : memref<25600xf32, #tpu.memory_space<hbm>> -> memref<800xf32, #tpu.memory_space<hbm>>
    %dma_start3A_7 = tpu.memref_slice %arg3[%mul3A_5] : memref<25600xf32, #tpu.memory_space<hbm>> -> memref<800xf32, #tpu.memory_space<hbm>>
    tpu.enqueue_dma source(%dma_start3A_7 : memref<800xf32, #tpu.memory_space<hbm>>) target(%arg6 : memref<800xf32, #tpu.memory_space<vmem>>) target_semaphore(%arg11 : memref<!tpu.dma_semaphore, #tpu.memory_space<semaphore_mem>>)
    %dma_wait3A = tpu.memref_slice %arg3[%mul3A_5] : memref<25600xf32, #tpu.memory_space<hbm>> -> memref<800xf32, #tpu.memory_space<hbm>>
    %dma_wait3A_8 = tpu.memref_slice %arg3[%mul3A_5] : memref<25600xf32, #tpu.memory_space<hbm>> -> memref<800xf32, #tpu.memory_space<hbm>>
    tpu.wait_dma2 semaphore(%arg11 : memref<!tpu.dma_semaphore, #tpu.memory_space<semaphore_mem>>) src(%dma_wait3A_8 : memref<800xf32, #tpu.memory_space<hbm>>) dst(%arg6 : memref<800xf32, #tpu.memory_space<vmem>>)
    %dma_wait3A_9 = tpu.memref_slice %arg2[%mul3A_2] : memref<376320xf32, #tpu.memory_space<hbm>> -> memref<11760xf32, #tpu.memory_space<hbm>>
    %dma_wait3A_10 = tpu.memref_slice %arg2[%mul3A_2] : memref<376320xf32, #tpu.memory_space<hbm>> -> memref<11760xf32, #tpu.memory_space<hbm>>
    tpu.wait_dma2 semaphore(%arg10 : memref<!tpu.dma_semaphore, #tpu.memory_space<semaphore_mem>>) src(%dma_wait3A_10 : memref<11760xf32, #tpu.memory_space<hbm>>) dst(%arg5 : memref<11760xf32, #tpu.memory_space<vmem>>)
    %iota3A = tpu.iota {dimensions = array<i32: 0>} : vector<16xi32>
    %broadcast_in_dim3A = arith.constant 0.000000e+00 : f32
    %broadcast_in_dim3A_11 = vector.broadcast %broadcast_in_dim3A : f32 to vector<16xf32>
    %scan3A = arith.constant 0 : i32
    %scan3A_12 = arith.constant 8 : i32
    %scan3A_13 = arith.addi %scan3A, %scan3A_12 : i32
    %scan3A_14 = arith.constant 1 : i32
    %scan3A_15 = scf.for %scan3A_26 = %scan3A to %scan3A_13 step %scan3A_14 iter_args(%scan3A_27 = %broadcast_in_dim3A_11) -> (vector<16xf32>)  : i32 {
      %mul3A_28 = arith.constant 1470 : i32
      %mul3A_29 = arith.muli %scan3A_26, %mul3A_28 : i32
      %mul3A_30 = arith.constant 100 : i32
      %mul3A_31 = arith.muli %scan3A_26, %mul3A_30 : i32
      %add3A_32 = arith.constant 0 : i32
      %add3A_33 = vector.broadcast %add3A_32 : i32 to vector<16xi32>
      %add3A_34 = arith.addi %add3A_33, %iota3A : vector<16xi32>
      %lt3A = arith.constant 20 : i32
      %lt3A_35 = vector.broadcast %lt3A : i32 to vector<16xi32>
      %lt3A_36 = arith.cmpi slt, %add3A_34, %lt3A_35 : vector<16xi32>
      %jit3A = arith.constant 0 : i32
      %broadcast_in_dim3A_37 = vector.broadcast %jit3A : i32 to vector<16xi32>
      %select_n3A_38 = arith.select %lt3A_36, %add3A_34, %broadcast_in_dim3A_37 : vector<16xi1>, vector<16xi32>
      %mul3A_39 = arith.constant 5 : i32
      %mul3A_40 = vector.broadcast %mul3A_39 : i32 to vector<16xi32>
      %mul3A_41 = arith.muli %select_n3A_38, %mul3A_40 : vector<16xi32>
      %add3A_42 = vector.broadcast %mul3A_31 : i32 to vector<16xi32>
      %add3A_43 = arith.addi %add3A_42, %mul3A_41 : vector<16xi32>
      %gather3A = tpu.vector_load_idx %arg6[%add3A_43] : memref<800xf32, #tpu.memory_space<vmem>>[vector<16xi32>], vector<16xf32>,
      %add3A_44 = arith.constant 1 : i32
      %add3A_45 = vector.broadcast %add3A_44 : i32 to vector<16xi32>
      %add3A_46 = arith.addi %add3A_43, %add3A_45 : vector<16xi32>
      %gather3A_47 = tpu.vector_load_idx %arg6[%add3A_46] : memref<800xf32, #tpu.memory_space<vmem>>[vector<16xi32>], vector<16xf32>,
      %add3A_48 = arith.constant 2 : i32
      %add3A_49 = vector.broadcast %add3A_48 : i32 to vector<16xi32>
      %add3A_50 = arith.addi %add3A_43, %add3A_49 : vector<16xi32>
      %gather3A_51 = tpu.vector_load_idx %arg6[%add3A_50] : memref<800xf32, #tpu.memory_space<vmem>>[vector<16xi32>], vector<16xf32>,
      %add3A_52 = arith.constant 3 : i32
      %add3A_53 = vector.broadcast %add3A_52 : i32 to vector<16xi32>
      %add3A_54 = arith.addi %add3A_43, %add3A_53 : vector<16xi32>
      %gather3A_55 = tpu.vector_load_idx %arg6[%add3A_54] : memref<800xf32, #tpu.memory_space<vmem>>[vector<16xi32>], vector<16xf32>,
      %add3A_56 = arith.constant 4 : i32
      %add3A_57 = vector.broadcast %add3A_56 : i32 to vector<16xi32>
      %add3A_58 = arith.addi %add3A_43, %add3A_57 : vector<16xi32>
      %gather3A_59 = tpu.vector_load_idx %arg6[%add3A_58] : memref<800xf32, #tpu.memory_space<vmem>>[vector<16xi32>], vector<16xf32>,
      %add3A_60 = arith.addf %gather3A, %gather3A_47 : vector<16xf32>
      %add3A_61 = arith.addf %add3A_60, %gather3A_51 : vector<16xf32>
      %add3A_62 = arith.addf %add3A_61, %gather3A_55 : vector<16xf32>
      %add3A_63 = arith.addf %add3A_62, %gather3A_59 : vector<16xf32>
      %gt3A = arith.constant 0.000000e+00 : f32
      %gt3A_64 = vector.broadcast %gt3A : f32 to vector<16xf32>
      %gt3A_65 = arith.cmpf ogt, %add3A_63, %gt3A_64 : vector<16xf32>
      %and3A = arith.andi %lt3A_36, %gt3A_65 : vector<16xi1>
      %add3A_66 = arith.constant 16 : i32
      %add3A_67 = vector.broadcast %add3A_66 : i32 to vector<16xi32>
      %add3A_68 = arith.addi %add3A_67, %iota3A : vector<16xi32>
      %lt3A_69 = arith.constant 20 : i32
      %lt3A_70 = vector.broadcast %lt3A_69 : i32 to vector<16xi32>
      %lt3A_71 = arith.cmpi slt, %add3A_68, %lt3A_70 : vector<16xi32>
      %jit3A_72 = arith.constant 0 : i32
      %broadcast_in_dim3A_73 = vector.broadcast %jit3A_72 : i32 to vector<16xi32>
      %select_n3A_74 = arith.select %lt3A_71, %add3A_68, %broadcast_in_dim3A_73 : vector<16xi1>, vector<16xi32>
      %mul3A_75 = arith.constant 5 : i32
      %mul3A_76 = vector.broadcast %mul3A_75 : i32 to vector<16xi32>
      %mul3A_77 = arith.muli %select_n3A_74, %mul3A_76 : vector<16xi32>
      %add3A_78 = vector.broadcast %mul3A_31 : i32 to vector<16xi32>
      %add3A_79 = arith.addi %add3A_78, %mul3A_77 : vector<16xi32>
      %gather3A_80 = tpu.vector_load_idx %arg6[%add3A_79] : memref<800xf32, #tpu.memory_space<vmem>>[vector<16xi32>], vector<16xf32>,
      %add3A_81 = arith.constant 1 : i32
      %add3A_82 = vector.broadcast %add3A_81 : i32 to vector<16xi32>
      %add3A_83 = arith.addi %add3A_79, %add3A_82 : vector<16xi32>
      %gather3A_84 = tpu.vector_load_idx %arg6[%add3A_83] : memref<800xf32, #tpu.memory_space<vmem>>[vector<16xi32>], vector<16xf32>,
      %add3A_85 = arith.constant 2 : i32
      %add3A_86 = vector.broadcast %add3A_85 : i32 to vector<16xi32>
      %add3A_87 = arith.addi %add3A_79, %add3A_86 : vector<16xi32>
      %gather3A_88 = tpu.vector_load_idx %arg6[%add3A_87] : memref<800xf32, #tpu.memory_space<vmem>>[vector<16xi32>], vector<16xf32>,
      %add3A_89 = arith.constant 3 : i32
      %add3A_90 = vector.broadcast %add3A_89 : i32 to vector<16xi32>
      %add3A_91 = arith.addi %add3A_79, %add3A_90 : vector<16xi32>
      %gather3A_92 = tpu.vector_load_idx %arg6[%add3A_91] : memref<800xf32, #tpu.memory_space<vmem>>[vector<16xi32>], vector<16xf32>,
      %add3A_93 = arith.constant 4 : i32
      %add3A_94 = vector.broadcast %add3A_93 : i32 to vector<16xi32>
      %add3A_95 = arith.addi %add3A_79, %add3A_94 : vector<16xi32>
      %gather3A_96 = tpu.vector_load_idx %arg6[%add3A_95] : memref<800xf32, #tpu.memory_space<vmem>>[vector<16xi32>], vector<16xf32>,
      %add3A_97 = arith.addf %gather3A_80, %gather3A_84 : vector<16xf32>
      %add3A_98 = arith.addf %add3A_97, %gather3A_88 : vector<16xf32>
      %add3A_99 = arith.addf %add3A_98, %gather3A_92 : vector<16xf32>
      %add3A_100 = arith.addf %add3A_99, %gather3A_96 : vector<16xf32>
      %gt3A_101 = arith.constant 0.000000e+00 : f32
      %gt3A_102 = vector.broadcast %gt3A_101 : f32 to vector<16xf32>
      %gt3A_103 = arith.cmpf ogt, %add3A_100, %gt3A_102 : vector<16xf32>
      %and3A_104 = arith.andi %lt3A_71, %gt3A_103 : vector<16xi1>
      %all_reduce_population_count3A = tpu.all_reduce %and3A {dim = 0 : i64, kind = #tpu.reduction_kind<sum>} : vector<16xi1> -> vector<16xi32>
      %all_reduce_population_count3A_105 = tpu.all_reduce %and3A_104 {dim = 0 : i64, kind = #tpu.reduction_kind<sum>} : vector<16xi1> -> vector<16xi32>
      %add3A_106 = arith.addi %all_reduce_population_count3A, %all_reduce_population_count3A_105 : vector<16xi32>
      %reduce_max3A = arith.constant true
      %reduce_max3A_107 = vector.broadcast %reduce_max3A : i1 to vector<16xi1>
      %reduce_max3A_108 = arith.constant -2147483648 : i32
      %reduce_max3A_109 = vector.broadcast %reduce_max3A_108 : i32 to vector<16xi32>
      %reduce_max3A_110 = arith.xori %add3A_106, %reduce_max3A_109 : vector<16xi32>
      %reduce_max3A_111 = tpu.scan <max>, %reduce_max3A_110 masked %reduce_max3A_107 : vector<16xi32>, vector<16xi1> -> vector<16xi32>
      %reduce_max3A_112 = arith.xori %reduce_max3A_111, %reduce_max3A_109 : vector<16xi32>
      %reduce_max3A_113 = vector.extract %reduce_max3A_112[15] : i32 from vector<16xi32>
      %convert_element_type3A = arith.fptosi %gather3A_59 : vector<16xf32> to vector<16xi32>
      %convert_element_type3A_114 = arith.fptosi %gather3A : vector<16xf32> to vector<16xi32>
      %convert_element_type3A_115 = arith.fptosi %gather3A_47 : vector<16xf32> to vector<16xi32>
      %convert_element_type3A_116 = arith.sitofp %convert_element_type3A_114 : vector<16xi32> to vector<16xf32>
      %convert_element_type3A_117 = arith.sitofp %convert_element_type3A_115 : vector<16xi32> to vector<16xf32>
      %mul3A_118 = arith.constant 7 : i32
      %mul3A_119 = vector.broadcast %mul3A_118 : i32 to vector<16xi32>
      %mul3A_120 = arith.muli %convert_element_type3A_115, %mul3A_119 : vector<16xi32>
      %add3A_121 = arith.addi %mul3A_120, %convert_element_type3A_114 : vector<16xi32>
      %mul3A_122 = arith.constant 30 : i32
      %mul3A_123 = vector.broadcast %mul3A_122 : i32 to vector<16xi32>
      %mul3A_124 = arith.muli %add3A_121, %mul3A_123 : vector<16xi32>
      %add3A_125 = vector.broadcast %mul3A_29 : i32 to vector<16xi32>
      %add3A_126 = arith.addi %add3A_125, %mul3A_124 : vector<16xi32>
      %gather3A_127 = tpu.vector_load_idx %arg5[%add3A_126] : memref<11760xf32, #tpu.memory_space<vmem>>[vector<16xi32>], vector<16xf32>,
      %neg3A = arith.constant 0.000000e+00 : f32
      %neg3A_128 = vector.broadcast %neg3A : f32 to vector<16xf32>
      %neg3A_129 = arith.subf %neg3A_128, %gather3A_127 : vector<16xf32>
      %exp3A = math.exp %neg3A_129 : vector<16xf32>
      %add3A_130 = arith.constant 1.000000e+00 : f32
      %add3A_131 = vector.broadcast %add3A_130 : f32 to vector<16xf32>
      %add3A_132 = arith.addf %add3A_131, %exp3A : vector<16xf32>
      %div3A = arith.constant 1.000000e+00 : f32
      %div3A_133 = vector.broadcast %div3A : f32 to vector<16xf32>
      %div3A_134 = arith.divf %div3A_133, %add3A_132 : vector<16xf32>
      %add3A_135 = arith.constant 1 : i32
      %add3A_136 = vector.broadcast %add3A_135 : i32 to vector<16xi32>
      %add3A_137 = arith.addi %add3A_126, %add3A_136 : vector<16xi32>
      %gather3A_138 = tpu.vector_load_idx %arg5[%add3A_137] : memref<11760xf32, #tpu.memory_space<vmem>>[vector<16xi32>], vector<16xf32>,
      %neg3A_139 = arith.constant 0.000000e+00 : f32
      %neg3A_140 = vector.broadcast %neg3A_139 : f32 to vector<16xf32>
      %neg3A_141 = arith.subf %neg3A_140, %gather3A_138 : vector<16xf32>
      %exp3A_142 = math.exp %neg3A_141 : vector<16xf32>
      %add3A_143 = arith.constant 1.000000e+00 : f32
      %add3A_144 = vector.broadcast %add3A_143 : f32 to vector<16xf32>
      %add3A_145 = arith.addf %add3A_144, %exp3A_142 : vector<16xf32>
      %div3A_146 = arith.constant 1.000000e+00 : f32
      %div3A_147 = vector.broadcast %div3A_146 : f32 to vector<16xf32>
      %div3A_148 = arith.divf %div3A_147, %add3A_145 : vector<16xf32>
      %add3A_149 = arith.constant 2 : i32
      %add3A_150 = vector.broadcast %add3A_149 : i32 to vector<16xi32>
      %add3A_151 = arith.addi %add3A_126, %add3A_150 : vector<16xi32>
      %gather3A_152 = tpu.vector_load_idx %arg5[%add3A_151] : memref<11760xf32, #tpu.memory_space<vmem>>[vector<16xi32>], vector<16xf32>,
      %neg3A_153 = arith.constant 0.000000e+00 : f32
      %neg3A_154 = vector.broadcast %neg3A_153 : f32 to vector<16xf32>
      %neg3A_155 = arith.subf %neg3A_154, %gather3A_152 : vector<16xf32>
      %exp3A_156 = math.exp %neg3A_155 : vector<16xf32>
      %add3A_157 = arith.constant 1.000000e+00 : f32
      %add3A_158 = vector.broadcast %add3A_157 : f32 to vector<16xf32>
      %add3A_159 = arith.addf %add3A_158, %exp3A_156 : vector<16xf32>
      %div3A_160 = arith.constant 1.000000e+00 : f32
      %div3A_161 = vector.broadcast %div3A_160 : f32 to vector<16xf32>
      %div3A_162 = arith.divf %div3A_161, %add3A_159 : vector<16xf32>
      %add3A_163 = arith.constant 3 : i32
      %add3A_164 = vector.broadcast %add3A_163 : i32 to vector<16xi32>
      %add3A_165 = arith.addi %add3A_126, %add3A_164 : vector<16xi32>
      %gather3A_166 = tpu.vector_load_idx %arg5[%add3A_165] : memref<11760xf32, #tpu.memory_space<vmem>>[vector<16xi32>], vector<16xf32>,
      %neg3A_167 = arith.constant 0.000000e+00 : f32
      %neg3A_168 = vector.broadcast %neg3A_167 : f32 to vector<16xf32>
      %neg3A_169 = arith.subf %neg3A_168, %gather3A_166 : vector<16xf32>
      %exp3A_170 = math.exp %neg3A_169 : vector<16xf32>
      %add3A_171 = arith.constant 1.000000e+00 : f32
      %add3A_172 = vector.broadcast %add3A_171 : f32 to vector<16xf32>
      %add3A_173 = arith.addf %add3A_172, %exp3A_170 : vector<16xf32>
      %div3A_174 = arith.constant 1.000000e+00 : f32
      %div3A_175 = vector.broadcast %div3A_174 : f32 to vector<16xf32>
      %div3A_176 = arith.divf %div3A_175, %add3A_173 : vector<16xf32>
      %add3A_177 = arith.constant 4 : i32
      %add3A_178 = vector.broadcast %add3A_177 : i32 to vector<16xi32>
      %add3A_179 = arith.addi %add3A_126, %add3A_178 : vector<16xi32>
      %gather3A_180 = tpu.vector_load_idx %arg5[%add3A_179] : memref<11760xf32, #tpu.memory_space<vmem>>[vector<16xi32>], vector<16xf32>,
      %neg3A_181 = arith.constant 0.000000e+00 : f32
      %neg3A_182 = vector.broadcast %neg3A_181 : f32 to vector<16xf32>
      %neg3A_183 = arith.subf %neg3A_182, %gather3A_180 : vector<16xf32>
      %exp3A_184 = math.exp %neg3A_183 : vector<16xf32>
      %add3A_185 = arith.constant 1.000000e+00 : f32
      %add3A_186 = vector.broadcast %add3A_185 : f32 to vector<16xf32>
      %add3A_187 = arith.addf %add3A_186, %exp3A_184 : vector<16xf32>
      %div3A_188 = arith.constant 1.000000e+00 : f32
      %div3A_189 = vector.broadcast %div3A_188 : f32 to vector<16xf32>
      %div3A_190 = arith.divf %div3A_189, %add3A_187 : vector<16xf32>
      %add3A_191 = arith.constant 5 : i32
      %add3A_192 = vector.broadcast %add3A_191 : i32 to vector<16xi32>
      %add3A_193 = arith.addi %add3A_126, %add3A_192 : vector<16xi32>
      %gather3A_194 = tpu.vector_load_idx %arg5[%add3A_193] : memref<11760xf32, #tpu.memory_space<vmem>>[vector<16xi32>], vector<16xf32>,
      %neg3A_195 = arith.constant 0.000000e+00 : f32
      %neg3A_196 = vector.broadcast %neg3A_195 : f32 to vector<16xf32>
      %neg3A_197 = arith.subf %neg3A_196, %gather3A_194 : vector<16xf32>
      %exp3A_198 = math.exp %neg3A_197 : vector<16xf32>
      %add3A_199 = arith.constant 1.000000e+00 : f32
      %add3A_200 = vector.broadcast %add3A_199 : f32 to vector<16xf32>
      %add3A_201 = arith.addf %add3A_200, %exp3A_198 : vector<16xf32>
      %div3A_202 = arith.constant 1.000000e+00 : f32
      %div3A_203 = vector.broadcast %div3A_202 : f32 to vector<16xf32>
      %div3A_204 = arith.divf %div3A_203, %add3A_201 : vector<16xf32>
      %add3A_205 = arith.constant 6 : i32
      %add3A_206 = vector.broadcast %add3A_205 : i32 to vector<16xi32>
      %add3A_207 = arith.addi %add3A_126, %add3A_206 : vector<16xi32>
      %gather3A_208 = tpu.vector_load_idx %arg5[%add3A_207] : memref<11760xf32, #tpu.memory_space<vmem>>[vector<16xi32>], vector<16xf32>,
      %neg3A_209 = arith.constant 0.000000e+00 : f32
      %neg3A_210 = vector.broadcast %neg3A_209 : f32 to vector<16xf32>
      %neg3A_211 = arith.subf %neg3A_210, %gather3A_208 : vector<16xf32>
      %exp3A_212 = math.exp %neg3A_211 : vector<16xf32>
      %add3A_213 = arith.constant 1.000000e+00 : f32
      %add3A_214 = vector.broadcast %add3A_213 : f32 to vector<16xf32>
      %add3A_215 = arith.addf %add3A_214, %exp3A_212 : vector<16xf32>
      %div3A_216 = arith.constant 1.000000e+00 : f32
      %div3A_217 = vector.broadcast %div3A_216 : f32 to vector<16xf32>
      %div3A_218 = arith.divf %div3A_217, %add3A_215 : vector<16xf32>
      %add3A_219 = arith.constant 7 : i32
      %add3A_220 = vector.broadcast %add3A_219 : i32 to vector<16xi32>
      %add3A_221 = arith.addi %add3A_126, %add3A_220 : vector<16xi32>
      %gather3A_222 = tpu.vector_load_idx %arg5[%add3A_221] : memref<11760xf32, #tpu.memory_space<vmem>>[vector<16xi32>], vector<16xf32>,
      %neg3A_223 = arith.constant 0.000000e+00 : f32
      %neg3A_224 = vector.broadcast %neg3A_223 : f32 to vector<16xf32>
      %neg3A_225 = arith.subf %neg3A_224, %gather3A_222 : vector<16xf32>
      %exp3A_226 = math.exp %neg3A_225 : vector<16xf32>
      %add3A_227 = arith.constant 1.000000e+00 : f32
      %add3A_228 = vector.broadcast %add3A_227 : f32 to vector<16xf32>
      %add3A_229 = arith.addf %add3A_228, %exp3A_226 : vector<16xf32>
      %div3A_230 = arith.constant 1.000000e+00 : f32
      %div3A_231 = vector.broadcast %div3A_230 : f32 to vector<16xf32>
      %div3A_232 = arith.divf %div3A_231, %add3A_229 : vector<16xf32>
      %add3A_233 = arith.addf %div3A_134, %convert_element_type3A_116 : vector<16xf32>
      %add3A_234 = arith.addf %div3A_148, %convert_element_type3A_117 : vector<16xf32>
      %mul3A_235 = arith.constant 5.000000e-01 : f32
      %mul3A_236 = vector.broadcast %mul3A_235 : f32 to vector<16xf32>
      %mul3A_237 = arith.mulf %div3A_162, %mul3A_236 : vector<16xf32>
      %sub3A = arith.subf %add3A_233, %mul3A_237 : vector<16xf32>
      %mul3A_238 = arith.constant 5.000000e-01 : f32
      %mul3A_239 = vector.broadcast %mul3A_238 : f32 to vector<16xf32>
      %mul3A_240 = arith.mulf %gather3A_51, %mul3A_239 : vector<16xf32>
      %sub3A_241 = arith.subf %gather3A, %mul3A_240 : vector<16xf32>
      %max3A = arith.maximumf %sub3A, %sub3A_241 : vector<16xf32>
      %mul3A_242 = arith.constant 5.000000e-01 : f32
      %mul3A_243 = vector.broadcast %mul3A_242 : f32 to vector<16xf32>
      %mul3A_244 = arith.mulf %div3A_176, %mul3A_243 : vector<16xf32>
      %sub3A_245 = arith.subf %add3A_234, %mul3A_244 : vector<16xf32>
      %mul3A_246 = arith.constant 5.000000e-01 : f32
      %mul3A_247 = vector.broadcast %mul3A_246 : f32 to vector<16xf32>
      %mul3A_248 = arith.mulf %gather3A_55, %mul3A_247 : vector<16xf32>
      %sub3A_249 = arith.subf %gather3A_47, %mul3A_248 : vector<16xf32>
      %max3A_250 = arith.maximumf %sub3A_245, %sub3A_249 : vector<16xf32>
      %mul3A_251 = arith.constant 5.000000e-01 : f32
      %mul3A_252 = vector.broadcast %mul3A_251 : f32 to vector<16xf32>
      %mul3A_253 = arith.mulf %div3A_162, %mul3A_252 : vector<16xf32>
      %add3A_254 = arith.addf %add3A_233, %mul3A_253 : vector<16xf32>
      %mul3A_255 = arith.constant 5.000000e-01 : f32
      %mul3A_256 = vector.broadcast %mul3A_255 : f32 to vector<16xf32>
      %mul3A_257 = arith.mulf %gather3A_51, %mul3A_256 : vector<16xf32>
      %add3A_258 = arith.addf %gather3A, %mul3A_257 : vector<16xf32>
      %min3A = arith.minimumf %add3A_254, %add3A_258 : vector<16xf32>
      %mul3A_259 = arith.constant 5.000000e-01 : f32
      %mul3A_260 = vector.broadcast %mul3A_259 : f32 to vector<16xf32>
      %mul3A_261 = arith.mulf %div3A_176, %mul3A_260 : vector<16xf32>
      %add3A_262 = arith.addf %add3A_234, %mul3A_261 : vector<16xf32>
      %mul3A_263 = arith.constant 5.000000e-01 : f32
      %mul3A_264 = vector.broadcast %mul3A_263 : f32 to vector<16xf32>
      %mul3A_265 = arith.mulf %gather3A_55, %mul3A_264 : vector<16xf32>
      %add3A_266 = arith.addf %gather3A_47, %mul3A_265 : vector<16xf32>
      %min3A_267 = arith.minimumf %add3A_262, %add3A_266 : vector<16xf32>
      %sub3A_268 = arith.subf %min3A, %max3A : vector<16xf32>
      %max3A_269 = arith.constant 0.000000e+00 : f32
      %max3A_270 = vector.broadcast %max3A_269 : f32 to vector<16xf32>
      %max3A_271 = arith.maximumf %sub3A_268, %max3A_270 : vector<16xf32>
      %sub3A_272 = arith.subf %min3A_267, %max3A_250 : vector<16xf32>
      %max3A_273 = arith.constant 0.000000e+00 : f32
      %max3A_274 = vector.broadcast %max3A_273 : f32 to vector<16xf32>
      %max3A_275 = arith.maximumf %sub3A_272, %max3A_274 : vector<16xf32>
      %mul3A_276 = arith.mulf %max3A_271, %max3A_275 : vector<16xf32>
      %mul3A_277 = arith.mulf %div3A_162, %div3A_176 : vector<16xf32>
      %mul3A_278 = arith.mulf %gather3A_51, %gather3A_55 : vector<16xf32>
      %add3A_279 = arith.addf %mul3A_277, %mul3A_278 : vector<16xf32>
      %sub3A_280 = arith.subf %add3A_279, %mul3A_276 : vector<16xf32>
      %div3A_281 = arith.divf %mul3A_276, %sub3A_280 : vector<16xf32>
      %add3A_282 = arith.addf %div3A_190, %convert_element_type3A_116 : vector<16xf32>
      %add3A_283 = arith.addf %div3A_204, %convert_element_type3A_117 : vector<16xf32>
      %mul3A_284 = arith.constant 5.000000e-01 : f32
      %mul3A_285 = vector.broadcast %mul3A_284 : f32 to vector<16xf32>
      %mul3A_286 = arith.mulf %div3A_218, %mul3A_285 : vector<16xf32>
      %sub3A_287 = arith.subf %add3A_282, %mul3A_286 : vector<16xf32>
      %mul3A_288 = arith.constant 5.000000e-01 : f32
      %mul3A_289 = vector.broadcast %mul3A_288 : f32 to vector<16xf32>
      %mul3A_290 = arith.mulf %gather3A_51, %mul3A_289 : vector<16xf32>
      %sub3A_291 = arith.subf %gather3A, %mul3A_290 : vector<16xf32>
      %max3A_292 = arith.maximumf %sub3A_287, %sub3A_291 : vector<16xf32>
      %mul3A_293 = arith.constant 5.000000e-01 : f32
      %mul3A_294 = vector.broadcast %mul3A_293 : f32 to vector<16xf32>
      %mul3A_295 = arith.mulf %div3A_232, %mul3A_294 : vector<16xf32>
      %sub3A_296 = arith.subf %add3A_283, %mul3A_295 : vector<16xf32>
      %mul3A_297 = arith.constant 5.000000e-01 : f32
      %mul3A_298 = vector.broadcast %mul3A_297 : f32 to vector<16xf32>
      %mul3A_299 = arith.mulf %gather3A_55, %mul3A_298 : vector<16xf32>
      %sub3A_300 = arith.subf %gather3A_47, %mul3A_299 : vector<16xf32>
      %max3A_301 = arith.maximumf %sub3A_296, %sub3A_300 : vector<16xf32>
      %mul3A_302 = arith.constant 5.000000e-01 : f32
      %mul3A_303 = vector.broadcast %mul3A_302 : f32 to vector<16xf32>
      %mul3A_304 = arith.mulf %div3A_218, %mul3A_303 : vector<16xf32>
      %add3A_305 = arith.addf %add3A_282, %mul3A_304 : vector<16xf32>
      %mul3A_306 = arith.constant 5.000000e-01 : f32
      %mul3A_307 = vector.broadcast %mul3A_306 : f32 to vector<16xf32>
      %mul3A_308 = arith.mulf %gather3A_51, %mul3A_307 : vector<16xf32>
      %add3A_309 = arith.addf %gather3A, %mul3A_308 : vector<16xf32>
      %min3A_310 = arith.minimumf %add3A_305, %add3A_309 : vector<16xf32>
      %mul3A_311 = arith.constant 5.000000e-01 : f32
      %mul3A_312 = vector.broadcast %mul3A_311 : f32 to vector<16xf32>
      %mul3A_313 = arith.mulf %div3A_232, %mul3A_312 : vector<16xf32>
      %add3A_314 = arith.addf %add3A_283, %mul3A_313 : vector<16xf32>
      %mul3A_315 = arith.constant 5.000000e-01 : f32
      %mul3A_316 = vector.broadcast %mul3A_315 : f32 to vector<16xf32>
      %mul3A_317 = arith.mulf %gather3A_55, %mul3A_316 : vector<16xf32>
      %add3A_318 = arith.addf %gather3A_47, %mul3A_317 : vector<16xf32>
      %min3A_319 = arith.minimumf %add3A_314, %add3A_318 : vector<16xf32>
      %sub3A_320 = arith.subf %min3A_310, %max3A_292 : vector<16xf32>
      %max3A_321 = arith.constant 0.000000e+00 : f32
      %max3A_322 = vector.broadcast %max3A_321 : f32 to vector<16xf32>
      %max3A_323 = arith.maximumf %sub3A_320, %max3A_322 : vector<16xf32>
      %sub3A_324 = arith.subf %min3A_319, %max3A_301 : vector<16xf32>
      %max3A_325 = arith.constant 0.000000e+00 : f32
      %max3A_326 = vector.broadcast %max3A_325 : f32 to vector<16xf32>
      %max3A_327 = arith.maximumf %sub3A_324, %max3A_326 : vector<16xf32>
      %mul3A_328 = arith.mulf %max3A_323, %max3A_327 : vector<16xf32>
      %mul3A_329 = arith.mulf %div3A_218, %div3A_232 : vector<16xf32>
      %mul3A_330 = arith.mulf %gather3A_51, %gather3A_55 : vector<16xf32>
      %add3A_331 = arith.addf %mul3A_329, %mul3A_330 : vector<16xf32>
      %sub3A_332 = arith.subf %add3A_331, %mul3A_328 : vector<16xf32>
      %div3A_333 = arith.divf %mul3A_328, %sub3A_332 : vector<16xf32>
      %gt3A_334 = arith.cmpf ogt, %div3A_333, %div3A_281 : vector<16xf32>
      %jit3A_335 = arith.constant 1 : i32
      %jit3A_336 = arith.constant 0 : i32
      %broadcast_in_dim3A_337 = vector.broadcast %jit3A_335 : i32 to vector<16xi32>
      %broadcast_in_dim3A_338 = vector.broadcast %jit3A_336 : i32 to vector<16xi32>
      %select_n3A_339 = arith.select %gt3A_334, %broadcast_in_dim3A_337, %broadcast_in_dim3A_338 : vector<16xi1>, vector<16xi32>
      %mul3A_340 = arith.constant 2 : i32
      %mul3A_341 = vector.broadcast %mul3A_340 : i32 to vector<16xi32>
      %mul3A_342 = arith.muli %add3A_121, %mul3A_341 : vector<16xi32>
      %add3A_343 = arith.addi %mul3A_342, %select_n3A_339 : vector<16xi32>
      %select_n3A_344 = arith.select %gt3A_334, %div3A_190, %div3A_134 : vector<16xi1>, vector<16xf32>
      %select_n3A_345 = arith.select %gt3A_334, %div3A_204, %div3A_148 : vector<16xi1>, vector<16xf32>
      %select_n3A_346 = arith.select %gt3A_334, %div3A_218, %div3A_162 : vector<16xi1>, vector<16xf32>
      %select_n3A_347 = arith.select %gt3A_334, %div3A_232, %div3A_176 : vector<16xi1>, vector<16xf32>
      %add3A_348 = arith.constant 8 : i32
      %add3A_349 = vector.broadcast %add3A_348 : i32 to vector<16xi32>
      %add3A_350 = arith.addi %add3A_126, %add3A_349 : vector<16xi32>
      %add3A_351 = arith.addi %add3A_350, %select_n3A_339 : vector<16xi32>
      %gather3A_352 = tpu.vector_load_idx %arg5[%add3A_351] : memref<11760xf32, #tpu.memory_space<vmem>>[vector<16xi32>], vector<16xf32>,
      %neg3A_353 = arith.constant 0.000000e+00 : f32
      %neg3A_354 = vector.broadcast %neg3A_353 : f32 to vector<16xf32>
      %neg3A_355 = arith.subf %neg3A_354, %gather3A_352 : vector<16xf32>
      %exp3A_356 = math.exp %neg3A_355 : vector<16xf32>
      %add3A_357 = arith.constant 1.000000e+00 : f32
      %add3A_358 = vector.broadcast %add3A_357 : f32 to vector<16xf32>
      %add3A_359 = arith.addf %add3A_358, %exp3A_356 : vector<16xf32>
      %div3A_360 = arith.constant 1.000000e+00 : f32
      %div3A_361 = vector.broadcast %div3A_360 : f32 to vector<16xf32>
      %div3A_362 = arith.divf %div3A_361, %add3A_359 : vector<16xf32>
      %add3A_363 = arith.constant 10 : i32
      %add3A_364 = vector.broadcast %add3A_363 : i32 to vector<16xi32>
      %add3A_365 = arith.addi %add3A_126, %add3A_364 : vector<16xi32>
      %add3A_366 = arith.addi %add3A_365, %convert_element_type3A : vector<16xi32>
      %gather3A_367 = tpu.vector_load_idx %arg5[%add3A_366] : memref<11760xf32, #tpu.memory_space<vmem>>[vector<16xi32>], vector<16xf32>,
      %neg3A_368 = arith.constant 0.000000e+00 : f32
      %neg3A_369 = vector.broadcast %neg3A_368 : f32 to vector<16xf32>
      %neg3A_370 = arith.subf %neg3A_369, %gather3A_367 : vector<16xf32>
      %exp3A_371 = math.exp %neg3A_370 : vector<16xf32>
      %add3A_372 = arith.constant 1.000000e+00 : f32
      %add3A_373 = vector.broadcast %add3A_372 : f32 to vector<16xf32>
      %add3A_374 = arith.addf %add3A_373, %exp3A_371 : vector<16xf32>
      %div3A_375 = arith.constant 1.000000e+00 : f32
      %div3A_376 = vector.broadcast %div3A_375 : f32 to vector<16xf32>
      %div3A_377 = arith.divf %div3A_376, %add3A_374 : vector<16xf32>
      %broadcast_in_dim3A_378 = arith.constant 0.000000e+00 : f32
      %broadcast_in_dim3A_379 = vector.broadcast %broadcast_in_dim3A_378 : f32 to vector<16xf32>
      %add3A_380 = arith.constant 10 : i32
      %add3A_381 = vector.broadcast %add3A_380 : i32 to vector<16xi32>
      %add3A_382 = arith.addi %add3A_126, %add3A_381 : vector<16xi32>
      %add3A_383 = arith.constant 0 : i32
      %add3A_384 = vector.broadcast %add3A_383 : i32 to vector<16xi32>
      %add3A_385 = arith.addi %add3A_382, %add3A_384 : vector<16xi32>
      %gather3A_386 = tpu.vector_load_idx %arg5[%add3A_385] : memref<11760xf32, #tpu.memory_space<vmem>>[vector<16xi32>], vector<16xf32>,
      %neg3A_387 = arith.constant 0.000000e+00 : f32
      %neg3A_388 = vector.broadcast %neg3A_387 : f32 to vector<16xf32>
      %neg3A_389 = arith.subf %neg3A_388, %gather3A_386 : vector<16xf32>
      %exp3A_390 = math.exp %neg3A_389 : vector<16xf32>
      %add3A_391 = arith.constant 1.000000e+00 : f32
      %add3A_392 = vector.broadcast %add3A_391 : f32 to vector<16xf32>
      %add3A_393 = arith.addf %add3A_392, %exp3A_390 : vector<16xf32>
      %div3A_394 = arith.constant 1.000000e+00 : f32
      %div3A_395 = vector.broadcast %div3A_394 : f32 to vector<16xf32>
      %div3A_396 = arith.divf %div3A_395, %add3A_393 : vector<16xf32>
      %mul3A_397 = arith.mulf %div3A_396, %div3A_396 : vector<16xf32>
      %add3A_398 = arith.addf %broadcast_in_dim3A_379, %mul3A_397 : vector<16xf32>
      %add3A_399 = arith.constant 10 : i32
      %add3A_400 = vector.broadcast %add3A_399 : i32 to vector<16xi32>
      %add3A_401 = arith.addi %add3A_126, %add3A_400 : vector<16xi32>
      %add3A_402 = arith.constant 1 : i32
      %add3A_403 = vector.broadcast %add3A_402 : i32 to vector<16xi32>
      %add3A_404 = arith.addi %add3A_401, %add3A_403 : vector<16xi32>
      %gather3A_405 = tpu.vector_load_idx %arg5[%add3A_404] : memref<11760xf32, #tpu.memory_space<vmem>>[vector<16xi32>], vector<16xf32>,
      %neg3A_406 = arith.constant 0.000000e+00 : f32
      %neg3A_407 = vector.broadcast %neg3A_406 : f32 to vector<16xf32>
      %neg3A_408 = arith.subf %neg3A_407, %gather3A_405 : vector<16xf32>
      %exp3A_409 = math.exp %neg3A_408 : vector<16xf32>
      %add3A_410 = arith.constant 1.000000e+00 : f32
      %add3A_411 = vector.broadcast %add3A_410 : f32 to vector<16xf32>
      %add3A_412 = arith.addf %add3A_411, %exp3A_409 : vector<16xf32>
      %div3A_413 = arith.constant 1.000000e+00 : f32
      %div3A_414 = vector.broadcast %div3A_413 : f32 to vector<16xf32>
      %div3A_415 = arith.divf %div3A_414, %add3A_412 : vector<16xf32>
      %mul3A_416 = arith.mulf %div3A_415, %div3A_415 : vector<16xf32>
      %add3A_417 = arith.addf %add3A_398, %mul3A_416 : vector<16xf32>
      %add3A_418 = arith.constant 10 : i32
      %add3A_419 = vector.broadcast %add3A_418 : i32 to vector<16xi32>
      %add3A_420 = arith.addi %add3A_126, %add3A_419 : vector<16xi32>
      %add3A_421 = arith.constant 2 : i32
      %add3A_422 = vector.broadcast %add3A_421 : i32 to vector<16xi32>
      %add3A_423 = arith.addi %add3A_420, %add3A_422 : vector<16xi32>
      %gather3A_424 = tpu.vector_load_idx %arg5[%add3A_423] : memref<11760xf32, #tpu.memory_space<vmem>>[vector<16xi32>], vector<16xf32>,
      %neg3A_425 = arith.constant 0.000000e+00 : f32
      %neg3A_426 = vector.broadcast %neg3A_425 : f32 to vector<16xf32>
      %neg3A_427 = arith.subf %neg3A_426, %gather3A_424 : vector<16xf32>
      %exp3A_428 = math.exp %neg3A_427 : vector<16xf32>
      %add3A_429 = arith.constant 1.000000e+00 : f32
      %add3A_430 = vector.broadcast %add3A_429 : f32 to vector<16xf32>
      %add3A_431 = arith.addf %add3A_430, %exp3A_428 : vector<16xf32>
      %div3A_432 = arith.constant 1.000000e+00 : f32
      %div3A_433 = vector.broadcast %div3A_432 : f32 to vector<16xf32>
      %div3A_434 = arith.divf %div3A_433, %add3A_431 : vector<16xf32>
      %mul3A_435 = arith.mulf %div3A_434, %div3A_434 : vector<16xf32>
      %add3A_436 = arith.addf %add3A_417, %mul3A_435 : vector<16xf32>
      %add3A_437 = arith.constant 10 : i32
      %add3A_438 = vector.broadcast %add3A_437 : i32 to vector<16xi32>
      %add3A_439 = arith.addi %add3A_126, %add3A_438 : vector<16xi32>
      %add3A_440 = arith.constant 3 : i32
      %add3A_441 = vector.broadcast %add3A_440 : i32 to vector<16xi32>
      %add3A_442 = arith.addi %add3A_439, %add3A_441 : vector<16xi32>
      %gather3A_443 = tpu.vector_load_idx %arg5[%add3A_442] : memref<11760xf32, #tpu.memory_space<vmem>>[vector<16xi32>], vector<16xf32>,
      %neg3A_444 = arith.constant 0.000000e+00 : f32
      %neg3A_445 = vector.broadcast %neg3A_444 : f32 to vector<16xf32>
      %neg3A_446 = arith.subf %neg3A_445, %gather3A_443 : vector<16xf32>
      %exp3A_447 = math.exp %neg3A_446 : vector<16xf32>
      %add3A_448 = arith.constant 1.000000e+00 : f32
      %add3A_449 = vector.broadcast %add3A_448 : f32 to vector<16xf32>
      %add3A_450 = arith.addf %add3A_449, %exp3A_447 : vector<16xf32>
      %div3A_451 = arith.constant 1.000000e+00 : f32
      %div3A_452 = vector.broadcast %div3A_451 : f32 to vector<16xf32>
      %div3A_453 = arith.divf %div3A_452, %add3A_450 : vector<16xf32>
      %mul3A_454 = arith.mulf %div3A_453, %div3A_453 : vector<16xf32>
      %add3A_455 = arith.addf %add3A_436, %mul3A_454 : vector<16xf32>
      %add3A_456 = arith.constant 10 : i32
      %add3A_457 = vector.broadcast %add3A_456 : i32 to vector<16xi32>
      %add3A_458 = arith.addi %add3A_126, %add3A_457 : vector<16xi32>
      %add3A_459 = arith.constant 4 : i32
      %add3A_460 = vector.broadcast %add3A_459 : i32 to vector<16xi32>
      %add3A_461 = arith.addi %add3A_458, %add3A_460 : vector<16xi32>
      %gather3A_462 = tpu.vector_load_idx %arg5[%add3A_461] : memref<11760xf32, #tpu.memory_space<vmem>>[vector<16xi32>], vector<16xf32>,
      %neg3A_463 = arith.constant 0.000000e+00 : f32
      %neg3A_464 = vector.broadcast %neg3A_463 : f32 to vector<16xf32>
      %neg3A_465 = arith.subf %neg3A_464, %gather3A_462 : vector<16xf32>
      %exp3A_466 = math.exp %neg3A_465 : vector<16xf32>
      %add3A_467 = arith.constant 1.000000e+00 : f32
      %add3A_468 = vector.broadcast %add3A_467 : f32 to vector<16xf32>
      %add3A_469 = arith.addf %add3A_468, %exp3A_466 : vector<16xf32>
      %div3A_470 = arith.constant 1.000000e+00 : f32
      %div3A_471 = vector.broadcast %div3A_470 : f32 to vector<16xf32>
      %div3A_472 = arith.divf %div3A_471, %add3A_469 : vector<16xf32>
      %mul3A_473 = arith.mulf %div3A_472, %div3A_472 : vector<16xf32>
      %add3A_474 = arith.addf %add3A_455, %mul3A_473 : vector<16xf32>
      %add3A_475 = arith.constant 10 : i32
      %add3A_476 = vector.broadcast %add3A_475 : i32 to vector<16xi32>
      %add3A_477 = arith.addi %add3A_126, %add3A_476 : vector<16xi32>
      %add3A_478 = arith.constant 5 : i32
      %add3A_479 = vector.broadcast %add3A_478 : i32 to vector<16xi32>
      %add3A_480 = arith.addi %add3A_477, %add3A_479 : vector<16xi32>
      %gather3A_481 = tpu.vector_load_idx %arg5[%add3A_480] : memref<11760xf32, #tpu.memory_space<vmem>>[vector<16xi32>], vector<16xf32>,
      %neg3A_482 = arith.constant 0.000000e+00 : f32
      %neg3A_483 = vector.broadcast %neg3A_482 : f32 to vector<16xf32>
      %neg3A_484 = arith.subf %neg3A_483, %gather3A_481 : vector<16xf32>
      %exp3A_485 = math.exp %neg3A_484 : vector<16xf32>
      %add3A_486 = arith.constant 1.000000e+00 : f32
      %add3A_487 = vector.broadcast %add3A_486 : f32 to vector<16xf32>
      %add3A_488 = arith.addf %add3A_487, %exp3A_485 : vector<16xf32>
      %div3A_489 = arith.constant 1.000000e+00 : f32
      %div3A_490 = vector.broadcast %div3A_489 : f32 to vector<16xf32>
      %div3A_491 = arith.divf %div3A_490, %add3A_488 : vector<16xf32>
      %mul3A_492 = arith.mulf %div3A_491, %div3A_491 : vector<16xf32>
      %add3A_493 = arith.addf %add3A_474, %mul3A_492 : vector<16xf32>
      %add3A_494 = arith.constant 10 : i32
      %add3A_495 = vector.broadcast %add3A_494 : i32 to vector<16xi32>
      %add3A_496 = arith.addi %add3A_126, %add3A_495 : vector<16xi32>
      %add3A_497 = arith.constant 6 : i32
      %add3A_498 = vector.broadcast %add3A_497 : i32 to vector<16xi32>
      %add3A_499 = arith.addi %add3A_496, %add3A_498 : vector<16xi32>
      %gather3A_500 = tpu.vector_load_idx %arg5[%add3A_499] : memref<11760xf32, #tpu.memory_space<vmem>>[vector<16xi32>], vector<16xf32>,
      %neg3A_501 = arith.constant 0.000000e+00 : f32
      %neg3A_502 = vector.broadcast %neg3A_501 : f32 to vector<16xf32>
      %neg3A_503 = arith.subf %neg3A_502, %gather3A_500 : vector<16xf32>
      %exp3A_504 = math.exp %neg3A_503 : vector<16xf32>
      %add3A_505 = arith.constant 1.000000e+00 : f32
      %add3A_506 = vector.broadcast %add3A_505 : f32 to vector<16xf32>
      %add3A_507 = arith.addf %add3A_506, %exp3A_504 : vector<16xf32>
      %div3A_508 = arith.constant 1.000000e+00 : f32
      %div3A_509 = vector.broadcast %div3A_508 : f32 to vector<16xf32>
      %div3A_510 = arith.divf %div3A_509, %add3A_507 : vector<16xf32>
      %mul3A_511 = arith.mulf %div3A_510, %div3A_510 : vector<16xf32>
      %add3A_512 = arith.addf %add3A_493, %mul3A_511 : vector<16xf32>
      %add3A_513 = arith.constant 10 : i32
      %add3A_514 = vector.broadcast %add3A_513 : i32 to vector<16xi32>
      %add3A_515 = arith.addi %add3A_126, %add3A_514 : vector<16xi32>
      %add3A_516 = arith.constant 7 : i32
      %add3A_517 = vector.broadcast %add3A_516 : i32 to vector<16xi32>
      %add3A_518 = arith.addi %add3A_515, %add3A_517 : vector<16xi32>
      %gather3A_519 = tpu.vector_load_idx %arg5[%add3A_518] : memref<11760xf32, #tpu.memory_space<vmem>>[vector<16xi32>], vector<16xf32>,
      %neg3A_520 = arith.constant 0.000000e+00 : f32
      %neg3A_521 = vector.broadcast %neg3A_520 : f32 to vector<16xf32>
      %neg3A_522 = arith.subf %neg3A_521, %gather3A_519 : vector<16xf32>
      %exp3A_523 = math.exp %neg3A_522 : vector<16xf32>
      %add3A_524 = arith.constant 1.000000e+00 : f32
      %add3A_525 = vector.broadcast %add3A_524 : f32 to vector<16xf32>
      %add3A_526 = arith.addf %add3A_525, %exp3A_523 : vector<16xf32>
      %div3A_527 = arith.constant 1.000000e+00 : f32
      %div3A_528 = vector.broadcast %div3A_527 : f32 to vector<16xf32>
      %div3A_529 = arith.divf %div3A_528, %add3A_526 : vector<16xf32>
      %mul3A_530 = arith.mulf %div3A_529, %div3A_529 : vector<16xf32>
      %add3A_531 = arith.addf %add3A_512, %mul3A_530 : vector<16xf32>
      %add3A_532 = arith.constant 10 : i32
      %add3A_533 = vector.broadcast %add3A_532 : i32 to vector<16xi32>
      %add3A_534 = arith.addi %add3A_126, %add3A_533 : vector<16xi32>
      %add3A_535 = arith.constant 8 : i32
      %add3A_536 = vector.broadcast %add3A_535 : i32 to vector<16xi32>
      %add3A_537 = arith.addi %add3A_534, %add3A_536 : vector<16xi32>
      %gather3A_538 = tpu.vector_load_idx %arg5[%add3A_537] : memref<11760xf32, #tpu.memory_space<vmem>>[vector<16xi32>], vector<16xf32>,
      %neg3A_539 = arith.constant 0.000000e+00 : f32
      %neg3A_540 = vector.broadcast %neg3A_539 : f32 to vector<16xf32>
      %neg3A_541 = arith.subf %neg3A_540, %gather3A_538 : vector<16xf32>
      %exp3A_542 = math.exp %neg3A_541 : vector<16xf32>
      %add3A_543 = arith.constant 1.000000e+00 : f32
      %add3A_544 = vector.broadcast %add3A_543 : f32 to vector<16xf32>
      %add3A_545 = arith.addf %add3A_544, %exp3A_542 : vector<16xf32>
      %div3A_546 = arith.constant 1.000000e+00 : f32
      %div3A_547 = vector.broadcast %div3A_546 : f32 to vector<16xf32>
      %div3A_548 = arith.divf %div3A_547, %add3A_545 : vector<16xf32>
      %mul3A_549 = arith.mulf %div3A_548, %div3A_548 : vector<16xf32>
      %add3A_550 = arith.addf %add3A_531, %mul3A_549 : vector<16xf32>
      %add3A_551 = arith.constant 10 : i32
      %add3A_552 = vector.broadcast %add3A_551 : i32 to vector<16xi32>
      %add3A_553 = arith.addi %add3A_126, %add3A_552 : vector<16xi32>
      %add3A_554 = arith.constant 9 : i32
      %add3A_555 = vector.broadcast %add3A_554 : i32 to vector<16xi32>
      %add3A_556 = arith.addi %add3A_553, %add3A_555 : vector<16xi32>
      %gather3A_557 = tpu.vector_load_idx %arg5[%add3A_556] : memref<11760xf32, #tpu.memory_space<vmem>>[vector<16xi32>], vector<16xf32>,
      %neg3A_558 = arith.constant 0.000000e+00 : f32
      %neg3A_559 = vector.broadcast %neg3A_558 : f32 to vector<16xf32>
      %neg3A_560 = arith.subf %neg3A_559, %gather3A_557 : vector<16xf32>
      %exp3A_561 = math.exp %neg3A_560 : vector<16xf32>
      %add3A_562 = arith.constant 1.000000e+00 : f32
      %add3A_563 = vector.broadcast %add3A_562 : f32 to vector<16xf32>
      %add3A_564 = arith.addf %add3A_563, %exp3A_561 : vector<16xf32>
      %div3A_565 = arith.constant 1.000000e+00 : f32
      %div3A_566 = vector.broadcast %div3A_565 : f32 to vector<16xf32>
      %div3A_567 = arith.divf %div3A_566, %add3A_564 : vector<16xf32>
      %mul3A_568 = arith.mulf %div3A_567, %div3A_567 : vector<16xf32>
      %add3A_569 = arith.addf %add3A_550, %mul3A_568 : vector<16xf32>
      %add3A_570 = arith.constant 10 : i32
      %add3A_571 = vector.broadcast %add3A_570 : i32 to vector<16xi32>
      %add3A_572 = arith.addi %add3A_126, %add3A_571 : vector<16xi32>
      %add3A_573 = arith.constant 10 : i32
      %add3A_574 = vector.broadcast %add3A_573 : i32 to vector<16xi32>
      %add3A_575 = arith.addi %add3A_572, %add3A_574 : vector<16xi32>
      %gather3A_576 = tpu.vector_load_idx %arg5[%add3A_575] : memref<11760xf32, #tpu.memory_space<vmem>>[vector<16xi32>], vector<16xf32>,
      %neg3A_577 = arith.constant 0.000000e+00 : f32
      %neg3A_578 = vector.broadcast %neg3A_577 : f32 to vector<16xf32>
      %neg3A_579 = arith.subf %neg3A_578, %gather3A_576 : vector<16xf32>
      %exp3A_580 = math.exp %neg3A_579 : vector<16xf32>
      %add3A_581 = arith.constant 1.000000e+00 : f32
      %add3A_582 = vector.broadcast %add3A_581 : f32 to vector<16xf32>
      %add3A_583 = arith.addf %add3A_582, %exp3A_580 : vector<16xf32>
      %div3A_584 = arith.constant 1.000000e+00 : f32
      %div3A_585 = vector.broadcast %div3A_584 : f32 to vector<16xf32>
      %div3A_586 = arith.divf %div3A_585, %add3A_583 : vector<16xf32>
      %mul3A_587 = arith.mulf %div3A_586, %div3A_586 : vector<16xf32>
      %add3A_588 = arith.addf %add3A_569, %mul3A_587 : vector<16xf32>
      %add3A_589 = arith.constant 10 : i32
      %add3A_590 = vector.broadcast %add3A_589 : i32 to vector<16xi32>
      %add3A_591 = arith.addi %add3A_126, %add3A_590 : vector<16xi32>
      %add3A_592 = arith.constant 11 : i32
      %add3A_593 = vector.broadcast %add3A_592 : i32 to vector<16xi32>
      %add3A_594 = arith.addi %add3A_591, %add3A_593 : vector<16xi32>
      %gather3A_595 = tpu.vector_load_idx %arg5[%add3A_594] : memref<11760xf32, #tpu.memory_space<vmem>>[vector<16xi32>], vector<16xf32>,
      %neg3A_596 = arith.constant 0.000000e+00 : f32
      %neg3A_597 = vector.broadcast %neg3A_596 : f32 to vector<16xf32>
      %neg3A_598 = arith.subf %neg3A_597, %gather3A_595 : vector<16xf32>
      %exp3A_599 = math.exp %neg3A_598 : vector<16xf32>
      %add3A_600 = arith.constant 1.000000e+00 : f32
      %add3A_601 = vector.broadcast %add3A_600 : f32 to vector<16xf32>
      %add3A_602 = arith.addf %add3A_601, %exp3A_599 : vector<16xf32>
      %div3A_603 = arith.constant 1.000000e+00 : f32
      %div3A_604 = vector.broadcast %div3A_603 : f32 to vector<16xf32>
      %div3A_605 = arith.divf %div3A_604, %add3A_602 : vector<16xf32>
      %mul3A_606 = arith.mulf %div3A_605, %div3A_605 : vector<16xf32>
      %add3A_607 = arith.addf %add3A_588, %mul3A_606 : vector<16xf32>
      %add3A_608 = arith.constant 10 : i32
      %add3A_609 = vector.broadcast %add3A_608 : i32 to vector<16xi32>
      %add3A_610 = arith.addi %add3A_126, %add3A_609 : vector<16xi32>
      %add3A_611 = arith.constant 12 : i32
      %add3A_612 = vector.broadcast %add3A_611 : i32 to vector<16xi32>
      %add3A_613 = arith.addi %add3A_610, %add3A_612 : vector<16xi32>
      %gather3A_614 = tpu.vector_load_idx %arg5[%add3A_613] : memref<11760xf32, #tpu.memory_space<vmem>>[vector<16xi32>], vector<16xf32>,
      %neg3A_615 = arith.constant 0.000000e+00 : f32
      %neg3A_616 = vector.broadcast %neg3A_615 : f32 to vector<16xf32>
      %neg3A_617 = arith.subf %neg3A_616, %gather3A_614 : vector<16xf32>
      %exp3A_618 = math.exp %neg3A_617 : vector<16xf32>
      %add3A_619 = arith.constant 1.000000e+00 : f32
      %add3A_620 = vector.broadcast %add3A_619 : f32 to vector<16xf32>
      %add3A_621 = arith.addf %add3A_620, %exp3A_618 : vector<16xf32>
      %div3A_622 = arith.constant 1.000000e+00 : f32
      %div3A_623 = vector.broadcast %div3A_622 : f32 to vector<16xf32>
      %div3A_624 = arith.divf %div3A_623, %add3A_621 : vector<16xf32>
      %mul3A_625 = arith.mulf %div3A_624, %div3A_624 : vector<16xf32>
      %add3A_626 = arith.addf %add3A_607, %mul3A_625 : vector<16xf32>
      %add3A_627 = arith.constant 10 : i32
      %add3A_628 = vector.broadcast %add3A_627 : i32 to vector<16xi32>
      %add3A_629 = arith.addi %add3A_126, %add3A_628 : vector<16xi32>
      %add3A_630 = arith.constant 13 : i32
      %add3A_631 = vector.broadcast %add3A_630 : i32 to vector<16xi32>
      %add3A_632 = arith.addi %add3A_629, %add3A_631 : vector<16xi32>
      %gather3A_633 = tpu.vector_load_idx %arg5[%add3A_632] : memref<11760xf32, #tpu.memory_space<vmem>>[vector<16xi32>], vector<16xf32>,
      %neg3A_634 = arith.constant 0.000000e+00 : f32
      %neg3A_635 = vector.broadcast %neg3A_634 : f32 to vector<16xf32>
      %neg3A_636 = arith.subf %neg3A_635, %gather3A_633 : vector<16xf32>
      %exp3A_637 = math.exp %neg3A_636 : vector<16xf32>
      %add3A_638 = arith.constant 1.000000e+00 : f32
      %add3A_639 = vector.broadcast %add3A_638 : f32 to vector<16xf32>
      %add3A_640 = arith.addf %add3A_639, %exp3A_637 : vector<16xf32>
      %div3A_641 = arith.constant 1.000000e+00 : f32
      %div3A_642 = vector.broadcast %div3A_641 : f32 to vector<16xf32>
      %div3A_643 = arith.divf %div3A_642, %add3A_640 : vector<16xf32>
      %mul3A_644 = arith.mulf %div3A_643, %div3A_643 : vector<16xf32>
      %add3A_645 = arith.addf %add3A_626, %mul3A_644 : vector<16xf32>
      %add3A_646 = arith.constant 10 : i32
      %add3A_647 = vector.broadcast %add3A_646 : i32 to vector<16xi32>
      %add3A_648 = arith.addi %add3A_126, %add3A_647 : vector<16xi32>
      %add3A_649 = arith.constant 14 : i32
      %add3A_650 = vector.broadcast %add3A_649 : i32 to vector<16xi32>
      %add3A_651 = arith.addi %add3A_648, %add3A_650 : vector<16xi32>
      %gather3A_652 = tpu.vector_load_idx %arg5[%add3A_651] : memref<11760xf32, #tpu.memory_space<vmem>>[vector<16xi32>], vector<16xf32>,
      %neg3A_653 = arith.constant 0.000000e+00 : f32
      %neg3A_654 = vector.broadcast %neg3A_653 : f32 to vector<16xf32>
      %neg3A_655 = arith.subf %neg3A_654, %gather3A_652 : vector<16xf32>
      %exp3A_656 = math.exp %neg3A_655 : vector<16xf32>
      %add3A_657 = arith.constant 1.000000e+00 : f32
      %add3A_658 = vector.broadcast %add3A_657 : f32 to vector<16xf32>
      %add3A_659 = arith.addf %add3A_658, %exp3A_656 : vector<16xf32>
      %div3A_660 = arith.constant 1.000000e+00 : f32
      %div3A_661 = vector.broadcast %div3A_660 : f32 to vector<16xf32>
      %div3A_662 = arith.divf %div3A_661, %add3A_659 : vector<16xf32>
      %mul3A_663 = arith.mulf %div3A_662, %div3A_662 : vector<16xf32>
      %add3A_664 = arith.addf %add3A_645, %mul3A_663 : vector<16xf32>
      %add3A_665 = arith.constant 10 : i32
      %add3A_666 = vector.broadcast %add3A_665 : i32 to vector<16xi32>
      %add3A_667 = arith.addi %add3A_126, %add3A_666 : vector<16xi32>
      %add3A_668 = arith.constant 15 : i32
      %add3A_669 = vector.broadcast %add3A_668 : i32 to vector<16xi32>
      %add3A_670 = arith.addi %add3A_667, %add3A_669 : vector<16xi32>
      %gather3A_671 = tpu.vector_load_idx %arg5[%add3A_670] : memref<11760xf32, #tpu.memory_space<vmem>>[vector<16xi32>], vector<16xf32>,
      %neg3A_672 = arith.constant 0.000000e+00 : f32
      %neg3A_673 = vector.broadcast %neg3A_672 : f32 to vector<16xf32>
      %neg3A_674 = arith.subf %neg3A_673, %gather3A_671 : vector<16xf32>
      %exp3A_675 = math.exp %neg3A_674 : vector<16xf32>
      %add3A_676 = arith.constant 1.000000e+00 : f32
      %add3A_677 = vector.broadcast %add3A_676 : f32 to vector<16xf32>
      %add3A_678 = arith.addf %add3A_677, %exp3A_675 : vector<16xf32>
      %div3A_679 = arith.constant 1.000000e+00 : f32
      %div3A_680 = vector.broadcast %div3A_679 : f32 to vector<16xf32>
      %div3A_681 = arith.divf %div3A_680, %add3A_678 : vector<16xf32>
      %mul3A_682 = arith.mulf %div3A_681, %div3A_681 : vector<16xf32>
      %add3A_683 = arith.addf %add3A_664, %mul3A_682 : vector<16xf32>
      %add3A_684 = arith.constant 10 : i32
      %add3A_685 = vector.broadcast %add3A_684 : i32 to vector<16xi32>
      %add3A_686 = arith.addi %add3A_126, %add3A_685 : vector<16xi32>
      %add3A_687 = arith.constant 16 : i32
      %add3A_688 = vector.broadcast %add3A_687 : i32 to vector<16xi32>
      %add3A_689 = arith.addi %add3A_686, %add3A_688 : vector<16xi32>
      %gather3A_690 = tpu.vector_load_idx %arg5[%add3A_689] : memref<11760xf32, #tpu.memory_space<vmem>>[vector<16xi32>], vector<16xf32>,
      %neg3A_691 = arith.constant 0.000000e+00 : f32
      %neg3A_692 = vector.broadcast %neg3A_691 : f32 to vector<16xf32>
      %neg3A_693 = arith.subf %neg3A_692, %gather3A_690 : vector<16xf32>
      %exp3A_694 = math.exp %neg3A_693 : vector<16xf32>
      %add3A_695 = arith.constant 1.000000e+00 : f32
      %add3A_696 = vector.broadcast %add3A_695 : f32 to vector<16xf32>
      %add3A_697 = arith.addf %add3A_696, %exp3A_694 : vector<16xf32>
      %div3A_698 = arith.constant 1.000000e+00 : f32
      %div3A_699 = vector.broadcast %div3A_698 : f32 to vector<16xf32>
      %div3A_700 = arith.divf %div3A_699, %add3A_697 : vector<16xf32>
      %mul3A_701 = arith.mulf %div3A_700, %div3A_700 : vector<16xf32>
      %add3A_702 = arith.addf %add3A_683, %mul3A_701 : vector<16xf32>
      %add3A_703 = arith.constant 10 : i32
      %add3A_704 = vector.broadcast %add3A_703 : i32 to vector<16xi32>
      %add3A_705 = arith.addi %add3A_126, %add3A_704 : vector<16xi32>
      %add3A_706 = arith.constant 17 : i32
      %add3A_707 = vector.broadcast %add3A_706 : i32 to vector<16xi32>
      %add3A_708 = arith.addi %add3A_705, %add3A_707 : vector<16xi32>
      %gather3A_709 = tpu.vector_load_idx %arg5[%add3A_708] : memref<11760xf32, #tpu.memory_space<vmem>>[vector<16xi32>], vector<16xf32>,
      %neg3A_710 = arith.constant 0.000000e+00 : f32
      %neg3A_711 = vector.broadcast %neg3A_710 : f32 to vector<16xf32>
      %neg3A_712 = arith.subf %neg3A_711, %gather3A_709 : vector<16xf32>
      %exp3A_713 = math.exp %neg3A_712 : vector<16xf32>
      %add3A_714 = arith.constant 1.000000e+00 : f32
      %add3A_715 = vector.broadcast %add3A_714 : f32 to vector<16xf32>
      %add3A_716 = arith.addf %add3A_715, %exp3A_713 : vector<16xf32>
      %div3A_717 = arith.constant 1.000000e+00 : f32
      %div3A_718 = vector.broadcast %div3A_717 : f32 to vector<16xf32>
      %div3A_719 = arith.divf %div3A_718, %add3A_716 : vector<16xf32>
      %mul3A_720 = arith.mulf %div3A_719, %div3A_719 : vector<16xf32>
      %add3A_721 = arith.addf %add3A_702, %mul3A_720 : vector<16xf32>
      %add3A_722 = arith.constant 10 : i32
      %add3A_723 = vector.broadcast %add3A_722 : i32 to vector<16xi32>
      %add3A_724 = arith.addi %add3A_126, %add3A_723 : vector<16xi32>
      %add3A_725 = arith.constant 18 : i32
      %add3A_726 = vector.broadcast %add3A_725 : i32 to vector<16xi32>
      %add3A_727 = arith.addi %add3A_724, %add3A_726 : vector<16xi32>
      %gather3A_728 = tpu.vector_load_idx %arg5[%add3A_727] : memref<11760xf32, #tpu.memory_space<vmem>>[vector<16xi32>], vector<16xf32>,
      %neg3A_729 = arith.constant 0.000000e+00 : f32
      %neg3A_730 = vector.broadcast %neg3A_729 : f32 to vector<16xf32>
      %neg3A_731 = arith.subf %neg3A_730, %gather3A_728 : vector<16xf32>
      %exp3A_732 = math.exp %neg3A_731 : vector<16xf32>
      %add3A_733 = arith.constant 1.000000e+00 : f32
      %add3A_734 = vector.broadcast %add3A_733 : f32 to vector<16xf32>
      %add3A_735 = arith.addf %add3A_734, %exp3A_732 : vector<16xf32>
      %div3A_736 = arith.constant 1.000000e+00 : f32
      %div3A_737 = vector.broadcast %div3A_736 : f32 to vector<16xf32>
      %div3A_738 = arith.divf %div3A_737, %add3A_735 : vector<16xf32>
      %mul3A_739 = arith.mulf %div3A_738, %div3A_738 : vector<16xf32>
      %add3A_740 = arith.addf %add3A_721, %mul3A_739 : vector<16xf32>
      %add3A_741 = arith.constant 10 : i32
      %add3A_742 = vector.broadcast %add3A_741 : i32 to vector<16xi32>
      %add3A_743 = arith.addi %add3A_126, %add3A_742 : vector<16xi32>
      %add3A_744 = arith.constant 19 : i32
      %add3A_745 = vector.broadcast %add3A_744 : i32 to vector<16xi32>
      %add3A_746 = arith.addi %add3A_743, %add3A_745 : vector<16xi32>
      %gather3A_747 = tpu.vector_load_idx %arg5[%add3A_746] : memref<11760xf32, #tpu.memory_space<vmem>>[vector<16xi32>], vector<16xf32>,
      %neg3A_748 = arith.constant 0.000000e+00 : f32
      %neg3A_749 = vector.broadcast %neg3A_748 : f32 to vector<16xf32>
      %neg3A_750 = arith.subf %neg3A_749, %gather3A_747 : vector<16xf32>
      %exp3A_751 = math.exp %neg3A_750 : vector<16xf32>
      %add3A_752 = arith.constant 1.000000e+00 : f32
      %add3A_753 = vector.broadcast %add3A_752 : f32 to vector<16xf32>
      %add3A_754 = arith.addf %add3A_753, %exp3A_751 : vector<16xf32>
      %div3A_755 = arith.constant 1.000000e+00 : f32
      %div3A_756 = vector.broadcast %div3A_755 : f32 to vector<16xf32>
      %div3A_757 = arith.divf %div3A_756, %add3A_754 : vector<16xf32>
      %mul3A_758 = arith.mulf %div3A_757, %div3A_757 : vector<16xf32>
      %add3A_759 = arith.addf %add3A_740, %mul3A_758 : vector<16xf32>
      %swap3A_760 = arith.constant 0 : index
      %swap3A_761 = tpu.vector_load %arg7[%swap3A_760] {strides = array<i32>} : memref<128xf32, #tpu.memory_space<vmem>>, vector<16xf32>,
      tpu.vector_store %arg7[%swap3A_760], %gather3A {strides = array<i32>} : memref<128xf32, #tpu.memory_space<vmem>>, vector<16xf32>,
      %swap3A_762 = arith.constant 32 : index
      %swap3A_763 = tpu.vector_load %arg7[%swap3A_762] {strides = array<i32>} : memref<128xf32, #tpu.memory_space<vmem>>, vector<16xf32>,
      tpu.vector_store %arg7[%swap3A_762], %gather3A_47 {strides = array<i32>} : memref<128xf32, #tpu.memory_space<vmem>>, vector<16xf32>,
      %swap3A_764 = arith.constant 64 : index
      %swap3A_765 = tpu.vector_load %arg7[%swap3A_764] {strides = array<i32>} : memref<128xf32, #tpu.memory_space<vmem>>, vector<16xf32>,
      tpu.vector_store %arg7[%swap3A_764], %gather3A_51 {strides = array<i32>} : memref<128xf32, #tpu.memory_space<vmem>>, vector<16xf32>,
      %swap3A_766 = arith.constant 96 : index
      %swap3A_767 = tpu.vector_load %arg7[%swap3A_766] {strides = array<i32>} : memref<128xf32, #tpu.memory_space<vmem>>, vector<16xf32>,
      tpu.vector_store %arg7[%swap3A_766], %gather3A_55 {strides = array<i32>} : memref<128xf32, #tpu.memory_space<vmem>>, vector<16xf32>,
      %swap3A_768 = arith.constant 0 : index
      %swap3A_769 = tpu.vector_load %arg8[%swap3A_768] {strides = array<i32>} : memref<64xi32, #tpu.memory_space<vmem>>, vector<16xi32>,
      tpu.vector_store %arg8[%swap3A_768], %add3A_343 {strides = array<i32>} : memref<64xi32, #tpu.memory_space<vmem>>, vector<16xi32>,
      %swap3A_770 = arith.constant 32 : index
      %swap3A_771 = tpu.vector_load %arg8[%swap3A_770] {strides = array<i32>} : memref<64xi32, #tpu.memory_space<vmem>>, vector<16xi32>,
      tpu.vector_store %arg8[%swap3A_770], %convert_element_type3A {strides = array<i32>} : memref<64xi32, #tpu.memory_space<vmem>>, vector<16xi32>,
      %add3A_772 = arith.addf %select_n3A_344, %convert_element_type3A_116 : vector<16xf32>
      %add3A_773 = arith.addf %select_n3A_345, %convert_element_type3A_117 : vector<16xf32>
      %sub3A_774 = arith.subf %gather3A, %convert_element_type3A_116 : vector<16xf32>
      %sub3A_775 = arith.subf %gather3A_47, %convert_element_type3A_117 : vector<16xf32>
      %broadcast_in_dim3A_776 = arith.constant -3.000000e+38 : f32
      %broadcast_in_dim3A_777 = vector.broadcast %broadcast_in_dim3A_776 : f32 to vector<16xf32>
      %broadcast_in_dim3A_778 = arith.constant 0 : i32
      %broadcast_in_dim3A_779 = vector.broadcast %broadcast_in_dim3A_778 : i32 to vector<16xi32>
      %gt3A_780 = arith.constant 16 : i32
      %gt3A_781 = arith.cmpi sgt, %reduce_max3A_113, %gt3A_780 : i32
      %broadcast_in_dim3A_782 = arith.constant 0.000000e+00 : f32
      %broadcast_in_dim3A_783 = vector.broadcast %broadcast_in_dim3A_782 : f32 to vector<16xf32>
      %convert_element_type3A_784 = arith.extui %gt3A_781 : i1 to i32
      %cond3A = arith.constant 0 : i32
      %cond3A_785 = arith.cmpi ne, %convert_element_type3A_784, %cond3A : i32
      %cond3A_786 = scf.if %cond3A_785 -> (vector<16xf32>) {
        %convert_element_type3A_805 = arith.fptosi %gather3A_96 : vector<16xf32> to vector<16xi32>
        %convert_element_type3A_806 = arith.fptosi %gather3A_80 : vector<16xf32> to vector<16xi32>
        %convert_element_type3A_807 = arith.fptosi %gather3A_84 : vector<16xf32> to vector<16xi32>
        %convert_element_type3A_808 = arith.sitofp %convert_element_type3A_806 : vector<16xi32> to vector<16xf32>
        %convert_element_type3A_809 = arith.sitofp %convert_element_type3A_807 : vector<16xi32> to vector<16xf32>
        %mul3A_810 = arith.constant 7 : i32
        %mul3A_811 = vector.broadcast %mul3A_810 : i32 to vector<16xi32>
        %mul3A_812 = arith.muli %convert_element_type3A_807, %mul3A_811 : vector<16xi32>
        %add3A_813 = arith.addi %mul3A_812, %convert_element_type3A_806 : vector<16xi32>
        %mul3A_814 = arith.constant 30 : i32
        %mul3A_815 = vector.broadcast %mul3A_814 : i32 to vector<16xi32>
        %mul3A_816 = arith.muli %add3A_813, %mul3A_815 : vector<16xi32>
        %add3A_817 = vector.broadcast %mul3A_29 : i32 to vector<16xi32>
        %add3A_818 = arith.addi %add3A_817, %mul3A_816 : vector<16xi32>
        %gather3A_819 = tpu.vector_load_idx %arg5[%add3A_818] : memref<11760xf32, #tpu.memory_space<vmem>>[vector<16xi32>], vector<16xf32>,
        %neg3A_820 = arith.constant 0.000000e+00 : f32
        %neg3A_821 = vector.broadcast %neg3A_820 : f32 to vector<16xf32>
        %neg3A_822 = arith.subf %neg3A_821, %gather3A_819 : vector<16xf32>
        %exp3A_823 = math.exp %neg3A_822 : vector<16xf32>
        %add3A_824 = arith.constant 1.000000e+00 : f32
        %add3A_825 = vector.broadcast %add3A_824 : f32 to vector<16xf32>
        %add3A_826 = arith.addf %add3A_825, %exp3A_823 : vector<16xf32>
        %div3A_827 = arith.constant 1.000000e+00 : f32
        %div3A_828 = vector.broadcast %div3A_827 : f32 to vector<16xf32>
        %div3A_829 = arith.divf %div3A_828, %add3A_826 : vector<16xf32>
        %add3A_830 = arith.constant 1 : i32
        %add3A_831 = vector.broadcast %add3A_830 : i32 to vector<16xi32>
        %add3A_832 = arith.addi %add3A_818, %add3A_831 : vector<16xi32>
        %gather3A_833 = tpu.vector_load_idx %arg5[%add3A_832] : memref<11760xf32, #tpu.memory_space<vmem>>[vector<16xi32>], vector<16xf32>,
        %neg3A_834 = arith.constant 0.000000e+00 : f32
        %neg3A_835 = vector.broadcast %neg3A_834 : f32 to vector<16xf32>
        %neg3A_836 = arith.subf %neg3A_835, %gather3A_833 : vector<16xf32>
        %exp3A_837 = math.exp %neg3A_836 : vector<16xf32>
        %add3A_838 = arith.constant 1.000000e+00 : f32
        %add3A_839 = vector.broadcast %add3A_838 : f32 to vector<16xf32>
        %add3A_840 = arith.addf %add3A_839, %exp3A_837 : vector<16xf32>
        %div3A_841 = arith.constant 1.000000e+00 : f32
        %div3A_842 = vector.broadcast %div3A_841 : f32 to vector<16xf32>
        %div3A_843 = arith.divf %div3A_842, %add3A_840 : vector<16xf32>
        %add3A_844 = arith.constant 2 : i32
        %add3A_845 = vector.broadcast %add3A_844 : i32 to vector<16xi32>
        %add3A_846 = arith.addi %add3A_818, %add3A_845 : vector<16xi32>
        %gather3A_847 = tpu.vector_load_idx %arg5[%add3A_846] : memref<11760xf32, #tpu.memory_space<vmem>>[vector<16xi32>], vector<16xf32>,
        %neg3A_848 = arith.constant 0.000000e+00 : f32
        %neg3A_849 = vector.broadcast %neg3A_848 : f32 to vector<16xf32>
        %neg3A_850 = arith.subf %neg3A_849, %gather3A_847 : vector<16xf32>
        %exp3A_851 = math.exp %neg3A_850 : vector<16xf32>
        %add3A_852 = arith.constant 1.000000e+00 : f32
        %add3A_853 = vector.broadcast %add3A_852 : f32 to vector<16xf32>
        %add3A_854 = arith.addf %add3A_853, %exp3A_851 : vector<16xf32>
        %div3A_855 = arith.constant 1.000000e+00 : f32
        %div3A_856 = vector.broadcast %div3A_855 : f32 to vector<16xf32>
        %div3A_857 = arith.divf %div3A_856, %add3A_854 : vector<16xf32>
        %add3A_858 = arith.constant 3 : i32
        %add3A_859 = vector.broadcast %add3A_858 : i32 to vector<16xi32>
        %add3A_860 = arith.addi %add3A_818, %add3A_859 : vector<16xi32>
        %gather3A_861 = tpu.vector_load_idx %arg5[%add3A_860] : memref<11760xf32, #tpu.memory_space<vmem>>[vector<16xi32>], vector<16xf32>,
        %neg3A_862 = arith.constant 0.000000e+00 : f32
        %neg3A_863 = vector.broadcast %neg3A_862 : f32 to vector<16xf32>
        %neg3A_864 = arith.subf %neg3A_863, %gather3A_861 : vector<16xf32>
        %exp3A_865 = math.exp %neg3A_864 : vector<16xf32>
        %add3A_866 = arith.constant 1.000000e+00 : f32
        %add3A_867 = vector.broadcast %add3A_866 : f32 to vector<16xf32>
        %add3A_868 = arith.addf %add3A_867, %exp3A_865 : vector<16xf32>
        %div3A_869 = arith.constant 1.000000e+00 : f32
        %div3A_870 = vector.broadcast %div3A_869 : f32 to vector<16xf32>
        %div3A_871 = arith.divf %div3A_870, %add3A_868 : vector<16xf32>
        %add3A_872 = arith.constant 4 : i32
        %add3A_873 = vector.broadcast %add3A_872 : i32 to vector<16xi32>
        %add3A_874 = arith.addi %add3A_818, %add3A_873 : vector<16xi32>
        %gather3A_875 = tpu.vector_load_idx %arg5[%add3A_874] : memref<11760xf32, #tpu.memory_space<vmem>>[vector<16xi32>], vector<16xf32>,
        %neg3A_876 = arith.constant 0.000000e+00 : f32
        %neg3A_877 = vector.broadcast %neg3A_876 : f32 to vector<16xf32>
        %neg3A_878 = arith.subf %neg3A_877, %gather3A_875 : vector<16xf32>
        %exp3A_879 = math.exp %neg3A_878 : vector<16xf32>
        %add3A_880 = arith.constant 1.000000e+00 : f32
        %add3A_881 = vector.broadcast %add3A_880 : f32 to vector<16xf32>
        %add3A_882 = arith.addf %add3A_881, %exp3A_879 : vector<16xf32>
        %div3A_883 = arith.constant 1.000000e+00 : f32
        %div3A_884 = vector.broadcast %div3A_883 : f32 to vector<16xf32>
        %div3A_885 = arith.divf %div3A_884, %add3A_882 : vector<16xf32>
        %add3A_886 = arith.constant 5 : i32
        %add3A_887 = vector.broadcast %add3A_886 : i32 to vector<16xi32>
        %add3A_888 = arith.addi %add3A_818, %add3A_887 : vector<16xi32>
        %gather3A_889 = tpu.vector_load_idx %arg5[%add3A_888] : memref<11760xf32, #tpu.memory_space<vmem>>[vector<16xi32>], vector<16xf32>,
        %neg3A_890 = arith.constant 0.000000e+00 : f32
        %neg3A_891 = vector.broadcast %neg3A_890 : f32 to vector<16xf32>
        %neg3A_892 = arith.subf %neg3A_891, %gather3A_889 : vector<16xf32>
        %exp3A_893 = math.exp %neg3A_892 : vector<16xf32>
        %add3A_894 = arith.constant 1.000000e+00 : f32
        %add3A_895 = vector.broadcast %add3A_894 : f32 to vector<16xf32>
        %add3A_896 = arith.addf %add3A_895, %exp3A_893 : vector<16xf32>
        %div3A_897 = arith.constant 1.000000e+00 : f32
        %div3A_898 = vector.broadcast %div3A_897 : f32 to vector<16xf32>
        %div3A_899 = arith.divf %div3A_898, %add3A_896 : vector<16xf32>
        %add3A_900 = arith.constant 6 : i32
        %add3A_901 = vector.broadcast %add3A_900 : i32 to vector<16xi32>
        %add3A_902 = arith.addi %add3A_818, %add3A_901 : vector<16xi32>
        %gather3A_903 = tpu.vector_load_idx %arg5[%add3A_902] : memref<11760xf32, #tpu.memory_space<vmem>>[vector<16xi32>], vector<16xf32>,
        %neg3A_904 = arith.constant 0.000000e+00 : f32
        %neg3A_905 = vector.broadcast %neg3A_904 : f32 to vector<16xf32>
        %neg3A_906 = arith.subf %neg3A_905, %gather3A_903 : vector<16xf32>
        %exp3A_907 = math.exp %neg3A_906 : vector<16xf32>
        %add3A_908 = arith.constant 1.000000e+00 : f32
        %add3A_909 = vector.broadcast %add3A_908 : f32 to vector<16xf32>
        %add3A_910 = arith.addf %add3A_909, %exp3A_907 : vector<16xf32>
        %div3A_911 = arith.constant 1.000000e+00 : f32
        %div3A_912 = vector.broadcast %div3A_911 : f32 to vector<16xf32>
        %div3A_913 = arith.divf %div3A_912, %add3A_910 : vector<16xf32>
        %add3A_914 = arith.constant 7 : i32
        %add3A_915 = vector.broadcast %add3A_914 : i32 to vector<16xi32>
        %add3A_916 = arith.addi %add3A_818, %add3A_915 : vector<16xi32>
        %gather3A_917 = tpu.vector_load_idx %arg5[%add3A_916] : memref<11760xf32, #tpu.memory_space<vmem>>[vector<16xi32>], vector<16xf32>,
        %neg3A_918 = arith.constant 0.000000e+00 : f32
        %neg3A_919 = vector.broadcast %neg3A_918 : f32 to vector<16xf32>
        %neg3A_920 = arith.subf %neg3A_919, %gather3A_917 : vector<16xf32>
        %exp3A_921 = math.exp %neg3A_920 : vector<16xf32>
        %add3A_922 = arith.constant 1.000000e+00 : f32
        %add3A_923 = vector.broadcast %add3A_922 : f32 to vector<16xf32>
        %add3A_924 = arith.addf %add3A_923, %exp3A_921 : vector<16xf32>
        %div3A_925 = arith.constant 1.000000e+00 : f32
        %div3A_926 = vector.broadcast %div3A_925 : f32 to vector<16xf32>
        %div3A_927 = arith.divf %div3A_926, %add3A_924 : vector<16xf32>
        %add3A_928 = arith.addf %div3A_829, %convert_element_type3A_808 : vector<16xf32>
        %add3A_929 = arith.addf %div3A_843, %convert_element_type3A_809 : vector<16xf32>
        %mul3A_930 = arith.constant 5.000000e-01 : f32
        %mul3A_931 = vector.broadcast %mul3A_930 : f32 to vector<16xf32>
        %mul3A_932 = arith.mulf %div3A_857, %mul3A_931 : vector<16xf32>
        %sub3A_933 = arith.subf %add3A_928, %mul3A_932 : vector<16xf32>
        %mul3A_934 = arith.constant 5.000000e-01 : f32
        %mul3A_935 = vector.broadcast %mul3A_934 : f32 to vector<16xf32>
        %mul3A_936 = arith.mulf %gather3A_88, %mul3A_935 : vector<16xf32>
        %sub3A_937 = arith.subf %gather3A_80, %mul3A_936 : vector<16xf32>
        %max3A_938 = arith.maximumf %sub3A_933, %sub3A_937 : vector<16xf32>
        %mul3A_939 = arith.constant 5.000000e-01 : f32
        %mul3A_940 = vector.broadcast %mul3A_939 : f32 to vector<16xf32>
        %mul3A_941 = arith.mulf %div3A_871, %mul3A_940 : vector<16xf32>
        %sub3A_942 = arith.subf %add3A_929, %mul3A_941 : vector<16xf32>
        %mul3A_943 = arith.constant 5.000000e-01 : f32
        %mul3A_944 = vector.broadcast %mul3A_943 : f32 to vector<16xf32>
        %mul3A_945 = arith.mulf %gather3A_92, %mul3A_944 : vector<16xf32>
        %sub3A_946 = arith.subf %gather3A_84, %mul3A_945 : vector<16xf32>
        %max3A_947 = arith.maximumf %sub3A_942, %sub3A_946 : vector<16xf32>
        %mul3A_948 = arith.constant 5.000000e-01 : f32
        %mul3A_949 = vector.broadcast %mul3A_948 : f32 to vector<16xf32>
        %mul3A_950 = arith.mulf %div3A_857, %mul3A_949 : vector<16xf32>
        %add3A_951 = arith.addf %add3A_928, %mul3A_950 : vector<16xf32>
        %mul3A_952 = arith.constant 5.000000e-01 : f32
        %mul3A_953 = vector.broadcast %mul3A_952 : f32 to vector<16xf32>
        %mul3A_954 = arith.mulf %gather3A_88, %mul3A_953 : vector<16xf32>
        %add3A_955 = arith.addf %gather3A_80, %mul3A_954 : vector<16xf32>
        %min3A_956 = arith.minimumf %add3A_951, %add3A_955 : vector<16xf32>
        %mul3A_957 = arith.constant 5.000000e-01 : f32
        %mul3A_958 = vector.broadcast %mul3A_957 : f32 to vector<16xf32>
        %mul3A_959 = arith.mulf %div3A_871, %mul3A_958 : vector<16xf32>
        %add3A_960 = arith.addf %add3A_929, %mul3A_959 : vector<16xf32>
        %mul3A_961 = arith.constant 5.000000e-01 : f32
        %mul3A_962 = vector.broadcast %mul3A_961 : f32 to vector<16xf32>
        %mul3A_963 = arith.mulf %gather3A_92, %mul3A_962 : vector<16xf32>
        %add3A_964 = arith.addf %gather3A_84, %mul3A_963 : vector<16xf32>
        %min3A_965 = arith.minimumf %add3A_960, %add3A_964 : vector<16xf32>
        %sub3A_966 = arith.subf %min3A_956, %max3A_938 : vector<16xf32>
        %max3A_967 = arith.constant 0.000000e+00 : f32
        %max3A_968 = vector.broadcast %max3A_967 : f32 to vector<16xf32>
        %max3A_969 = arith.maximumf %sub3A_966, %max3A_968 : vector<16xf32>
        %sub3A_970 = arith.subf %min3A_965, %max3A_947 : vector<16xf32>
        %max3A_971 = arith.constant 0.000000e+00 : f32
        %max3A_972 = vector.broadcast %max3A_971 : f32 to vector<16xf32>
        %max3A_973 = arith.maximumf %sub3A_970, %max3A_972 : vector<16xf32>
        %mul3A_974 = arith.mulf %max3A_969, %max3A_973 : vector<16xf32>
        %mul3A_975 = arith.mulf %div3A_857, %div3A_871 : vector<16xf32>
        %mul3A_976 = arith.mulf %gather3A_88, %gather3A_92 : vector<16xf32>
        %add3A_977 = arith.addf %mul3A_975, %mul3A_976 : vector<16xf32>
        %sub3A_978 = arith.subf %add3A_977, %mul3A_974 : vector<16xf32>
        %div3A_979 = arith.divf %mul3A_974, %sub3A_978 : vector<16xf32>
        %add3A_980 = arith.addf %div3A_885, %convert_element_type3A_808 : vector<16xf32>
        %add3A_981 = arith.addf %div3A_899, %convert_element_type3A_809 : vector<16xf32>
        %mul3A_982 = arith.constant 5.000000e-01 : f32
        %mul3A_983 = vector.broadcast %mul3A_982 : f32 to vector<16xf32>
        %mul3A_984 = arith.mulf %div3A_913, %mul3A_983 : vector<16xf32>
        %sub3A_985 = arith.subf %add3A_980, %mul3A_984 : vector<16xf32>
        %mul3A_986 = arith.constant 5.000000e-01 : f32
        %mul3A_987 = vector.broadcast %mul3A_986 : f32 to vector<16xf32>
        %mul3A_988 = arith.mulf %gather3A_88, %mul3A_987 : vector<16xf32>
        %sub3A_989 = arith.subf %gather3A_80, %mul3A_988 : vector<16xf32>
        %max3A_990 = arith.maximumf %sub3A_985, %sub3A_989 : vector<16xf32>
        %mul3A_991 = arith.constant 5.000000e-01 : f32
        %mul3A_992 = vector.broadcast %mul3A_991 : f32 to vector<16xf32>
        %mul3A_993 = arith.mulf %div3A_927, %mul3A_992 : vector<16xf32>
        %sub3A_994 = arith.subf %add3A_981, %mul3A_993 : vector<16xf32>
        %mul3A_995 = arith.constant 5.000000e-01 : f32
        %mul3A_996 = vector.broadcast %mul3A_995 : f32 to vector<16xf32>
        %mul3A_997 = arith.mulf %gather3A_92, %mul3A_996 : vector<16xf32>
        %sub3A_998 = arith.subf %gather3A_84, %mul3A_997 : vector<16xf32>
        %max3A_999 = arith.maximumf %sub3A_994, %sub3A_998 : vector<16xf32>
        %mul3A_1000 = arith.constant 5.000000e-01 : f32
        %mul3A_1001 = vector.broadcast %mul3A_1000 : f32 to vector<16xf32>
        %mul3A_1002 = arith.mulf %div3A_913, %mul3A_1001 : vector<16xf32>
        %add3A_1003 = arith.addf %add3A_980, %mul3A_1002 : vector<16xf32>
        %mul3A_1004 = arith.constant 5.000000e-01 : f32
        %mul3A_1005 = vector.broadcast %mul3A_1004 : f32 to vector<16xf32>
        %mul3A_1006 = arith.mulf %gather3A_88, %mul3A_1005 : vector<16xf32>
        %add3A_1007 = arith.addf %gather3A_80, %mul3A_1006 : vector<16xf32>
        %min3A_1008 = arith.minimumf %add3A_1003, %add3A_1007 : vector<16xf32>
        %mul3A_1009 = arith.constant 5.000000e-01 : f32
        %mul3A_1010 = vector.broadcast %mul3A_1009 : f32 to vector<16xf32>
        %mul3A_1011 = arith.mulf %div3A_927, %mul3A_1010 : vector<16xf32>
        %add3A_1012 = arith.addf %add3A_981, %mul3A_1011 : vector<16xf32>
        %mul3A_1013 = arith.constant 5.000000e-01 : f32
        %mul3A_1014 = vector.broadcast %mul3A_1013 : f32 to vector<16xf32>
        %mul3A_1015 = arith.mulf %gather3A_92, %mul3A_1014 : vector<16xf32>
        %add3A_1016 = arith.addf %gather3A_84, %mul3A_1015 : vector<16xf32>
        %min3A_1017 = arith.minimumf %add3A_1012, %add3A_1016 : vector<16xf32>
        %sub3A_1018 = arith.subf %min3A_1008, %max3A_990 : vector<16xf32>
        %max3A_1019 = arith.constant 0.000000e+00 : f32
        %max3A_1020 = vector.broadcast %max3A_1019 : f32 to vector<16xf32>
        %max3A_1021 = arith.maximumf %sub3A_1018, %max3A_1020 : vector<16xf32>
        %sub3A_1022 = arith.subf %min3A_1017, %max3A_999 : vector<16xf32>
        %max3A_1023 = arith.constant 0.000000e+00 : f32
        %max3A_1024 = vector.broadcast %max3A_1023 : f32 to vector<16xf32>
        %max3A_1025 = arith.maximumf %sub3A_1022, %max3A_1024 : vector<16xf32>
        %mul3A_1026 = arith.mulf %max3A_1021, %max3A_1025 : vector<16xf32>
        %mul3A_1027 = arith.mulf %div3A_913, %div3A_927 : vector<16xf32>
        %mul3A_1028 = arith.mulf %gather3A_88, %gather3A_92 : vector<16xf32>
        %add3A_1029 = arith.addf %mul3A_1027, %mul3A_1028 : vector<16xf32>
        %sub3A_1030 = arith.subf %add3A_1029, %mul3A_1026 : vector<16xf32>
        %div3A_1031 = arith.divf %mul3A_1026, %sub3A_1030 : vector<16xf32>
        %gt3A_1032 = arith.cmpf ogt, %div3A_1031, %div3A_979 : vector<16xf32>
        %jit3A_1033 = arith.constant 1 : i32
        %jit3A_1034 = arith.constant 0 : i32
        %broadcast_in_dim3A_1035 = vector.broadcast %jit3A_1033 : i32 to vector<16xi32>
        %broadcast_in_dim3A_1036 = vector.broadcast %jit3A_1034 : i32 to vector<16xi32>
        %select_n3A_1037 = arith.select %gt3A_1032, %broadcast_in_dim3A_1035, %broadcast_in_dim3A_1036 : vector<16xi1>, vector<16xi32>
        %mul3A_1038 = arith.constant 2 : i32
        %mul3A_1039 = vector.broadcast %mul3A_1038 : i32 to vector<16xi32>
        %mul3A_1040 = arith.muli %add3A_813, %mul3A_1039 : vector<16xi32>
        %add3A_1041 = arith.addi %mul3A_1040, %select_n3A_1037 : vector<16xi32>
        %select_n3A_1042 = arith.select %gt3A_1032, %div3A_885, %div3A_829 : vector<16xi1>, vector<16xf32>
        %select_n3A_1043 = arith.select %gt3A_1032, %div3A_899, %div3A_843 : vector<16xi1>, vector<16xf32>
        %select_n3A_1044 = arith.select %gt3A_1032, %div3A_913, %div3A_857 : vector<16xi1>, vector<16xf32>
        %select_n3A_1045 = arith.select %gt3A_1032, %div3A_927, %div3A_871 : vector<16xi1>, vector<16xf32>
        %add3A_1046 = arith.constant 8 : i32
        %add3A_1047 = vector.broadcast %add3A_1046 : i32 to vector<16xi32>
        %add3A_1048 = arith.addi %add3A_818, %add3A_1047 : vector<16xi32>
        %add3A_1049 = arith.addi %add3A_1048, %select_n3A_1037 : vector<16xi32>
        %gather3A_1050 = tpu.vector_load_idx %arg5[%add3A_1049] : memref<11760xf32, #tpu.memory_space<vmem>>[vector<16xi32>], vector<16xf32>,
        %neg3A_1051 = arith.constant 0.000000e+00 : f32
        %neg3A_1052 = vector.broadcast %neg3A_1051 : f32 to vector<16xf32>
        %neg3A_1053 = arith.subf %neg3A_1052, %gather3A_1050 : vector<16xf32>
        %exp3A_1054 = math.exp %neg3A_1053 : vector<16xf32>
        %add3A_1055 = arith.constant 1.000000e+00 : f32
        %add3A_1056 = vector.broadcast %add3A_1055 : f32 to vector<16xf32>
        %add3A_1057 = arith.addf %add3A_1056, %exp3A_1054 : vector<16xf32>
        %div3A_1058 = arith.constant 1.000000e+00 : f32
        %div3A_1059 = vector.broadcast %div3A_1058 : f32 to vector<16xf32>
        %div3A_1060 = arith.divf %div3A_1059, %add3A_1057 : vector<16xf32>
        %add3A_1061 = arith.constant 10 : i32
        %add3A_1062 = vector.broadcast %add3A_1061 : i32 to vector<16xi32>
        %add3A_1063 = arith.addi %add3A_818, %add3A_1062 : vector<16xi32>
        %add3A_1064 = arith.addi %add3A_1063, %convert_element_type3A_805 : vector<16xi32>
        %gather3A_1065 = tpu.vector_load_idx %arg5[%add3A_1064] : memref<11760xf32, #tpu.memory_space<vmem>>[vector<16xi32>], vector<16xf32>,
        %neg3A_1066 = arith.constant 0.000000e+00 : f32
        %neg3A_1067 = vector.broadcast %neg3A_1066 : f32 to vector<16xf32>
        %neg3A_1068 = arith.subf %neg3A_1067, %gather3A_1065 : vector<16xf32>
        %exp3A_1069 = math.exp %neg3A_1068 : vector<16xf32>
        %add3A_1070 = arith.constant 1.000000e+00 : f32
        %add3A_1071 = vector.broadcast %add3A_1070 : f32 to vector<16xf32>
        %add3A_1072 = arith.addf %add3A_1071, %exp3A_1069 : vector<16xf32>
        %div3A_1073 = arith.constant 1.000000e+00 : f32
        %div3A_1074 = vector.broadcast %div3A_1073 : f32 to vector<16xf32>
        %div3A_1075 = arith.divf %div3A_1074, %add3A_1072 : vector<16xf32>
        %broadcast_in_dim3A_1076 = arith.constant 0.000000e+00 : f32
        %broadcast_in_dim3A_1077 = vector.broadcast %broadcast_in_dim3A_1076 : f32 to vector<16xf32>
        %add3A_1078 = arith.constant 10 : i32
        %add3A_1079 = vector.broadcast %add3A_1078 : i32 to vector<16xi32>
        %add3A_1080 = arith.addi %add3A_818, %add3A_1079 : vector<16xi32>
        %add3A_1081 = arith.constant 0 : i32
        %add3A_1082 = vector.broadcast %add3A_1081 : i32 to vector<16xi32>
        %add3A_1083 = arith.addi %add3A_1080, %add3A_1082 : vector<16xi32>
        %gather3A_1084 = tpu.vector_load_idx %arg5[%add3A_1083] : memref<11760xf32, #tpu.memory_space<vmem>>[vector<16xi32>], vector<16xf32>,
        %neg3A_1085 = arith.constant 0.000000e+00 : f32
        %neg3A_1086 = vector.broadcast %neg3A_1085 : f32 to vector<16xf32>
        %neg3A_1087 = arith.subf %neg3A_1086, %gather3A_1084 : vector<16xf32>
        %exp3A_1088 = math.exp %neg3A_1087 : vector<16xf32>
        %add3A_1089 = arith.constant 1.000000e+00 : f32
        %add3A_1090 = vector.broadcast %add3A_1089 : f32 to vector<16xf32>
        %add3A_1091 = arith.addf %add3A_1090, %exp3A_1088 : vector<16xf32>
        %div3A_1092 = arith.constant 1.000000e+00 : f32
        %div3A_1093 = vector.broadcast %div3A_1092 : f32 to vector<16xf32>
        %div3A_1094 = arith.divf %div3A_1093, %add3A_1091 : vector<16xf32>
        %mul3A_1095 = arith.mulf %div3A_1094, %div3A_1094 : vector<16xf32>
        %add3A_1096 = arith.addf %broadcast_in_dim3A_1077, %mul3A_1095 : vector<16xf32>
        %add3A_1097 = arith.constant 10 : i32
        %add3A_1098 = vector.broadcast %add3A_1097 : i32 to vector<16xi32>
        %add3A_1099 = arith.addi %add3A_818, %add3A_1098 : vector<16xi32>
        %add3A_1100 = arith.constant 1 : i32
        %add3A_1101 = vector.broadcast %add3A_1100 : i32 to vector<16xi32>
        %add3A_1102 = arith.addi %add3A_1099, %add3A_1101 : vector<16xi32>
        %gather3A_1103 = tpu.vector_load_idx %arg5[%add3A_1102] : memref<11760xf32, #tpu.memory_space<vmem>>[vector<16xi32>], vector<16xf32>,
        %neg3A_1104 = arith.constant 0.000000e+00 : f32
        %neg3A_1105 = vector.broadcast %neg3A_1104 : f32 to vector<16xf32>
        %neg3A_1106 = arith.subf %neg3A_1105, %gather3A_1103 : vector<16xf32>
        %exp3A_1107 = math.exp %neg3A_1106 : vector<16xf32>
        %add3A_1108 = arith.constant 1.000000e+00 : f32
        %add3A_1109 = vector.broadcast %add3A_1108 : f32 to vector<16xf32>
        %add3A_1110 = arith.addf %add3A_1109, %exp3A_1107 : vector<16xf32>
        %div3A_1111 = arith.constant 1.000000e+00 : f32
        %div3A_1112 = vector.broadcast %div3A_1111 : f32 to vector<16xf32>
        %div3A_1113 = arith.divf %div3A_1112, %add3A_1110 : vector<16xf32>
        %mul3A_1114 = arith.mulf %div3A_1113, %div3A_1113 : vector<16xf32>
        %add3A_1115 = arith.addf %add3A_1096, %mul3A_1114 : vector<16xf32>
        %add3A_1116 = arith.constant 10 : i32
        %add3A_1117 = vector.broadcast %add3A_1116 : i32 to vector<16xi32>
        %add3A_1118 = arith.addi %add3A_818, %add3A_1117 : vector<16xi32>
        %add3A_1119 = arith.constant 2 : i32
        %add3A_1120 = vector.broadcast %add3A_1119 : i32 to vector<16xi32>
        %add3A_1121 = arith.addi %add3A_1118, %add3A_1120 : vector<16xi32>
        %gather3A_1122 = tpu.vector_load_idx %arg5[%add3A_1121] : memref<11760xf32, #tpu.memory_space<vmem>>[vector<16xi32>], vector<16xf32>,
        %neg3A_1123 = arith.constant 0.000000e+00 : f32
        %neg3A_1124 = vector.broadcast %neg3A_1123 : f32 to vector<16xf32>
        %neg3A_1125 = arith.subf %neg3A_1124, %gather3A_1122 : vector<16xf32>
        %exp3A_1126 = math.exp %neg3A_1125 : vector<16xf32>
        %add3A_1127 = arith.constant 1.000000e+00 : f32
        %add3A_1128 = vector.broadcast %add3A_1127 : f32 to vector<16xf32>
        %add3A_1129 = arith.addf %add3A_1128, %exp3A_1126 : vector<16xf32>
        %div3A_1130 = arith.constant 1.000000e+00 : f32
        %div3A_1131 = vector.broadcast %div3A_1130 : f32 to vector<16xf32>
        %div3A_1132 = arith.divf %div3A_1131, %add3A_1129 : vector<16xf32>
        %mul3A_1133 = arith.mulf %div3A_1132, %div3A_1132 : vector<16xf32>
        %add3A_1134 = arith.addf %add3A_1115, %mul3A_1133 : vector<16xf32>
        %add3A_1135 = arith.constant 10 : i32
        %add3A_1136 = vector.broadcast %add3A_1135 : i32 to vector<16xi32>
        %add3A_1137 = arith.addi %add3A_818, %add3A_1136 : vector<16xi32>
        %add3A_1138 = arith.constant 3 : i32
        %add3A_1139 = vector.broadcast %add3A_1138 : i32 to vector<16xi32>
        %add3A_1140 = arith.addi %add3A_1137, %add3A_1139 : vector<16xi32>
        %gather3A_1141 = tpu.vector_load_idx %arg5[%add3A_1140] : memref<11760xf32, #tpu.memory_space<vmem>>[vector<16xi32>], vector<16xf32>,
        %neg3A_1142 = arith.constant 0.000000e+00 : f32
        %neg3A_1143 = vector.broadcast %neg3A_1142 : f32 to vector<16xf32>
        %neg3A_1144 = arith.subf %neg3A_1143, %gather3A_1141 : vector<16xf32>
        %exp3A_1145 = math.exp %neg3A_1144 : vector<16xf32>
        %add3A_1146 = arith.constant 1.000000e+00 : f32
        %add3A_1147 = vector.broadcast %add3A_1146 : f32 to vector<16xf32>
        %add3A_1148 = arith.addf %add3A_1147, %exp3A_1145 : vector<16xf32>
        %div3A_1149 = arith.constant 1.000000e+00 : f32
        %div3A_1150 = vector.broadcast %div3A_1149 : f32 to vector<16xf32>
        %div3A_1151 = arith.divf %div3A_1150, %add3A_1148 : vector<16xf32>
        %mul3A_1152 = arith.mulf %div3A_1151, %div3A_1151 : vector<16xf32>
        %add3A_1153 = arith.addf %add3A_1134, %mul3A_1152 : vector<16xf32>
        %add3A_1154 = arith.constant 10 : i32
        %add3A_1155 = vector.broadcast %add3A_1154 : i32 to vector<16xi32>
        %add3A_1156 = arith.addi %add3A_818, %add3A_1155 : vector<16xi32>
        %add3A_1157 = arith.constant 4 : i32
        %add3A_1158 = vector.broadcast %add3A_1157 : i32 to vector<16xi32>
        %add3A_1159 = arith.addi %add3A_1156, %add3A_1158 : vector<16xi32>
        %gather3A_1160 = tpu.vector_load_idx %arg5[%add3A_1159] : memref<11760xf32, #tpu.memory_space<vmem>>[vector<16xi32>], vector<16xf32>,
        %neg3A_1161 = arith.constant 0.000000e+00 : f32
        %neg3A_1162 = vector.broadcast %neg3A_1161 : f32 to vector<16xf32>
        %neg3A_1163 = arith.subf %neg3A_1162, %gather3A_1160 : vector<16xf32>
        %exp3A_1164 = math.exp %neg3A_1163 : vector<16xf32>
        %add3A_1165 = arith.constant 1.000000e+00 : f32
        %add3A_1166 = vector.broadcast %add3A_1165 : f32 to vector<16xf32>
        %add3A_1167 = arith.addf %add3A_1166, %exp3A_1164 : vector<16xf32>
        %div3A_1168 = arith.constant 1.000000e+00 : f32
        %div3A_1169 = vector.broadcast %div3A_1168 : f32 to vector<16xf32>
        %div3A_1170 = arith.divf %div3A_1169, %add3A_1167 : vector<16xf32>
        %mul3A_1171 = arith.mulf %div3A_1170, %div3A_1170 : vector<16xf32>
        %add3A_1172 = arith.addf %add3A_1153, %mul3A_1171 : vector<16xf32>
        %add3A_1173 = arith.constant 10 : i32
        %add3A_1174 = vector.broadcast %add3A_1173 : i32 to vector<16xi32>
        %add3A_1175 = arith.addi %add3A_818, %add3A_1174 : vector<16xi32>
        %add3A_1176 = arith.constant 5 : i32
        %add3A_1177 = vector.broadcast %add3A_1176 : i32 to vector<16xi32>
        %add3A_1178 = arith.addi %add3A_1175, %add3A_1177 : vector<16xi32>
        %gather3A_1179 = tpu.vector_load_idx %arg5[%add3A_1178] : memref<11760xf32, #tpu.memory_space<vmem>>[vector<16xi32>], vector<16xf32>,
        %neg3A_1180 = arith.constant 0.000000e+00 : f32
        %neg3A_1181 = vector.broadcast %neg3A_1180 : f32 to vector<16xf32>
        %neg3A_1182 = arith.subf %neg3A_1181, %gather3A_1179 : vector<16xf32>
        %exp3A_1183 = math.exp %neg3A_1182 : vector<16xf32>
        %add3A_1184 = arith.constant 1.000000e+00 : f32
        %add3A_1185 = vector.broadcast %add3A_1184 : f32 to vector<16xf32>
        %add3A_1186 = arith.addf %add3A_1185, %exp3A_1183 : vector<16xf32>
        %div3A_1187 = arith.constant 1.000000e+00 : f32
        %div3A_1188 = vector.broadcast %div3A_1187 : f32 to vector<16xf32>
        %div3A_1189 = arith.divf %div3A_1188, %add3A_1186 : vector<16xf32>
        %mul3A_1190 = arith.mulf %div3A_1189, %div3A_1189 : vector<16xf32>
        %add3A_1191 = arith.addf %add3A_1172, %mul3A_1190 : vector<16xf32>
        %add3A_1192 = arith.constant 10 : i32
        %add3A_1193 = vector.broadcast %add3A_1192 : i32 to vector<16xi32>
        %add3A_1194 = arith.addi %add3A_818, %add3A_1193 : vector<16xi32>
        %add3A_1195 = arith.constant 6 : i32
        %add3A_1196 = vector.broadcast %add3A_1195 : i32 to vector<16xi32>
        %add3A_1197 = arith.addi %add3A_1194, %add3A_1196 : vector<16xi32>
        %gather3A_1198 = tpu.vector_load_idx %arg5[%add3A_1197] : memref<11760xf32, #tpu.memory_space<vmem>>[vector<16xi32>], vector<16xf32>,
        %neg3A_1199 = arith.constant 0.000000e+00 : f32
        %neg3A_1200 = vector.broadcast %neg3A_1199 : f32 to vector<16xf32>
        %neg3A_1201 = arith.subf %neg3A_1200, %gather3A_1198 : vector<16xf32>
        %exp3A_1202 = math.exp %neg3A_1201 : vector<16xf32>
        %add3A_1203 = arith.constant 1.000000e+00 : f32
        %add3A_1204 = vector.broadcast %add3A_1203 : f32 to vector<16xf32>
        %add3A_1205 = arith.addf %add3A_1204, %exp3A_1202 : vector<16xf32>
        %div3A_1206 = arith.constant 1.000000e+00 : f32
        %div3A_1207 = vector.broadcast %div3A_1206 : f32 to vector<16xf32>
        %div3A_1208 = arith.divf %div3A_1207, %add3A_1205 : vector<16xf32>
        %mul3A_1209 = arith.mulf %div3A_1208, %div3A_1208 : vector<16xf32>
        %add3A_1210 = arith.addf %add3A_1191, %mul3A_1209 : vector<16xf32>
        %add3A_1211 = arith.constant 10 : i32
        %add3A_1212 = vector.broadcast %add3A_1211 : i32 to vector<16xi32>
        %add3A_1213 = arith.addi %add3A_818, %add3A_1212 : vector<16xi32>
        %add3A_1214 = arith.constant 7 : i32
        %add3A_1215 = vector.broadcast %add3A_1214 : i32 to vector<16xi32>
        %add3A_1216 = arith.addi %add3A_1213, %add3A_1215 : vector<16xi32>
        %gather3A_1217 = tpu.vector_load_idx %arg5[%add3A_1216] : memref<11760xf32, #tpu.memory_space<vmem>>[vector<16xi32>], vector<16xf32>,
        %neg3A_1218 = arith.constant 0.000000e+00 : f32
        %neg3A_1219 = vector.broadcast %neg3A_1218 : f32 to vector<16xf32>
        %neg3A_1220 = arith.subf %neg3A_1219, %gather3A_1217 : vector<16xf32>
        %exp3A_1221 = math.exp %neg3A_1220 : vector<16xf32>
        %add3A_1222 = arith.constant 1.000000e+00 : f32
        %add3A_1223 = vector.broadcast %add3A_1222 : f32 to vector<16xf32>
        %add3A_1224 = arith.addf %add3A_1223, %exp3A_1221 : vector<16xf32>
        %div3A_1225 = arith.constant 1.000000e+00 : f32
        %div3A_1226 = vector.broadcast %div3A_1225 : f32 to vector<16xf32>
        %div3A_1227 = arith.divf %div3A_1226, %add3A_1224 : vector<16xf32>
        %mul3A_1228 = arith.mulf %div3A_1227, %div3A_1227 : vector<16xf32>
        %add3A_1229 = arith.addf %add3A_1210, %mul3A_1228 : vector<16xf32>
        %add3A_1230 = arith.constant 10 : i32
        %add3A_1231 = vector.broadcast %add3A_1230 : i32 to vector<16xi32>
        %add3A_1232 = arith.addi %add3A_818, %add3A_1231 : vector<16xi32>
        %add3A_1233 = arith.constant 8 : i32
        %add3A_1234 = vector.broadcast %add3A_1233 : i32 to vector<16xi32>
        %add3A_1235 = arith.addi %add3A_1232, %add3A_1234 : vector<16xi32>
        %gather3A_1236 = tpu.vector_load_idx %arg5[%add3A_1235] : memref<11760xf32, #tpu.memory_space<vmem>>[vector<16xi32>], vector<16xf32>,
        %neg3A_1237 = arith.constant 0.000000e+00 : f32
        %neg3A_1238 = vector.broadcast %neg3A_1237 : f32 to vector<16xf32>
        %neg3A_1239 = arith.subf %neg3A_1238, %gather3A_1236 : vector<16xf32>
        %exp3A_1240 = math.exp %neg3A_1239 : vector<16xf32>
        %add3A_1241 = arith.constant 1.000000e+00 : f32
        %add3A_1242 = vector.broadcast %add3A_1241 : f32 to vector<16xf32>
        %add3A_1243 = arith.addf %add3A_1242, %exp3A_1240 : vector<16xf32>
        %div3A_1244 = arith.constant 1.000000e+00 : f32
        %div3A_1245 = vector.broadcast %div3A_1244 : f32 to vector<16xf32>
        %div3A_1246 = arith.divf %div3A_1245, %add3A_1243 : vector<16xf32>
        %mul3A_1247 = arith.mulf %div3A_1246, %div3A_1246 : vector<16xf32>
        %add3A_1248 = arith.addf %add3A_1229, %mul3A_1247 : vector<16xf32>
        %add3A_1249 = arith.constant 10 : i32
        %add3A_1250 = vector.broadcast %add3A_1249 : i32 to vector<16xi32>
        %add3A_1251 = arith.addi %add3A_818, %add3A_1250 : vector<16xi32>
        %add3A_1252 = arith.constant 9 : i32
        %add3A_1253 = vector.broadcast %add3A_1252 : i32 to vector<16xi32>
        %add3A_1254 = arith.addi %add3A_1251, %add3A_1253 : vector<16xi32>
        %gather3A_1255 = tpu.vector_load_idx %arg5[%add3A_1254] : memref<11760xf32, #tpu.memory_space<vmem>>[vector<16xi32>], vector<16xf32>,
        %neg3A_1256 = arith.constant 0.000000e+00 : f32
        %neg3A_1257 = vector.broadcast %neg3A_1256 : f32 to vector<16xf32>
        %neg3A_1258 = arith.subf %neg3A_1257, %gather3A_1255 : vector<16xf32>
        %exp3A_1259 = math.exp %neg3A_1258 : vector<16xf32>
        %add3A_1260 = arith.constant 1.000000e+00 : f32
        %add3A_1261 = vector.broadcast %add3A_1260 : f32 to vector<16xf32>
        %add3A_1262 = arith.addf %add3A_1261, %exp3A_1259 : vector<16xf32>
        %div3A_1263 = arith.constant 1.000000e+00 : f32
        %div3A_1264 = vector.broadcast %div3A_1263 : f32 to vector<16xf32>
        %div3A_1265 = arith.divf %div3A_1264, %add3A_1262 : vector<16xf32>
        %mul3A_1266 = arith.mulf %div3A_1265, %div3A_1265 : vector<16xf32>
        %add3A_1267 = arith.addf %add3A_1248, %mul3A_1266 : vector<16xf32>
        %add3A_1268 = arith.constant 10 : i32
        %add3A_1269 = vector.broadcast %add3A_1268 : i32 to vector<16xi32>
        %add3A_1270 = arith.addi %add3A_818, %add3A_1269 : vector<16xi32>
        %add3A_1271 = arith.constant 10 : i32
        %add3A_1272 = vector.broadcast %add3A_1271 : i32 to vector<16xi32>
        %add3A_1273 = arith.addi %add3A_1270, %add3A_1272 : vector<16xi32>
        %gather3A_1274 = tpu.vector_load_idx %arg5[%add3A_1273] : memref<11760xf32, #tpu.memory_space<vmem>>[vector<16xi32>], vector<16xf32>,
        %neg3A_1275 = arith.constant 0.000000e+00 : f32
        %neg3A_1276 = vector.broadcast %neg3A_1275 : f32 to vector<16xf32>
        %neg3A_1277 = arith.subf %neg3A_1276, %gather3A_1274 : vector<16xf32>
        %exp3A_1278 = math.exp %neg3A_1277 : vector<16xf32>
        %add3A_1279 = arith.constant 1.000000e+00 : f32
        %add3A_1280 = vector.broadcast %add3A_1279 : f32 to vector<16xf32>
        %add3A_1281 = arith.addf %add3A_1280, %exp3A_1278 : vector<16xf32>
        %div3A_1282 = arith.constant 1.000000e+00 : f32
        %div3A_1283 = vector.broadcast %div3A_1282 : f32 to vector<16xf32>
        %div3A_1284 = arith.divf %div3A_1283, %add3A_1281 : vector<16xf32>
        %mul3A_1285 = arith.mulf %div3A_1284, %div3A_1284 : vector<16xf32>
        %add3A_1286 = arith.addf %add3A_1267, %mul3A_1285 : vector<16xf32>
        %add3A_1287 = arith.constant 10 : i32
        %add3A_1288 = vector.broadcast %add3A_1287 : i32 to vector<16xi32>
        %add3A_1289 = arith.addi %add3A_818, %add3A_1288 : vector<16xi32>
        %add3A_1290 = arith.constant 11 : i32
        %add3A_1291 = vector.broadcast %add3A_1290 : i32 to vector<16xi32>
        %add3A_1292 = arith.addi %add3A_1289, %add3A_1291 : vector<16xi32>
        %gather3A_1293 = tpu.vector_load_idx %arg5[%add3A_1292] : memref<11760xf32, #tpu.memory_space<vmem>>[vector<16xi32>], vector<16xf32>,
        %neg3A_1294 = arith.constant 0.000000e+00 : f32
        %neg3A_1295 = vector.broadcast %neg3A_1294 : f32 to vector<16xf32>
        %neg3A_1296 = arith.subf %neg3A_1295, %gather3A_1293 : vector<16xf32>
        %exp3A_1297 = math.exp %neg3A_1296 : vector<16xf32>
        %add3A_1298 = arith.constant 1.000000e+00 : f32
        %add3A_1299 = vector.broadcast %add3A_1298 : f32 to vector<16xf32>
        %add3A_1300 = arith.addf %add3A_1299, %exp3A_1297 : vector<16xf32>
        %div3A_1301 = arith.constant 1.000000e+00 : f32
        %div3A_1302 = vector.broadcast %div3A_1301 : f32 to vector<16xf32>
        %div3A_1303 = arith.divf %div3A_1302, %add3A_1300 : vector<16xf32>
        %mul3A_1304 = arith.mulf %div3A_1303, %div3A_1303 : vector<16xf32>
        %add3A_1305 = arith.addf %add3A_1286, %mul3A_1304 : vector<16xf32>
        %add3A_1306 = arith.constant 10 : i32
        %add3A_1307 = vector.broadcast %add3A_1306 : i32 to vector<16xi32>
        %add3A_1308 = arith.addi %add3A_818, %add3A_1307 : vector<16xi32>
        %add3A_1309 = arith.constant 12 : i32
        %add3A_1310 = vector.broadcast %add3A_1309 : i32 to vector<16xi32>
        %add3A_1311 = arith.addi %add3A_1308, %add3A_1310 : vector<16xi32>
        %gather3A_1312 = tpu.vector_load_idx %arg5[%add3A_1311] : memref<11760xf32, #tpu.memory_space<vmem>>[vector<16xi32>], vector<16xf32>,
        %neg3A_1313 = arith.constant 0.000000e+00 : f32
        %neg3A_1314 = vector.broadcast %neg3A_1313 : f32 to vector<16xf32>
        %neg3A_1315 = arith.subf %neg3A_1314, %gather3A_1312 : vector<16xf32>
        %exp3A_1316 = math.exp %neg3A_1315 : vector<16xf32>
        %add3A_1317 = arith.constant 1.000000e+00 : f32
        %add3A_1318 = vector.broadcast %add3A_1317 : f32 to vector<16xf32>
        %add3A_1319 = arith.addf %add3A_1318, %exp3A_1316 : vector<16xf32>
        %div3A_1320 = arith.constant 1.000000e+00 : f32
        %div3A_1321 = vector.broadcast %div3A_1320 : f32 to vector<16xf32>
        %div3A_1322 = arith.divf %div3A_1321, %add3A_1319 : vector<16xf32>
        %mul3A_1323 = arith.mulf %div3A_1322, %div3A_1322 : vector<16xf32>
        %add3A_1324 = arith.addf %add3A_1305, %mul3A_1323 : vector<16xf32>
        %add3A_1325 = arith.constant 10 : i32
        %add3A_1326 = vector.broadcast %add3A_1325 : i32 to vector<16xi32>
        %add3A_1327 = arith.addi %add3A_818, %add3A_1326 : vector<16xi32>
        %add3A_1328 = arith.constant 13 : i32
        %add3A_1329 = vector.broadcast %add3A_1328 : i32 to vector<16xi32>
        %add3A_1330 = arith.addi %add3A_1327, %add3A_1329 : vector<16xi32>
        %gather3A_1331 = tpu.vector_load_idx %arg5[%add3A_1330] : memref<11760xf32, #tpu.memory_space<vmem>>[vector<16xi32>], vector<16xf32>,
        %neg3A_1332 = arith.constant 0.000000e+00 : f32
        %neg3A_1333 = vector.broadcast %neg3A_1332 : f32 to vector<16xf32>
        %neg3A_1334 = arith.subf %neg3A_1333, %gather3A_1331 : vector<16xf32>
        %exp3A_1335 = math.exp %neg3A_1334 : vector<16xf32>
        %add3A_1336 = arith.constant 1.000000e+00 : f32
        %add3A_1337 = vector.broadcast %add3A_1336 : f32 to vector<16xf32>
        %add3A_1338 = arith.addf %add3A_1337, %exp3A_1335 : vector<16xf32>
        %div3A_1339 = arith.constant 1.000000e+00 : f32
        %div3A_1340 = vector.broadcast %div3A_1339 : f32 to vector<16xf32>
        %div3A_1341 = arith.divf %div3A_1340, %add3A_1338 : vector<16xf32>
        %mul3A_1342 = arith.mulf %div3A_1341, %div3A_1341 : vector<16xf32>
        %add3A_1343 = arith.addf %add3A_1324, %mul3A_1342 : vector<16xf32>
        %add3A_1344 = arith.constant 10 : i32
        %add3A_1345 = vector.broadcast %add3A_1344 : i32 to vector<16xi32>
        %add3A_1346 = arith.addi %add3A_818, %add3A_1345 : vector<16xi32>
        %add3A_1347 = arith.constant 14 : i32
        %add3A_1348 = vector.broadcast %add3A_1347 : i32 to vector<16xi32>
        %add3A_1349 = arith.addi %add3A_1346, %add3A_1348 : vector<16xi32>
        %gather3A_1350 = tpu.vector_load_idx %arg5[%add3A_1349] : memref<11760xf32, #tpu.memory_space<vmem>>[vector<16xi32>], vector<16xf32>,
        %neg3A_1351 = arith.constant 0.000000e+00 : f32
        %neg3A_1352 = vector.broadcast %neg3A_1351 : f32 to vector<16xf32>
        %neg3A_1353 = arith.subf %neg3A_1352, %gather3A_1350 : vector<16xf32>
        %exp3A_1354 = math.exp %neg3A_1353 : vector<16xf32>
        %add3A_1355 = arith.constant 1.000000e+00 : f32
        %add3A_1356 = vector.broadcast %add3A_1355 : f32 to vector<16xf32>
        %add3A_1357 = arith.addf %add3A_1356, %exp3A_1354 : vector<16xf32>
        %div3A_1358 = arith.constant 1.000000e+00 : f32
        %div3A_1359 = vector.broadcast %div3A_1358 : f32 to vector<16xf32>
        %div3A_1360 = arith.divf %div3A_1359, %add3A_1357 : vector<16xf32>
        %mul3A_1361 = arith.mulf %div3A_1360, %div3A_1360 : vector<16xf32>
        %add3A_1362 = arith.addf %add3A_1343, %mul3A_1361 : vector<16xf32>
        %add3A_1363 = arith.constant 10 : i32
        %add3A_1364 = vector.broadcast %add3A_1363 : i32 to vector<16xi32>
        %add3A_1365 = arith.addi %add3A_818, %add3A_1364 : vector<16xi32>
        %add3A_1366 = arith.constant 15 : i32
        %add3A_1367 = vector.broadcast %add3A_1366 : i32 to vector<16xi32>
        %add3A_1368 = arith.addi %add3A_1365, %add3A_1367 : vector<16xi32>
        %gather3A_1369 = tpu.vector_load_idx %arg5[%add3A_1368] : memref<11760xf32, #tpu.memory_space<vmem>>[vector<16xi32>], vector<16xf32>,
        %neg3A_1370 = arith.constant 0.000000e+00 : f32
        %neg3A_1371 = vector.broadcast %neg3A_1370 : f32 to vector<16xf32>
        %neg3A_1372 = arith.subf %neg3A_1371, %gather3A_1369 : vector<16xf32>
        %exp3A_1373 = math.exp %neg3A_1372 : vector<16xf32>
        %add3A_1374 = arith.constant 1.000000e+00 : f32
        %add3A_1375 = vector.broadcast %add3A_1374 : f32 to vector<16xf32>
        %add3A_1376 = arith.addf %add3A_1375, %exp3A_1373 : vector<16xf32>
        %div3A_1377 = arith.constant 1.000000e+00 : f32
        %div3A_1378 = vector.broadcast %div3A_1377 : f32 to vector<16xf32>
        %div3A_1379 = arith.divf %div3A_1378, %add3A_1376 : vector<16xf32>
        %mul3A_1380 = arith.mulf %div3A_1379, %div3A_1379 : vector<16xf32>
        %add3A_1381 = arith.addf %add3A_1362, %mul3A_1380 : vector<16xf32>
        %add3A_1382 = arith.constant 10 : i32
        %add3A_1383 = vector.broadcast %add3A_1382 : i32 to vector<16xi32>
        %add3A_1384 = arith.addi %add3A_818, %add3A_1383 : vector<16xi32>
        %add3A_1385 = arith.constant 16 : i32
        %add3A_1386 = vector.broadcast %add3A_1385 : i32 to vector<16xi32>
        %add3A_1387 = arith.addi %add3A_1384, %add3A_1386 : vector<16xi32>
        %gather3A_1388 = tpu.vector_load_idx %arg5[%add3A_1387] : memref<11760xf32, #tpu.memory_space<vmem>>[vector<16xi32>], vector<16xf32>,
        %neg3A_1389 = arith.constant 0.000000e+00 : f32
        %neg3A_1390 = vector.broadcast %neg3A_1389 : f32 to vector<16xf32>
        %neg3A_1391 = arith.subf %neg3A_1390, %gather3A_1388 : vector<16xf32>
        %exp3A_1392 = math.exp %neg3A_1391 : vector<16xf32>
        %add3A_1393 = arith.constant 1.000000e+00 : f32
        %add3A_1394 = vector.broadcast %add3A_1393 : f32 to vector<16xf32>
        %add3A_1395 = arith.addf %add3A_1394, %exp3A_1392 : vector<16xf32>
        %div3A_1396 = arith.constant 1.000000e+00 : f32
        %div3A_1397 = vector.broadcast %div3A_1396 : f32 to vector<16xf32>
        %div3A_1398 = arith.divf %div3A_1397, %add3A_1395 : vector<16xf32>
        %mul3A_1399 = arith.mulf %div3A_1398, %div3A_1398 : vector<16xf32>
        %add3A_1400 = arith.addf %add3A_1381, %mul3A_1399 : vector<16xf32>
        %add3A_1401 = arith.constant 10 : i32
        %add3A_1402 = vector.broadcast %add3A_1401 : i32 to vector<16xi32>
        %add3A_1403 = arith.addi %add3A_818, %add3A_1402 : vector<16xi32>
        %add3A_1404 = arith.constant 17 : i32
        %add3A_1405 = vector.broadcast %add3A_1404 : i32 to vector<16xi32>
        %add3A_1406 = arith.addi %add3A_1403, %add3A_1405 : vector<16xi32>
        %gather3A_1407 = tpu.vector_load_idx %arg5[%add3A_1406] : memref<11760xf32, #tpu.memory_space<vmem>>[vector<16xi32>], vector<16xf32>,
        %neg3A_1408 = arith.constant 0.000000e+00 : f32
        %neg3A_1409 = vector.broadcast %neg3A_1408 : f32 to vector<16xf32>
        %neg3A_1410 = arith.subf %neg3A_1409, %gather3A_1407 : vector<16xf32>
        %exp3A_1411 = math.exp %neg3A_1410 : vector<16xf32>
        %add3A_1412 = arith.constant 1.000000e+00 : f32
        %add3A_1413 = vector.broadcast %add3A_1412 : f32 to vector<16xf32>
        %add3A_1414 = arith.addf %add3A_1413, %exp3A_1411 : vector<16xf32>
        %div3A_1415 = arith.constant 1.000000e+00 : f32
        %div3A_1416 = vector.broadcast %div3A_1415 : f32 to vector<16xf32>
        %div3A_1417 = arith.divf %div3A_1416, %add3A_1414 : vector<16xf32>
        %mul3A_1418 = arith.mulf %div3A_1417, %div3A_1417 : vector<16xf32>
        %add3A_1419 = arith.addf %add3A_1400, %mul3A_1418 : vector<16xf32>
        %add3A_1420 = arith.constant 10 : i32
        %add3A_1421 = vector.broadcast %add3A_1420 : i32 to vector<16xi32>
        %add3A_1422 = arith.addi %add3A_818, %add3A_1421 : vector<16xi32>
        %add3A_1423 = arith.constant 18 : i32
        %add3A_1424 = vector.broadcast %add3A_1423 : i32 to vector<16xi32>
        %add3A_1425 = arith.addi %add3A_1422, %add3A_1424 : vector<16xi32>
        %gather3A_1426 = tpu.vector_load_idx %arg5[%add3A_1425] : memref<11760xf32, #tpu.memory_space<vmem>>[vector<16xi32>], vector<16xf32>,
        %neg3A_1427 = arith.constant 0.000000e+00 : f32
        %neg3A_1428 = vector.broadcast %neg3A_1427 : f32 to vector<16xf32>
        %neg3A_1429 = arith.subf %neg3A_1428, %gather3A_1426 : vector<16xf32>
        %exp3A_1430 = math.exp %neg3A_1429 : vector<16xf32>
        %add3A_1431 = arith.constant 1.000000e+00 : f32
        %add3A_1432 = vector.broadcast %add3A_1431 : f32 to vector<16xf32>
        %add3A_1433 = arith.addf %add3A_1432, %exp3A_1430 : vector<16xf32>
        %div3A_1434 = arith.constant 1.000000e+00 : f32
        %div3A_1435 = vector.broadcast %div3A_1434 : f32 to vector<16xf32>
        %div3A_1436 = arith.divf %div3A_1435, %add3A_1433 : vector<16xf32>
        %mul3A_1437 = arith.mulf %div3A_1436, %div3A_1436 : vector<16xf32>
        %add3A_1438 = arith.addf %add3A_1419, %mul3A_1437 : vector<16xf32>
        %add3A_1439 = arith.constant 10 : i32
        %add3A_1440 = vector.broadcast %add3A_1439 : i32 to vector<16xi32>
        %add3A_1441 = arith.addi %add3A_818, %add3A_1440 : vector<16xi32>
        %add3A_1442 = arith.constant 19 : i32
        %add3A_1443 = vector.broadcast %add3A_1442 : i32 to vector<16xi32>
        %add3A_1444 = arith.addi %add3A_1441, %add3A_1443 : vector<16xi32>
        %gather3A_1445 = tpu.vector_load_idx %arg5[%add3A_1444] : memref<11760xf32, #tpu.memory_space<vmem>>[vector<16xi32>], vector<16xf32>,
        %neg3A_1446 = arith.constant 0.000000e+00 : f32
        %neg3A_1447 = vector.broadcast %neg3A_1446 : f32 to vector<16xf32>
        %neg3A_1448 = arith.subf %neg3A_1447, %gather3A_1445 : vector<16xf32>
        %exp3A_1449 = math.exp %neg3A_1448 : vector<16xf32>
        %add3A_1450 = arith.constant 1.000000e+00 : f32
        %add3A_1451 = vector.broadcast %add3A_1450 : f32 to vector<16xf32>
        %add3A_1452 = arith.addf %add3A_1451, %exp3A_1449 : vector<16xf32>
        %div3A_1453 = arith.constant 1.000000e+00 : f32
        %div3A_1454 = vector.broadcast %div3A_1453 : f32 to vector<16xf32>
        %div3A_1455 = arith.divf %div3A_1454, %add3A_1452 : vector<16xf32>
        %mul3A_1456 = arith.mulf %div3A_1455, %div3A_1455 : vector<16xf32>
        %add3A_1457 = arith.addf %add3A_1438, %mul3A_1456 : vector<16xf32>
        %swap3A_1458 = arith.constant 16 : index
        %swap3A_1459 = tpu.vector_load %arg7[%swap3A_1458] {strides = array<i32>} : memref<128xf32, #tpu.memory_space<vmem>>, vector<16xf32>,
        tpu.vector_store %arg7[%swap3A_1458], %gather3A_80 {strides = array<i32>} : memref<128xf32, #tpu.memory_space<vmem>>, vector<16xf32>,
        %swap3A_1460 = arith.constant 48 : index
        %swap3A_1461 = tpu.vector_load %arg7[%swap3A_1460] {strides = array<i32>} : memref<128xf32, #tpu.memory_space<vmem>>, vector<16xf32>,
        tpu.vector_store %arg7[%swap3A_1460], %gather3A_84 {strides = array<i32>} : memref<128xf32, #tpu.memory_space<vmem>>, vector<16xf32>,
        %swap3A_1462 = arith.constant 80 : index
        %swap3A_1463 = tpu.vector_load %arg7[%swap3A_1462] {strides = array<i32>} : memref<128xf32, #tpu.memory_space<vmem>>, vector<16xf32>,
        tpu.vector_store %arg7[%swap3A_1462], %gather3A_88 {strides = array<i32>} : memref<128xf32, #tpu.memory_space<vmem>>, vector<16xf32>,
        %swap3A_1464 = arith.constant 112 : index
        %swap3A_1465 = tpu.vector_load %arg7[%swap3A_1464] {strides = array<i32>} : memref<128xf32, #tpu.memory_space<vmem>>, vector<16xf32>,
        tpu.vector_store %arg7[%swap3A_1464], %gather3A_92 {strides = array<i32>} : memref<128xf32, #tpu.memory_space<vmem>>, vector<16xf32>,
        %swap3A_1466 = arith.constant 16 : index
        %swap3A_1467 = tpu.vector_load %arg8[%swap3A_1466] {strides = array<i32>} : memref<64xi32, #tpu.memory_space<vmem>>, vector<16xi32>,
        tpu.vector_store %arg8[%swap3A_1466], %add3A_1041 {strides = array<i32>} : memref<64xi32, #tpu.memory_space<vmem>>, vector<16xi32>,
        %swap3A_1468 = arith.constant 48 : index
        %swap3A_1469 = tpu.vector_load %arg8[%swap3A_1468] {strides = array<i32>} : memref<64xi32, #tpu.memory_space<vmem>>, vector<16xi32>,
        tpu.vector_store %arg8[%swap3A_1468], %convert_element_type3A_805 {strides = array<i32>} : memref<64xi32, #tpu.memory_space<vmem>>, vector<16xi32>,
        %add3A_1470 = arith.addf %select_n3A_1042, %convert_element_type3A_808 : vector<16xf32>
        %add3A_1471 = arith.addf %select_n3A_1043, %convert_element_type3A_809 : vector<16xf32>
        %sub3A_1472 = arith.subf %gather3A_80, %convert_element_type3A_808 : vector<16xf32>
        %sub3A_1473 = arith.subf %gather3A_84, %convert_element_type3A_809 : vector<16xf32>
        %while3A = arith.constant 0 : i32
        %while3A_1474 = arith.subi %reduce_max3A_113, %while3A : i32
        %while3A_1475 = arith.addi %while3A, %while3A_1474 : i32
        %while3A_1476 = arith.constant 1 : i32
        %while3A_1477 = arith.divsi %while3A_1474, %while3A_1476 : i32
        %while3A_1478 = arith.muli %while3A_1477, %while3A_1476 : i32
        %while3A_1479 = arith.addi %while3A, %while3A_1478 : i32
        %while3A_1480 = arith.constant 1 : i32
        %while3A_1481:8 = scf.for %while3A_1874 = %while3A to %while3A_1479 step %while3A_1480 iter_args(%while3A_1875 = %broadcast_in_dim3A_777, %while3A_1876 = %broadcast_in_dim3A_779, %while3A_1877 = %broadcast_in_dim3A_779, %while3A_1878 = %broadcast_in_dim3A_779, %while3A_1879 = %broadcast_in_dim3A_777, %while3A_1880 = %broadcast_in_dim3A_779, %while3A_1881 = %broadcast_in_dim3A_779, %while3A_1882 = %broadcast_in_dim3A_779) -> (vector<16xf32>, vector<16xi32>, vector<16xi32>, vector<16xi32>, vector<16xf32>, vector<16xi32>, vector<16xi32>, vector<16xi32>)  : i32 {
          %broadcast_in_dim3A_1883 = vector.broadcast %while3A_1874 : i32 to vector<16xi32>
          %gather3A_1884 = tpu.vector_load_idx %arg7[%broadcast_in_dim3A_1883] : memref<128xf32, #tpu.memory_space<vmem>>[vector<16xi32>], vector<16xf32>,
          %add3A_1885 = arith.constant 32 : i32
          %add3A_1886 = vector.broadcast %add3A_1885 : i32 to vector<16xi32>
          %add3A_1887 = arith.addi %broadcast_in_dim3A_1883, %add3A_1886 : vector<16xi32>
          %gather3A_1888 = tpu.vector_load_idx %arg7[%add3A_1887] : memref<128xf32, #tpu.memory_space<vmem>>[vector<16xi32>], vector<16xf32>,
          %add3A_1889 = arith.constant 64 : i32
          %add3A_1890 = vector.broadcast %add3A_1889 : i32 to vector<16xi32>
          %add3A_1891 = arith.addi %broadcast_in_dim3A_1883, %add3A_1890 : vector<16xi32>
          %gather3A_1892 = tpu.vector_load_idx %arg7[%add3A_1891] : memref<128xf32, #tpu.memory_space<vmem>>[vector<16xi32>], vector<16xf32>,
          %add3A_1893 = arith.constant 96 : i32
          %add3A_1894 = vector.broadcast %add3A_1893 : i32 to vector<16xi32>
          %add3A_1895 = arith.addi %broadcast_in_dim3A_1883, %add3A_1894 : vector<16xi32>
          %gather3A_1896 = tpu.vector_load_idx %arg7[%add3A_1895] : memref<128xf32, #tpu.memory_space<vmem>>[vector<16xi32>], vector<16xf32>,
          %gather3A_1897 = tpu.vector_load_idx %arg8[%broadcast_in_dim3A_1883] : memref<64xi32, #tpu.memory_space<vmem>>[vector<16xi32>], vector<16xi32>,
          %add3A_1898 = arith.constant 32 : i32
          %add3A_1899 = vector.broadcast %add3A_1898 : i32 to vector<16xi32>
          %add3A_1900 = arith.addi %broadcast_in_dim3A_1883, %add3A_1899 : vector<16xi32>
          %gather3A_1901 = tpu.vector_load_idx %arg8[%add3A_1900] : memref<64xi32, #tpu.memory_space<vmem>>[vector<16xi32>], vector<16xi32>,
          %shift_right_arithmetic3A_1902 = arith.constant 1 : i32
          %shift_right_arithmetic3A_1903 = vector.broadcast %shift_right_arithmetic3A_1902 : i32 to vector<16xi32>
          %shift_right_arithmetic3A_1904 = arith.shrsi %gather3A_1897, %shift_right_arithmetic3A_1903 : vector<16xi32>
          %mul3A_1905 = arith.constant 5.000000e-01 : f32
          %mul3A_1906 = vector.broadcast %mul3A_1905 : f32 to vector<16xf32>
          %mul3A_1907 = arith.mulf %select_n3A_346, %mul3A_1906 : vector<16xf32>
          %sub3A_1908 = arith.subf %add3A_772, %mul3A_1907 : vector<16xf32>
          %mul3A_1909 = arith.constant 5.000000e-01 : f32
          %mul3A_1910 = vector.broadcast %mul3A_1909 : f32 to vector<16xf32>
          %mul3A_1911 = arith.mulf %gather3A_1892, %mul3A_1910 : vector<16xf32>
          %sub3A_1912 = arith.subf %gather3A_1884, %mul3A_1911 : vector<16xf32>
          %max3A_1913 = arith.maximumf %sub3A_1908, %sub3A_1912 : vector<16xf32>
          %mul3A_1914 = arith.constant 5.000000e-01 : f32
          %mul3A_1915 = vector.broadcast %mul3A_1914 : f32 to vector<16xf32>
          %mul3A_1916 = arith.mulf %select_n3A_347, %mul3A_1915 : vector<16xf32>
          %sub3A_1917 = arith.subf %add3A_773, %mul3A_1916 : vector<16xf32>
          %mul3A_1918 = arith.constant 5.000000e-01 : f32
          %mul3A_1919 = vector.broadcast %mul3A_1918 : f32 to vector<16xf32>
          %mul3A_1920 = arith.mulf %gather3A_1896, %mul3A_1919 : vector<16xf32>
          %sub3A_1921 = arith.subf %gather3A_1888, %mul3A_1920 : vector<16xf32>
          %max3A_1922 = arith.maximumf %sub3A_1917, %sub3A_1921 : vector<16xf32>
          %mul3A_1923 = arith.constant 5.000000e-01 : f32
          %mul3A_1924 = vector.broadcast %mul3A_1923 : f32 to vector<16xf32>
          %mul3A_1925 = arith.mulf %select_n3A_346, %mul3A_1924 : vector<16xf32>
          %add3A_1926 = arith.addf %add3A_772, %mul3A_1925 : vector<16xf32>
          %mul3A_1927 = arith.constant 5.000000e-01 : f32
          %mul3A_1928 = vector.broadcast %mul3A_1927 : f32 to vector<16xf32>
          %mul3A_1929 = arith.mulf %gather3A_1892, %mul3A_1928 : vector<16xf32>
          %add3A_1930 = arith.addf %gather3A_1884, %mul3A_1929 : vector<16xf32>
          %min3A_1931 = arith.minimumf %add3A_1926, %add3A_1930 : vector<16xf32>
          %mul3A_1932 = arith.constant 5.000000e-01 : f32
          %mul3A_1933 = vector.broadcast %mul3A_1932 : f32 to vector<16xf32>
          %mul3A_1934 = arith.mulf %select_n3A_347, %mul3A_1933 : vector<16xf32>
          %add3A_1935 = arith.addf %add3A_773, %mul3A_1934 : vector<16xf32>
          %mul3A_1936 = arith.constant 5.000000e-01 : f32
          %mul3A_1937 = vector.broadcast %mul3A_1936 : f32 to vector<16xf32>
          %mul3A_1938 = arith.mulf %gather3A_1896, %mul3A_1937 : vector<16xf32>
          %add3A_1939 = arith.addf %gather3A_1888, %mul3A_1938 : vector<16xf32>
          %min3A_1940 = arith.minimumf %add3A_1935, %add3A_1939 : vector<16xf32>
          %sub3A_1941 = arith.subf %min3A_1931, %max3A_1913 : vector<16xf32>
          %max3A_1942 = arith.constant 0.000000e+00 : f32
          %max3A_1943 = vector.broadcast %max3A_1942 : f32 to vector<16xf32>
          %max3A_1944 = arith.maximumf %sub3A_1941, %max3A_1943 : vector<16xf32>
          %sub3A_1945 = arith.subf %min3A_1940, %max3A_1922 : vector<16xf32>
          %max3A_1946 = arith.constant 0.000000e+00 : f32
          %max3A_1947 = vector.broadcast %max3A_1946 : f32 to vector<16xf32>
          %max3A_1948 = arith.maximumf %sub3A_1945, %max3A_1947 : vector<16xf32>
          %mul3A_1949 = arith.mulf %max3A_1944, %max3A_1948 : vector<16xf32>
          %mul3A_1950 = arith.mulf %select_n3A_346, %select_n3A_347 : vector<16xf32>
          %mul3A_1951 = arith.mulf %gather3A_1892, %gather3A_1896 : vector<16xf32>
          %add3A_1952 = arith.addf %mul3A_1950, %mul3A_1951 : vector<16xf32>
          %sub3A_1953 = arith.subf %add3A_1952, %mul3A_1949 : vector<16xf32>
          %div3A_1954 = arith.divf %mul3A_1949, %sub3A_1953 : vector<16xf32>
          %add3A_1955 = arith.constant 0 : i32
          %add3A_1956 = vector.broadcast %add3A_1955 : i32 to vector<16xi32>
          %add3A_1957 = arith.addi %add3A_1956, %iota3A : vector<16xi32>
          %eq3A_1958 = arith.cmpi eq, %shift_right_arithmetic3A_1904, %add3A_121 : vector<16xi32>
          %max3A_1959 = arith.maximumf %while3A_1875, %div3A_1954 : vector<16xf32>
          %eq3A_1960 = arith.cmpi eq, %gather3A_1897, %add3A_343 : vector<16xi32>
          %gt3A_1961 = vector.broadcast %while3A_1874 : i32 to vector<16xi32>
          %gt3A_1962 = arith.cmpi sgt, %gt3A_1961, %add3A_1957 : vector<16xi32>
          %and3A_1963 = arith.andi %eq3A_1960, %gt3A_1962 : vector<16xi1>
          %jit3A_1964 = arith.constant 1 : i32
          %jit3A_1965 = arith.constant 0 : i32
          %broadcast_in_dim3A_1966 = vector.broadcast %jit3A_1964 : i32 to vector<16xi32>
          %broadcast_in_dim3A_1967 = vector.broadcast %jit3A_1965 : i32 to vector<16xi32>
          %select_n3A_1968 = arith.select %and3A_1963, %broadcast_in_dim3A_1966, %broadcast_in_dim3A_1967 : vector<16xi1>, vector<16xi32>
          %or3A = arith.ori %while3A_1876, %select_n3A_1968 : vector<16xi32>
          %eq3A_1969 = arith.cmpi eq, %gather3A_1901, %convert_element_type3A : vector<16xi32>
          %and3A_1970 = arith.andi %eq3A_1958, %eq3A_1969 : vector<16xi1>
          %lt3A_1971 = vector.broadcast %while3A_1874 : i32 to vector<16xi32>
          %lt3A_1972 = arith.cmpi slt, %lt3A_1971, %add3A_1957 : vector<16xi32>
          %and3A_1973 = arith.andi %and3A_1970, %lt3A_1972 : vector<16xi1>
          %jit3A_1974 = arith.constant 1 : i32
          %jit3A_1975 = arith.constant 0 : i32
          %broadcast_in_dim3A_1976 = vector.broadcast %jit3A_1974 : i32 to vector<16xi32>
          %broadcast_in_dim3A_1977 = vector.broadcast %jit3A_1975 : i32 to vector<16xi32>
          %select_n3A_1978 = arith.select %and3A_1973, %broadcast_in_dim3A_1976, %broadcast_in_dim3A_1977 : vector<16xi1>, vector<16xi32>
          %or3A_1979 = arith.ori %while3A_1877, %select_n3A_1978 : vector<16xi32>
          %lt3A_1980 = vector.broadcast %while3A_1874 : i32 to vector<16xi32>
          %lt3A_1981 = arith.cmpi slt, %lt3A_1980, %add3A_1957 : vector<16xi32>
          %and3A_1982 = arith.andi %eq3A_1958, %lt3A_1981 : vector<16xi1>
          %jit3A_1983 = arith.constant 1 : i32
          %jit3A_1984 = arith.constant 0 : i32
          %broadcast_in_dim3A_1985 = vector.broadcast %jit3A_1983 : i32 to vector<16xi32>
          %broadcast_in_dim3A_1986 = vector.broadcast %jit3A_1984 : i32 to vector<16xi32>
          %select_n3A_1987 = arith.select %and3A_1982, %broadcast_in_dim3A_1985, %broadcast_in_dim3A_1986 : vector<16xi1>, vector<16xi32>
          %or3A_1988 = arith.ori %while3A_1878, %select_n3A_1987 : vector<16xi32>
          %mul3A_1989 = arith.constant 5.000000e-01 : f32
          %mul3A_1990 = vector.broadcast %mul3A_1989 : f32 to vector<16xf32>
          %mul3A_1991 = arith.mulf %select_n3A_1044, %mul3A_1990 : vector<16xf32>
          %sub3A_1992 = arith.subf %add3A_1470, %mul3A_1991 : vector<16xf32>
          %mul3A_1993 = arith.constant 5.000000e-01 : f32
          %mul3A_1994 = vector.broadcast %mul3A_1993 : f32 to vector<16xf32>
          %mul3A_1995 = arith.mulf %gather3A_1892, %mul3A_1994 : vector<16xf32>
          %sub3A_1996 = arith.subf %gather3A_1884, %mul3A_1995 : vector<16xf32>
          %max3A_1997 = arith.maximumf %sub3A_1992, %sub3A_1996 : vector<16xf32>
          %mul3A_1998 = arith.constant 5.000000e-01 : f32
          %mul3A_1999 = vector.broadcast %mul3A_1998 : f32 to vector<16xf32>
          %mul3A_2000 = arith.mulf %select_n3A_1045, %mul3A_1999 : vector<16xf32>
          %sub3A_2001 = arith.subf %add3A_1471, %mul3A_2000 : vector<16xf32>
          %mul3A_2002 = arith.constant 5.000000e-01 : f32
          %mul3A_2003 = vector.broadcast %mul3A_2002 : f32 to vector<16xf32>
          %mul3A_2004 = arith.mulf %gather3A_1896, %mul3A_2003 : vector<16xf32>
          %sub3A_2005 = arith.subf %gather3A_1888, %mul3A_2004 : vector<16xf32>
          %max3A_2006 = arith.maximumf %sub3A_2001, %sub3A_2005 : vector<16xf32>
          %mul3A_2007 = arith.constant 5.000000e-01 : f32
          %mul3A_2008 = vector.broadcast %mul3A_2007 : f32 to vector<16xf32>
          %mul3A_2009 = arith.mulf %select_n3A_1044, %mul3A_2008 : vector<16xf32>
          %add3A_2010 = arith.addf %add3A_1470, %mul3A_2009 : vector<16xf32>
          %mul3A_2011 = arith.constant 5.000000e-01 : f32
          %mul3A_2012 = vector.broadcast %mul3A_2011 : f32 to vector<16xf32>
          %mul3A_2013 = arith.mulf %gather3A_1892, %mul3A_2012 : vector<16xf32>
          %add3A_2014 = arith.addf %gather3A_1884, %mul3A_2013 : vector<16xf32>
          %min3A_2015 = arith.minimumf %add3A_2010, %add3A_2014 : vector<16xf32>
          %mul3A_2016 = arith.constant 5.000000e-01 : f32
          %mul3A_2017 = vector.broadcast %mul3A_2016 : f32 to vector<16xf32>
          %mul3A_2018 = arith.mulf %select_n3A_1045, %mul3A_2017 : vector<16xf32>
          %add3A_2019 = arith.addf %add3A_1471, %mul3A_2018 : vector<16xf32>
          %mul3A_2020 = arith.constant 5.000000e-01 : f32
          %mul3A_2021 = vector.broadcast %mul3A_2020 : f32 to vector<16xf32>
          %mul3A_2022 = arith.mulf %gather3A_1896, %mul3A_2021 : vector<16xf32>
          %add3A_2023 = arith.addf %gather3A_1888, %mul3A_2022 : vector<16xf32>
          %min3A_2024 = arith.minimumf %add3A_2019, %add3A_2023 : vector<16xf32>
          %sub3A_2025 = arith.subf %min3A_2015, %max3A_1997 : vector<16xf32>
          %max3A_2026 = arith.constant 0.000000e+00 : f32
          %max3A_2027 = vector.broadcast %max3A_2026 : f32 to vector<16xf32>
          %max3A_2028 = arith.maximumf %sub3A_2025, %max3A_2027 : vector<16xf32>
          %sub3A_2029 = arith.subf %min3A_2024, %max3A_2006 : vector<16xf32>
          %max3A_2030 = arith.constant 0.000000e+00 : f32
          %max3A_2031 = vector.broadcast %max3A_2030 : f32 to vector<16xf32>
          %max3A_2032 = arith.maximumf %sub3A_2029, %max3A_2031 : vector<16xf32>
          %mul3A_2033 = arith.mulf %max3A_2028, %max3A_2032 : vector<16xf32>
          %mul3A_2034 = arith.mulf %select_n3A_1044, %select_n3A_1045 : vector<16xf32>
          %mul3A_2035 = arith.mulf %gather3A_1892, %gather3A_1896 : vector<16xf32>
          %add3A_2036 = arith.addf %mul3A_2034, %mul3A_2035 : vector<16xf32>
          %sub3A_2037 = arith.subf %add3A_2036, %mul3A_2033 : vector<16xf32>
          %div3A_2038 = arith.divf %mul3A_2033, %sub3A_2037 : vector<16xf32>
          %add3A_2039 = arith.constant 16 : i32
          %add3A_2040 = vector.broadcast %add3A_2039 : i32 to vector<16xi32>
          %add3A_2041 = arith.addi %add3A_2040, %iota3A : vector<16xi32>
          %eq3A_2042 = arith.cmpi eq, %shift_right_arithmetic3A_1904, %add3A_813 : vector<16xi32>
          %max3A_2043 = arith.maximumf %while3A_1879, %div3A_2038 : vector<16xf32>
          %eq3A_2044 = arith.cmpi eq, %gather3A_1897, %add3A_1041 : vector<16xi32>
          %gt3A_2045 = vector.broadcast %while3A_1874 : i32 to vector<16xi32>
          %gt3A_2046 = arith.cmpi sgt, %gt3A_2045, %add3A_2041 : vector<16xi32>
          %and3A_2047 = arith.andi %eq3A_2044, %gt3A_2046 : vector<16xi1>
          %jit3A_2048 = arith.constant 1 : i32
          %jit3A_2049 = arith.constant 0 : i32
          %broadcast_in_dim3A_2050 = vector.broadcast %jit3A_2048 : i32 to vector<16xi32>
          %broadcast_in_dim3A_2051 = vector.broadcast %jit3A_2049 : i32 to vector<16xi32>
          %select_n3A_2052 = arith.select %and3A_2047, %broadcast_in_dim3A_2050, %broadcast_in_dim3A_2051 : vector<16xi1>, vector<16xi32>
          %or3A_2053 = arith.ori %while3A_1880, %select_n3A_2052 : vector<16xi32>
          %eq3A_2054 = arith.cmpi eq, %gather3A_1901, %convert_element_type3A_805 : vector<16xi32>
          %and3A_2055 = arith.andi %eq3A_2042, %eq3A_2054 : vector<16xi1>
          %lt3A_2056 = vector.broadcast %while3A_1874 : i32 to vector<16xi32>
          %lt3A_2057 = arith.cmpi slt, %lt3A_2056, %add3A_2041 : vector<16xi32>
          %and3A_2058 = arith.andi %and3A_2055, %lt3A_2057 : vector<16xi1>
          %jit3A_2059 = arith.constant 1 : i32
          %jit3A_2060 = arith.constant 0 : i32
          %broadcast_in_dim3A_2061 = vector.broadcast %jit3A_2059 : i32 to vector<16xi32>
          %broadcast_in_dim3A_2062 = vector.broadcast %jit3A_2060 : i32 to vector<16xi32>
          %select_n3A_2063 = arith.select %and3A_2058, %broadcast_in_dim3A_2061, %broadcast_in_dim3A_2062 : vector<16xi1>, vector<16xi32>
          %or3A_2064 = arith.ori %while3A_1881, %select_n3A_2063 : vector<16xi32>
          %lt3A_2065 = vector.broadcast %while3A_1874 : i32 to vector<16xi32>
          %lt3A_2066 = arith.cmpi slt, %lt3A_2065, %add3A_2041 : vector<16xi32>
          %and3A_2067 = arith.andi %eq3A_2042, %lt3A_2066 : vector<16xi1>
          %jit3A_2068 = arith.constant 1 : i32
          %jit3A_2069 = arith.constant 0 : i32
          %broadcast_in_dim3A_2070 = vector.broadcast %jit3A_2068 : i32 to vector<16xi32>
          %broadcast_in_dim3A_2071 = vector.broadcast %jit3A_2069 : i32 to vector<16xi32>
          %select_n3A_2072 = arith.select %and3A_2067, %broadcast_in_dim3A_2070, %broadcast_in_dim3A_2071 : vector<16xi1>, vector<16xi32>
          %or3A_2073 = arith.ori %while3A_1882, %select_n3A_2072 : vector<16xi32>
          scf.yield %max3A_1959, %or3A, %or3A_1979, %or3A_1988, %max3A_2043, %or3A_2053, %or3A_2064, %or3A_2073 : vector<16xf32>, vector<16xi32>, vector<16xi32>, vector<16xi32>, vector<16xf32>, vector<16xi32>, vector<16xi32>, vector<16xi32>
        }
        %while3A_1482 = arith.constant 1 : i32
        %while3A_1483:8 = scf.for %while3A_1874 = %while3A_1479 to %while3A_1475 step %while3A_1482 iter_args(%while3A_1875 = %while3A_1481#0, %while3A_1876 = %while3A_1481#1, %while3A_1877 = %while3A_1481#2, %while3A_1878 = %while3A_1481#3, %while3A_1879 = %while3A_1481#4, %while3A_1880 = %while3A_1481#5, %while3A_1881 = %while3A_1481#6, %while3A_1882 = %while3A_1481#7) -> (vector<16xf32>, vector<16xi32>, vector<16xi32>, vector<16xi32>, vector<16xf32>, vector<16xi32>, vector<16xi32>, vector<16xi32>)  : i32 {
          %broadcast_in_dim3A_1883 = vector.broadcast %while3A_1874 : i32 to vector<16xi32>
          %gather3A_1884 = tpu.vector_load_idx %arg7[%broadcast_in_dim3A_1883] : memref<128xf32, #tpu.memory_space<vmem>>[vector<16xi32>], vector<16xf32>,
          %add3A_1885 = arith.constant 32 : i32
          %add3A_1886 = vector.broadcast %add3A_1885 : i32 to vector<16xi32>
          %add3A_1887 = arith.addi %broadcast_in_dim3A_1883, %add3A_1886 : vector<16xi32>
          %gather3A_1888 = tpu.vector_load_idx %arg7[%add3A_1887] : memref<128xf32, #tpu.memory_space<vmem>>[vector<16xi32>], vector<16xf32>,
          %add3A_1889 = arith.constant 64 : i32
          %add3A_1890 = vector.broadcast %add3A_1889 : i32 to vector<16xi32>
          %add3A_1891 = arith.addi %broadcast_in_dim3A_1883, %add3A_1890 : vector<16xi32>
          %gather3A_1892 = tpu.vector_load_idx %arg7[%add3A_1891] : memref<128xf32, #tpu.memory_space<vmem>>[vector<16xi32>], vector<16xf32>,
          %add3A_1893 = arith.constant 96 : i32
          %add3A_1894 = vector.broadcast %add3A_1893 : i32 to vector<16xi32>
          %add3A_1895 = arith.addi %broadcast_in_dim3A_1883, %add3A_1894 : vector<16xi32>
          %gather3A_1896 = tpu.vector_load_idx %arg7[%add3A_1895] : memref<128xf32, #tpu.memory_space<vmem>>[vector<16xi32>], vector<16xf32>,
          %gather3A_1897 = tpu.vector_load_idx %arg8[%broadcast_in_dim3A_1883] : memref<64xi32, #tpu.memory_space<vmem>>[vector<16xi32>], vector<16xi32>,
          %add3A_1898 = arith.constant 32 : i32
          %add3A_1899 = vector.broadcast %add3A_1898 : i32 to vector<16xi32>
          %add3A_1900 = arith.addi %broadcast_in_dim3A_1883, %add3A_1899 : vector<16xi32>
          %gather3A_1901 = tpu.vector_load_idx %arg8[%add3A_1900] : memref<64xi32, #tpu.memory_space<vmem>>[vector<16xi32>], vector<16xi32>,
          %shift_right_arithmetic3A_1902 = arith.constant 1 : i32
          %shift_right_arithmetic3A_1903 = vector.broadcast %shift_right_arithmetic3A_1902 : i32 to vector<16xi32>
          %shift_right_arithmetic3A_1904 = arith.shrsi %gather3A_1897, %shift_right_arithmetic3A_1903 : vector<16xi32>
          %mul3A_1905 = arith.constant 5.000000e-01 : f32
          %mul3A_1906 = vector.broadcast %mul3A_1905 : f32 to vector<16xf32>
          %mul3A_1907 = arith.mulf %select_n3A_346, %mul3A_1906 : vector<16xf32>
          %sub3A_1908 = arith.subf %add3A_772, %mul3A_1907 : vector<16xf32>
          %mul3A_1909 = arith.constant 5.000000e-01 : f32
          %mul3A_1910 = vector.broadcast %mul3A_1909 : f32 to vector<16xf32>
          %mul3A_1911 = arith.mulf %gather3A_1892, %mul3A_1910 : vector<16xf32>
          %sub3A_1912 = arith.subf %gather3A_1884, %mul3A_1911 : vector<16xf32>
          %max3A_1913 = arith.maximumf %sub3A_1908, %sub3A_1912 : vector<16xf32>
          %mul3A_1914 = arith.constant 5.000000e-01 : f32
          %mul3A_1915 = vector.broadcast %mul3A_1914 : f32 to vector<16xf32>
          %mul3A_1916 = arith.mulf %select_n3A_347, %mul3A_1915 : vector<16xf32>
          %sub3A_1917 = arith.subf %add3A_773, %mul3A_1916 : vector<16xf32>
          %mul3A_1918 = arith.constant 5.000000e-01 : f32
          %mul3A_1919 = vector.broadcast %mul3A_1918 : f32 to vector<16xf32>
          %mul3A_1920 = arith.mulf %gather3A_1896, %mul3A_1919 : vector<16xf32>
          %sub3A_1921 = arith.subf %gather3A_1888, %mul3A_1920 : vector<16xf32>
          %max3A_1922 = arith.maximumf %sub3A_1917, %sub3A_1921 : vector<16xf32>
          %mul3A_1923 = arith.constant 5.000000e-01 : f32
          %mul3A_1924 = vector.broadcast %mul3A_1923 : f32 to vector<16xf32>
          %mul3A_1925 = arith.mulf %select_n3A_346, %mul3A_1924 : vector<16xf32>
          %add3A_1926 = arith.addf %add3A_772, %mul3A_1925 : vector<16xf32>
          %mul3A_1927 = arith.constant 5.000000e-01 : f32
          %mul3A_1928 = vector.broadcast %mul3A_1927 : f32 to vector<16xf32>
          %mul3A_1929 = arith.mulf %gather3A_1892, %mul3A_1928 : vector<16xf32>
          %add3A_1930 = arith.addf %gather3A_1884, %mul3A_1929 : vector<16xf32>
          %min3A_1931 = arith.minimumf %add3A_1926, %add3A_1930 : vector<16xf32>
          %mul3A_1932 = arith.constant 5.000000e-01 : f32
          %mul3A_1933 = vector.broadcast %mul3A_1932 : f32 to vector<16xf32>
          %mul3A_1934 = arith.mulf %select_n3A_347, %mul3A_1933 : vector<16xf32>
          %add3A_1935 = arith.addf %add3A_773, %mul3A_1934 : vector<16xf32>
          %mul3A_1936 = arith.constant 5.000000e-01 : f32
          %mul3A_1937 = vector.broadcast %mul3A_1936 : f32 to vector<16xf32>
          %mul3A_1938 = arith.mulf %gather3A_1896, %mul3A_1937 : vector<16xf32>
          %add3A_1939 = arith.addf %gather3A_1888, %mul3A_1938 : vector<16xf32>
          %min3A_1940 = arith.minimumf %add3A_1935, %add3A_1939 : vector<16xf32>
          %sub3A_1941 = arith.subf %min3A_1931, %max3A_1913 : vector<16xf32>
          %max3A_1942 = arith.constant 0.000000e+00 : f32
          %max3A_1943 = vector.broadcast %max3A_1942 : f32 to vector<16xf32>
          %max3A_1944 = arith.maximumf %sub3A_1941, %max3A_1943 : vector<16xf32>
          %sub3A_1945 = arith.subf %min3A_1940, %max3A_1922 : vector<16xf32>
          %max3A_1946 = arith.constant 0.000000e+00 : f32
          %max3A_1947 = vector.broadcast %max3A_1946 : f32 to vector<16xf32>
          %max3A_1948 = arith.maximumf %sub3A_1945, %max3A_1947 : vector<16xf32>
          %mul3A_1949 = arith.mulf %max3A_1944, %max3A_1948 : vector<16xf32>
          %mul3A_1950 = arith.mulf %select_n3A_346, %select_n3A_347 : vector<16xf32>
          %mul3A_1951 = arith.mulf %gather3A_1892, %gather3A_1896 : vector<16xf32>
          %add3A_1952 = arith.addf %mul3A_1950, %mul3A_1951 : vector<16xf32>
          %sub3A_1953 = arith.subf %add3A_1952, %mul3A_1949 : vector<16xf32>
          %div3A_1954 = arith.divf %mul3A_1949, %sub3A_1953 : vector<16xf32>
          %add3A_1955 = arith.constant 0 : i32
          %add3A_1956 = vector.broadcast %add3A_1955 : i32 to vector<16xi32>
          %add3A_1957 = arith.addi %add3A_1956, %iota3A : vector<16xi32>
          %eq3A_1958 = arith.cmpi eq, %shift_right_arithmetic3A_1904, %add3A_121 : vector<16xi32>
          %max3A_1959 = arith.maximumf %while3A_1875, %div3A_1954 : vector<16xf32>
          %eq3A_1960 = arith.cmpi eq, %gather3A_1897, %add3A_343 : vector<16xi32>
          %gt3A_1961 = vector.broadcast %while3A_1874 : i32 to vector<16xi32>
          %gt3A_1962 = arith.cmpi sgt, %gt3A_1961, %add3A_1957 : vector<16xi32>
          %and3A_1963 = arith.andi %eq3A_1960, %gt3A_1962 : vector<16xi1>
          %jit3A_1964 = arith.constant 1 : i32
          %jit3A_1965 = arith.constant 0 : i32
          %broadcast_in_dim3A_1966 = vector.broadcast %jit3A_1964 : i32 to vector<16xi32>
          %broadcast_in_dim3A_1967 = vector.broadcast %jit3A_1965 : i32 to vector<16xi32>
          %select_n3A_1968 = arith.select %and3A_1963, %broadcast_in_dim3A_1966, %broadcast_in_dim3A_1967 : vector<16xi1>, vector<16xi32>
          %or3A = arith.ori %while3A_1876, %select_n3A_1968 : vector<16xi32>
          %eq3A_1969 = arith.cmpi eq, %gather3A_1901, %convert_element_type3A : vector<16xi32>
          %and3A_1970 = arith.andi %eq3A_1958, %eq3A_1969 : vector<16xi1>
          %lt3A_1971 = vector.broadcast %while3A_1874 : i32 to vector<16xi32>
          %lt3A_1972 = arith.cmpi slt, %lt3A_1971, %add3A_1957 : vector<16xi32>
          %and3A_1973 = arith.andi %and3A_1970, %lt3A_1972 : vector<16xi1>
          %jit3A_1974 = arith.constant 1 : i32
          %jit3A_1975 = arith.constant 0 : i32
          %broadcast_in_dim3A_1976 = vector.broadcast %jit3A_1974 : i32 to vector<16xi32>
          %broadcast_in_dim3A_1977 = vector.broadcast %jit3A_1975 : i32 to vector<16xi32>
          %select_n3A_1978 = arith.select %and3A_1973, %broadcast_in_dim3A_1976, %broadcast_in_dim3A_1977 : vector<16xi1>, vector<16xi32>
          %or3A_1979 = arith.ori %while3A_1877, %select_n3A_1978 : vector<16xi32>
          %lt3A_1980 = vector.broadcast %while3A_1874 : i32 to vector<16xi32>
          %lt3A_1981 = arith.cmpi slt, %lt3A_1980, %add3A_1957 : vector<16xi32>
          %and3A_1982 = arith.andi %eq3A_1958, %lt3A_1981 : vector<16xi1>
          %jit3A_1983 = arith.constant 1 : i32
          %jit3A_1984 = arith.constant 0 : i32
          %broadcast_in_dim3A_1985 = vector.broadcast %jit3A_1983 : i32 to vector<16xi32>
          %broadcast_in_dim3A_1986 = vector.broadcast %jit3A_1984 : i32 to vector<16xi32>
          %select_n3A_1987 = arith.select %and3A_1982, %broadcast_in_dim3A_1985, %broadcast_in_dim3A_1986 : vector<16xi1>, vector<16xi32>
          %or3A_1988 = arith.ori %while3A_1878, %select_n3A_1987 : vector<16xi32>
          %mul3A_1989 = arith.constant 5.000000e-01 : f32
          %mul3A_1990 = vector.broadcast %mul3A_1989 : f32 to vector<16xf32>
          %mul3A_1991 = arith.mulf %select_n3A_1044, %mul3A_1990 : vector<16xf32>
          %sub3A_1992 = arith.subf %add3A_1470, %mul3A_1991 : vector<16xf32>
          %mul3A_1993 = arith.constant 5.000000e-01 : f32
          %mul3A_1994 = vector.broadcast %mul3A_1993 : f32 to vector<16xf32>
          %mul3A_1995 = arith.mulf %gather3A_1892, %mul3A_1994 : vector<16xf32>
          %sub3A_1996 = arith.subf %gather3A_1884, %mul3A_1995 : vector<16xf32>
          %max3A_1997 = arith.maximumf %sub3A_1992, %sub3A_1996 : vector<16xf32>
          %mul3A_1998 = arith.constant 5.000000e-01 : f32
          %mul3A_1999 = vector.broadcast %mul3A_1998 : f32 to vector<16xf32>
          %mul3A_2000 = arith.mulf %select_n3A_1045, %mul3A_1999 : vector<16xf32>
          %sub3A_2001 = arith.subf %add3A_1471, %mul3A_2000 : vector<16xf32>
          %mul3A_2002 = arith.constant 5.000000e-01 : f32
          %mul3A_2003 = vector.broadcast %mul3A_2002 : f32 to vector<16xf32>
          %mul3A_2004 = arith.mulf %gather3A_1896, %mul3A_2003 : vector<16xf32>
          %sub3A_2005 = arith.subf %gather3A_1888, %mul3A_2004 : vector<16xf32>
          %max3A_2006 = arith.maximumf %sub3A_2001, %sub3A_2005 : vector<16xf32>
          %mul3A_2007 = arith.constant 5.000000e-01 : f32
          %mul3A_2008 = vector.broadcast %mul3A_2007 : f32 to vector<16xf32>
          %mul3A_2009 = arith.mulf %select_n3A_1044, %mul3A_2008 : vector<16xf32>
          %add3A_2010 = arith.addf %add3A_1470, %mul3A_2009 : vector<16xf32>
          %mul3A_2011 = arith.constant 5.000000e-01 : f32
          %mul3A_2012 = vector.broadcast %mul3A_2011 : f32 to vector<16xf32>
          %mul3A_2013 = arith.mulf %gather3A_1892, %mul3A_2012 : vector<16xf32>
          %add3A_2014 = arith.addf %gather3A_1884, %mul3A_2013 : vector<16xf32>
          %min3A_2015 = arith.minimumf %add3A_2010, %add3A_2014 : vector<16xf32>
          %mul3A_2016 = arith.constant 5.000000e-01 : f32
          %mul3A_2017 = vector.broadcast %mul3A_2016 : f32 to vector<16xf32>
          %mul3A_2018 = arith.mulf %select_n3A_1045, %mul3A_2017 : vector<16xf32>
          %add3A_2019 = arith.addf %add3A_1471, %mul3A_2018 : vector<16xf32>
          %mul3A_2020 = arith.constant 5.000000e-01 : f32
          %mul3A_2021 = vector.broadcast %mul3A_2020 : f32 to vector<16xf32>
          %mul3A_2022 = arith.mulf %gather3A_1896, %mul3A_2021 : vector<16xf32>
          %add3A_2023 = arith.addf %gather3A_1888, %mul3A_2022 : vector<16xf32>
          %min3A_2024 = arith.minimumf %add3A_2019, %add3A_2023 : vector<16xf32>
          %sub3A_2025 = arith.subf %min3A_2015, %max3A_1997 : vector<16xf32>
          %max3A_2026 = arith.constant 0.000000e+00 : f32
          %max3A_2027 = vector.broadcast %max3A_2026 : f32 to vector<16xf32>
          %max3A_2028 = arith.maximumf %sub3A_2025, %max3A_2027 : vector<16xf32>
          %sub3A_2029 = arith.subf %min3A_2024, %max3A_2006 : vector<16xf32>
          %max3A_2030 = arith.constant 0.000000e+00 : f32
          %max3A_2031 = vector.broadcast %max3A_2030 : f32 to vector<16xf32>
          %max3A_2032 = arith.maximumf %sub3A_2029, %max3A_2031 : vector<16xf32>
          %mul3A_2033 = arith.mulf %max3A_2028, %max3A_2032 : vector<16xf32>
          %mul3A_2034 = arith.mulf %select_n3A_1044, %select_n3A_1045 : vector<16xf32>
          %mul3A_2035 = arith.mulf %gather3A_1892, %gather3A_1896 : vector<16xf32>
          %add3A_2036 = arith.addf %mul3A_2034, %mul3A_2035 : vector<16xf32>
          %sub3A_2037 = arith.subf %add3A_2036, %mul3A_2033 : vector<16xf32>
          %div3A_2038 = arith.divf %mul3A_2033, %sub3A_2037 : vector<16xf32>
          %add3A_2039 = arith.constant 16 : i32
          %add3A_2040 = vector.broadcast %add3A_2039 : i32 to vector<16xi32>
          %add3A_2041 = arith.addi %add3A_2040, %iota3A : vector<16xi32>
          %eq3A_2042 = arith.cmpi eq, %shift_right_arithmetic3A_1904, %add3A_813 : vector<16xi32>
          %max3A_2043 = arith.maximumf %while3A_1879, %div3A_2038 : vector<16xf32>
          %eq3A_2044 = arith.cmpi eq, %gather3A_1897, %add3A_1041 : vector<16xi32>
          %gt3A_2045 = vector.broadcast %while3A_1874 : i32 to vector<16xi32>
          %gt3A_2046 = arith.cmpi sgt, %gt3A_2045, %add3A_2041 : vector<16xi32>
          %and3A_2047 = arith.andi %eq3A_2044, %gt3A_2046 : vector<16xi1>
          %jit3A_2048 = arith.constant 1 : i32
          %jit3A_2049 = arith.constant 0 : i32
          %broadcast_in_dim3A_2050 = vector.broadcast %jit3A_2048 : i32 to vector<16xi32>
          %broadcast_in_dim3A_2051 = vector.broadcast %jit3A_2049 : i32 to vector<16xi32>
          %select_n3A_2052 = arith.select %and3A_2047, %broadcast_in_dim3A_2050, %broadcast_in_dim3A_2051 : vector<16xi1>, vector<16xi32>
          %or3A_2053 = arith.ori %while3A_1880, %select_n3A_2052 : vector<16xi32>
          %eq3A_2054 = arith.cmpi eq, %gather3A_1901, %convert_element_type3A_805 : vector<16xi32>
          %and3A_2055 = arith.andi %eq3A_2042, %eq3A_2054 : vector<16xi1>
          %lt3A_2056 = vector.broadcast %while3A_1874 : i32 to vector<16xi32>
          %lt3A_2057 = arith.cmpi slt, %lt3A_2056, %add3A_2041 : vector<16xi32>
          %and3A_2058 = arith.andi %and3A_2055, %lt3A_2057 : vector<16xi1>
          %jit3A_2059 = arith.constant 1 : i32
          %jit3A_2060 = arith.constant 0 : i32
          %broadcast_in_dim3A_2061 = vector.broadcast %jit3A_2059 : i32 to vector<16xi32>
          %broadcast_in_dim3A_2062 = vector.broadcast %jit3A_2060 : i32 to vector<16xi32>
          %select_n3A_2063 = arith.select %and3A_2058, %broadcast_in_dim3A_2061, %broadcast_in_dim3A_2062 : vector<16xi1>, vector<16xi32>
          %or3A_2064 = arith.ori %while3A_1881, %select_n3A_2063 : vector<16xi32>
          %lt3A_2065 = vector.broadcast %while3A_1874 : i32 to vector<16xi32>
          %lt3A_2066 = arith.cmpi slt, %lt3A_2065, %add3A_2041 : vector<16xi32>
          %and3A_2067 = arith.andi %eq3A_2042, %lt3A_2066 : vector<16xi1>
          %jit3A_2068 = arith.constant 1 : i32
          %jit3A_2069 = arith.constant 0 : i32
          %broadcast_in_dim3A_2070 = vector.broadcast %jit3A_2068 : i32 to vector<16xi32>
          %broadcast_in_dim3A_2071 = vector.broadcast %jit3A_2069 : i32 to vector<16xi32>
          %select_n3A_2072 = arith.select %and3A_2067, %broadcast_in_dim3A_2070, %broadcast_in_dim3A_2071 : vector<16xi1>, vector<16xi32>
          %or3A_2073 = arith.ori %while3A_1882, %select_n3A_2072 : vector<16xi32>
          scf.yield %max3A_1959, %or3A, %or3A_1979, %or3A_1988, %max3A_2043, %or3A_2053, %or3A_2064, %or3A_2073 : vector<16xf32>, vector<16xi32>, vector<16xi32>, vector<16xi32>, vector<16xf32>, vector<16xi32>, vector<16xi32>, vector<16xi32>
        }
        %eq3A_1484 = arith.constant 0 : i32
        %eq3A_1485 = vector.broadcast %eq3A_1484 : i32 to vector<16xi32>
        %eq3A_1486 = arith.cmpi eq, %while3A_1483#1, %eq3A_1485 : vector<16xi32>
        %and3A_1487 = arith.andi %and3A, %eq3A_1486 : vector<16xi1>
        %eq3A_1488 = arith.constant 0 : i32
        %eq3A_1489 = vector.broadcast %eq3A_1488 : i32 to vector<16xi32>
        %eq3A_1490 = arith.cmpi eq, %while3A_1483#3, %eq3A_1489 : vector<16xi32>
        %and3A_1491 = arith.andi %and3A, %eq3A_1490 : vector<16xi1>
        %eq3A_1492 = arith.constant 0 : i32
        %eq3A_1493 = vector.broadcast %eq3A_1492 : i32 to vector<16xi32>
        %eq3A_1494 = arith.cmpi eq, %while3A_1483#2, %eq3A_1493 : vector<16xi32>
        %and3A_1495 = arith.andi %and3A, %eq3A_1494 : vector<16xi1>
        %sub3A_1496 = arith.subf %select_n3A_344, %sub3A_774 : vector<16xf32>
        %mul3A_1497 = arith.mulf %sub3A_1496, %sub3A_1496 : vector<16xf32>
        %sub3A_1498 = arith.subf %select_n3A_345, %sub3A_775 : vector<16xf32>
        %mul3A_1499 = arith.mulf %sub3A_1498, %sub3A_1498 : vector<16xf32>
        %add3A_1500 = arith.addf %mul3A_1497, %mul3A_1499 : vector<16xf32>
        %bitcast3A = vector.bitcast %select_n3A_346 : vector<16xf32> to vector<16xi32>
        %shift_right_arithmetic3A = arith.constant 1 : i32
        %shift_right_arithmetic3A_1501 = vector.broadcast %shift_right_arithmetic3A : i32 to vector<16xi32>
        %shift_right_arithmetic3A_1502 = arith.shrsi %bitcast3A, %shift_right_arithmetic3A_1501 : vector<16xi32>
        %sub3A_1503 = arith.constant 1597463007 : i32
        %sub3A_1504 = vector.broadcast %sub3A_1503 : i32 to vector<16xi32>
        %sub3A_1505 = arith.subi %sub3A_1504, %shift_right_arithmetic3A_1502 : vector<16xi32>
        %bitcast3A_1506 = vector.bitcast %sub3A_1505 : vector<16xi32> to vector<16xf32>
        %mul3A_1507 = arith.constant 5.000000e-01 : f32
        %mul3A_1508 = vector.broadcast %mul3A_1507 : f32 to vector<16xf32>
        %mul3A_1509 = arith.mulf %mul3A_1508, %select_n3A_346 : vector<16xf32>
        %mul3A_1510 = arith.mulf %mul3A_1509, %bitcast3A_1506 : vector<16xf32>
        %mul3A_1511 = arith.mulf %mul3A_1510, %bitcast3A_1506 : vector<16xf32>
        %sub3A_1512 = arith.constant 1.500000e+00 : f32
        %sub3A_1513 = vector.broadcast %sub3A_1512 : f32 to vector<16xf32>
        %sub3A_1514 = arith.subf %sub3A_1513, %mul3A_1511 : vector<16xf32>
        %mul3A_1515 = arith.mulf %bitcast3A_1506, %sub3A_1514 : vector<16xf32>
        %mul3A_1516 = arith.mulf %mul3A_1509, %mul3A_1515 : vector<16xf32>
        %mul3A_1517 = arith.mulf %mul3A_1516, %mul3A_1515 : vector<16xf32>
        %sub3A_1518 = arith.constant 1.500000e+00 : f32
        %sub3A_1519 = vector.broadcast %sub3A_1518 : f32 to vector<16xf32>
        %sub3A_1520 = arith.subf %sub3A_1519, %mul3A_1517 : vector<16xf32>
        %mul3A_1521 = arith.mulf %mul3A_1515, %sub3A_1520 : vector<16xf32>
        %mul3A_1522 = arith.mulf %mul3A_1509, %mul3A_1521 : vector<16xf32>
        %mul3A_1523 = arith.mulf %mul3A_1522, %mul3A_1521 : vector<16xf32>
        %sub3A_1524 = arith.constant 1.500000e+00 : f32
        %sub3A_1525 = vector.broadcast %sub3A_1524 : f32 to vector<16xf32>
        %sub3A_1526 = arith.subf %sub3A_1525, %mul3A_1523 : vector<16xf32>
        %mul3A_1527 = arith.mulf %mul3A_1521, %sub3A_1526 : vector<16xf32>
        %mul3A_1528 = arith.mulf %mul3A_1509, %mul3A_1527 : vector<16xf32>
        %mul3A_1529 = arith.mulf %mul3A_1528, %mul3A_1527 : vector<16xf32>
        %sub3A_1530 = arith.constant 1.500000e+00 : f32
        %sub3A_1531 = vector.broadcast %sub3A_1530 : f32 to vector<16xf32>
        %sub3A_1532 = arith.subf %sub3A_1531, %mul3A_1529 : vector<16xf32>
        %mul3A_1533 = arith.mulf %mul3A_1527, %sub3A_1532 : vector<16xf32>
        %mul3A_1534 = arith.mulf %select_n3A_346, %mul3A_1533 : vector<16xf32>
        %bitcast3A_1535 = vector.bitcast %gather3A_51 : vector<16xf32> to vector<16xi32>
        %shift_right_arithmetic3A_1536 = arith.constant 1 : i32
        %shift_right_arithmetic3A_1537 = vector.broadcast %shift_right_arithmetic3A_1536 : i32 to vector<16xi32>
        %shift_right_arithmetic3A_1538 = arith.shrsi %bitcast3A_1535, %shift_right_arithmetic3A_1537 : vector<16xi32>
        %sub3A_1539 = arith.constant 1597463007 : i32
        %sub3A_1540 = vector.broadcast %sub3A_1539 : i32 to vector<16xi32>
        %sub3A_1541 = arith.subi %sub3A_1540, %shift_right_arithmetic3A_1538 : vector<16xi32>
        %bitcast3A_1542 = vector.bitcast %sub3A_1541 : vector<16xi32> to vector<16xf32>
        %mul3A_1543 = arith.constant 5.000000e-01 : f32
        %mul3A_1544 = vector.broadcast %mul3A_1543 : f32 to vector<16xf32>
        %mul3A_1545 = arith.mulf %mul3A_1544, %gather3A_51 : vector<16xf32>
        %mul3A_1546 = arith.mulf %mul3A_1545, %bitcast3A_1542 : vector<16xf32>
        %mul3A_1547 = arith.mulf %mul3A_1546, %bitcast3A_1542 : vector<16xf32>
        %sub3A_1548 = arith.constant 1.500000e+00 : f32
        %sub3A_1549 = vector.broadcast %sub3A_1548 : f32 to vector<16xf32>
        %sub3A_1550 = arith.subf %sub3A_1549, %mul3A_1547 : vector<16xf32>
        %mul3A_1551 = arith.mulf %bitcast3A_1542, %sub3A_1550 : vector<16xf32>
        %mul3A_1552 = arith.mulf %mul3A_1545, %mul3A_1551 : vector<16xf32>
        %mul3A_1553 = arith.mulf %mul3A_1552, %mul3A_1551 : vector<16xf32>
        %sub3A_1554 = arith.constant 1.500000e+00 : f32
        %sub3A_1555 = vector.broadcast %sub3A_1554 : f32 to vector<16xf32>
        %sub3A_1556 = arith.subf %sub3A_1555, %mul3A_1553 : vector<16xf32>
        %mul3A_1557 = arith.mulf %mul3A_1551, %sub3A_1556 : vector<16xf32>
        %mul3A_1558 = arith.mulf %mul3A_1545, %mul3A_1557 : vector<16xf32>
        %mul3A_1559 = arith.mulf %mul3A_1558, %mul3A_1557 : vector<16xf32>
        %sub3A_1560 = arith.constant 1.500000e+00 : f32
        %sub3A_1561 = vector.broadcast %sub3A_1560 : f32 to vector<16xf32>
        %sub3A_1562 = arith.subf %sub3A_1561, %mul3A_1559 : vector<16xf32>
        %mul3A_1563 = arith.mulf %mul3A_1557, %sub3A_1562 : vector<16xf32>
        %mul3A_1564 = arith.mulf %mul3A_1545, %mul3A_1563 : vector<16xf32>
        %mul3A_1565 = arith.mulf %mul3A_1564, %mul3A_1563 : vector<16xf32>
        %sub3A_1566 = arith.constant 1.500000e+00 : f32
        %sub3A_1567 = vector.broadcast %sub3A_1566 : f32 to vector<16xf32>
        %sub3A_1568 = arith.subf %sub3A_1567, %mul3A_1565 : vector<16xf32>
        %mul3A_1569 = arith.mulf %mul3A_1563, %sub3A_1568 : vector<16xf32>
        %mul3A_1570 = arith.mulf %gather3A_51, %mul3A_1569 : vector<16xf32>
        %sub3A_1571 = arith.subf %mul3A_1534, %mul3A_1570 : vector<16xf32>
        %mul3A_1572 = arith.mulf %sub3A_1571, %sub3A_1571 : vector<16xf32>
        %add3A_1573 = arith.addf %add3A_1500, %mul3A_1572 : vector<16xf32>
        %bitcast3A_1574 = vector.bitcast %select_n3A_347 : vector<16xf32> to vector<16xi32>
        %shift_right_arithmetic3A_1575 = arith.constant 1 : i32
        %shift_right_arithmetic3A_1576 = vector.broadcast %shift_right_arithmetic3A_1575 : i32 to vector<16xi32>
        %shift_right_arithmetic3A_1577 = arith.shrsi %bitcast3A_1574, %shift_right_arithmetic3A_1576 : vector<16xi32>
        %sub3A_1578 = arith.constant 1597463007 : i32
        %sub3A_1579 = vector.broadcast %sub3A_1578 : i32 to vector<16xi32>
        %sub3A_1580 = arith.subi %sub3A_1579, %shift_right_arithmetic3A_1577 : vector<16xi32>
        %bitcast3A_1581 = vector.bitcast %sub3A_1580 : vector<16xi32> to vector<16xf32>
        %mul3A_1582 = arith.constant 5.000000e-01 : f32
        %mul3A_1583 = vector.broadcast %mul3A_1582 : f32 to vector<16xf32>
        %mul3A_1584 = arith.mulf %mul3A_1583, %select_n3A_347 : vector<16xf32>
        %mul3A_1585 = arith.mulf %mul3A_1584, %bitcast3A_1581 : vector<16xf32>
        %mul3A_1586 = arith.mulf %mul3A_1585, %bitcast3A_1581 : vector<16xf32>
        %sub3A_1587 = arith.constant 1.500000e+00 : f32
        %sub3A_1588 = vector.broadcast %sub3A_1587 : f32 to vector<16xf32>
        %sub3A_1589 = arith.subf %sub3A_1588, %mul3A_1586 : vector<16xf32>
        %mul3A_1590 = arith.mulf %bitcast3A_1581, %sub3A_1589 : vector<16xf32>
        %mul3A_1591 = arith.mulf %mul3A_1584, %mul3A_1590 : vector<16xf32>
        %mul3A_1592 = arith.mulf %mul3A_1591, %mul3A_1590 : vector<16xf32>
        %sub3A_1593 = arith.constant 1.500000e+00 : f32
        %sub3A_1594 = vector.broadcast %sub3A_1593 : f32 to vector<16xf32>
        %sub3A_1595 = arith.subf %sub3A_1594, %mul3A_1592 : vector<16xf32>
        %mul3A_1596 = arith.mulf %mul3A_1590, %sub3A_1595 : vector<16xf32>
        %mul3A_1597 = arith.mulf %mul3A_1584, %mul3A_1596 : vector<16xf32>
        %mul3A_1598 = arith.mulf %mul3A_1597, %mul3A_1596 : vector<16xf32>
        %sub3A_1599 = arith.constant 1.500000e+00 : f32
        %sub3A_1600 = vector.broadcast %sub3A_1599 : f32 to vector<16xf32>
        %sub3A_1601 = arith.subf %sub3A_1600, %mul3A_1598 : vector<16xf32>
        %mul3A_1602 = arith.mulf %mul3A_1596, %sub3A_1601 : vector<16xf32>
        %mul3A_1603 = arith.mulf %mul3A_1584, %mul3A_1602 : vector<16xf32>
        %mul3A_1604 = arith.mulf %mul3A_1603, %mul3A_1602 : vector<16xf32>
        %sub3A_1605 = arith.constant 1.500000e+00 : f32
        %sub3A_1606 = vector.broadcast %sub3A_1605 : f32 to vector<16xf32>
        %sub3A_1607 = arith.subf %sub3A_1606, %mul3A_1604 : vector<16xf32>
        %mul3A_1608 = arith.mulf %mul3A_1602, %sub3A_1607 : vector<16xf32>
        %mul3A_1609 = arith.mulf %select_n3A_347, %mul3A_1608 : vector<16xf32>
        %bitcast3A_1610 = vector.bitcast %gather3A_55 : vector<16xf32> to vector<16xi32>
        %shift_right_arithmetic3A_1611 = arith.constant 1 : i32
        %shift_right_arithmetic3A_1612 = vector.broadcast %shift_right_arithmetic3A_1611 : i32 to vector<16xi32>
        %shift_right_arithmetic3A_1613 = arith.shrsi %bitcast3A_1610, %shift_right_arithmetic3A_1612 : vector<16xi32>
        %sub3A_1614 = arith.constant 1597463007 : i32
        %sub3A_1615 = vector.broadcast %sub3A_1614 : i32 to vector<16xi32>
        %sub3A_1616 = arith.subi %sub3A_1615, %shift_right_arithmetic3A_1613 : vector<16xi32>
        %bitcast3A_1617 = vector.bitcast %sub3A_1616 : vector<16xi32> to vector<16xf32>
        %mul3A_1618 = arith.constant 5.000000e-01 : f32
        %mul3A_1619 = vector.broadcast %mul3A_1618 : f32 to vector<16xf32>
        %mul3A_1620 = arith.mulf %mul3A_1619, %gather3A_55 : vector<16xf32>
        %mul3A_1621 = arith.mulf %mul3A_1620, %bitcast3A_1617 : vector<16xf32>
        %mul3A_1622 = arith.mulf %mul3A_1621, %bitcast3A_1617 : vector<16xf32>
        %sub3A_1623 = arith.constant 1.500000e+00 : f32
        %sub3A_1624 = vector.broadcast %sub3A_1623 : f32 to vector<16xf32>
        %sub3A_1625 = arith.subf %sub3A_1624, %mul3A_1622 : vector<16xf32>
        %mul3A_1626 = arith.mulf %bitcast3A_1617, %sub3A_1625 : vector<16xf32>
        %mul3A_1627 = arith.mulf %mul3A_1620, %mul3A_1626 : vector<16xf32>
        %mul3A_1628 = arith.mulf %mul3A_1627, %mul3A_1626 : vector<16xf32>
        %sub3A_1629 = arith.constant 1.500000e+00 : f32
        %sub3A_1630 = vector.broadcast %sub3A_1629 : f32 to vector<16xf32>
        %sub3A_1631 = arith.subf %sub3A_1630, %mul3A_1628 : vector<16xf32>
        %mul3A_1632 = arith.mulf %mul3A_1626, %sub3A_1631 : vector<16xf32>
        %mul3A_1633 = arith.mulf %mul3A_1620, %mul3A_1632 : vector<16xf32>
        %mul3A_1634 = arith.mulf %mul3A_1633, %mul3A_1632 : vector<16xf32>
        %sub3A_1635 = arith.constant 1.500000e+00 : f32
        %sub3A_1636 = vector.broadcast %sub3A_1635 : f32 to vector<16xf32>
        %sub3A_1637 = arith.subf %sub3A_1636, %mul3A_1634 : vector<16xf32>
        %mul3A_1638 = arith.mulf %mul3A_1632, %sub3A_1637 : vector<16xf32>
        %mul3A_1639 = arith.mulf %mul3A_1620, %mul3A_1638 : vector<16xf32>
        %mul3A_1640 = arith.mulf %mul3A_1639, %mul3A_1638 : vector<16xf32>
        %sub3A_1641 = arith.constant 1.500000e+00 : f32
        %sub3A_1642 = vector.broadcast %sub3A_1641 : f32 to vector<16xf32>
        %sub3A_1643 = arith.subf %sub3A_1642, %mul3A_1640 : vector<16xf32>
        %mul3A_1644 = arith.mulf %mul3A_1638, %sub3A_1643 : vector<16xf32>
        %mul3A_1645 = arith.mulf %gather3A_55, %mul3A_1644 : vector<16xf32>
        %sub3A_1646 = arith.subf %mul3A_1609, %mul3A_1645 : vector<16xf32>
        %mul3A_1647 = arith.mulf %sub3A_1646, %sub3A_1646 : vector<16xf32>
        %add3A_1648 = arith.addf %add3A_1573, %mul3A_1647 : vector<16xf32>
        %sub3A_1649 = arith.subf %div3A_362, %while3A_1483#0 : vector<16xf32>
        %mul3A_1650 = arith.mulf %sub3A_1649, %sub3A_1649 : vector<16xf32>
        %mul3A_1651 = arith.mulf %div3A_362, %div3A_362 : vector<16xf32>
        %mul3A_1652 = arith.constant 2.500000e-01 : f32
        %mul3A_1653 = vector.broadcast %mul3A_1652 : f32 to vector<16xf32>
        %mul3A_1654 = arith.mulf %mul3A_1653, %mul3A_1651 : vector<16xf32>
        %sub3A_1655 = arith.subf %mul3A_1650, %mul3A_1654 : vector<16xf32>
        %mul3A_1656 = arith.constant 5.000000e+00 : f32
        %mul3A_1657 = vector.broadcast %mul3A_1656 : f32 to vector<16xf32>
        %mul3A_1658 = arith.mulf %mul3A_1657, %add3A_1648 : vector<16xf32>
        %add3A_1659 = arith.addf %sub3A_1655, %mul3A_1658 : vector<16xf32>
        %jit3A_1660 = arith.constant 0.000000e+00 : f32
        %broadcast_in_dim3A_1661 = vector.broadcast %jit3A_1660 : f32 to vector<16xf32>
        %select_n3A_1662 = arith.select %and3A_1487, %add3A_1659, %broadcast_in_dim3A_1661 : vector<16xi1>, vector<16xf32>
        %jit3A_1663 = arith.constant 0.000000e+00 : f32
        %broadcast_in_dim3A_1664 = vector.broadcast %jit3A_1663 : f32 to vector<16xf32>
        %select_n3A_1665 = arith.select %and3A_1491, %add3A_759, %broadcast_in_dim3A_1664 : vector<16xi1>, vector<16xf32>
        %add3A_1666 = arith.addf %select_n3A_1662, %select_n3A_1665 : vector<16xf32>
        %mul3A_1667 = arith.constant 2.000000e+00 : f32
        %mul3A_1668 = vector.broadcast %mul3A_1667 : f32 to vector<16xf32>
        %mul3A_1669 = arith.mulf %mul3A_1668, %div3A_377 : vector<16xf32>
        %sub3A_1670 = arith.constant 1.000000e+00 : f32
        %sub3A_1671 = vector.broadcast %sub3A_1670 : f32 to vector<16xf32>
        %sub3A_1672 = arith.subf %sub3A_1671, %mul3A_1669 : vector<16xf32>
        %jit3A_1673 = arith.constant 0.000000e+00 : f32
        %broadcast_in_dim3A_1674 = vector.broadcast %jit3A_1673 : f32 to vector<16xf32>
        %select_n3A_1675 = arith.select %and3A_1495, %sub3A_1672, %broadcast_in_dim3A_1674 : vector<16xi1>, vector<16xf32>
        %add3A_1676 = arith.addf %add3A_1666, %select_n3A_1675 : vector<16xf32>
        %add3A_1677 = arith.addf %broadcast_in_dim3A_783, %add3A_1676 : vector<16xf32>
        %eq3A_1678 = arith.constant 0 : i32
        %eq3A_1679 = vector.broadcast %eq3A_1678 : i32 to vector<16xi32>
        %eq3A_1680 = arith.cmpi eq, %while3A_1483#5, %eq3A_1679 : vector<16xi32>
        %and3A_1681 = arith.andi %and3A_104, %eq3A_1680 : vector<16xi1>
        %eq3A_1682 = arith.constant 0 : i32
        %eq3A_1683 = vector.broadcast %eq3A_1682 : i32 to vector<16xi32>
        %eq3A_1684 = arith.cmpi eq, %while3A_1483#7, %eq3A_1683 : vector<16xi32>
        %and3A_1685 = arith.andi %and3A_104, %eq3A_1684 : vector<16xi1>
        %eq3A_1686 = arith.constant 0 : i32
        %eq3A_1687 = vector.broadcast %eq3A_1686 : i32 to vector<16xi32>
        %eq3A_1688 = arith.cmpi eq, %while3A_1483#6, %eq3A_1687 : vector<16xi32>
        %and3A_1689 = arith.andi %and3A_104, %eq3A_1688 : vector<16xi1>
        %sub3A_1690 = arith.subf %select_n3A_1042, %sub3A_1472 : vector<16xf32>
        %mul3A_1691 = arith.mulf %sub3A_1690, %sub3A_1690 : vector<16xf32>
        %sub3A_1692 = arith.subf %select_n3A_1043, %sub3A_1473 : vector<16xf32>
        %mul3A_1693 = arith.mulf %sub3A_1692, %sub3A_1692 : vector<16xf32>
        %add3A_1694 = arith.addf %mul3A_1691, %mul3A_1693 : vector<16xf32>
        %bitcast3A_1695 = vector.bitcast %select_n3A_1044 : vector<16xf32> to vector<16xi32>
        %shift_right_arithmetic3A_1696 = arith.constant 1 : i32
        %shift_right_arithmetic3A_1697 = vector.broadcast %shift_right_arithmetic3A_1696 : i32 to vector<16xi32>
        %shift_right_arithmetic3A_1698 = arith.shrsi %bitcast3A_1695, %shift_right_arithmetic3A_1697 : vector<16xi32>
        %sub3A_1699 = arith.constant 1597463007 : i32
        %sub3A_1700 = vector.broadcast %sub3A_1699 : i32 to vector<16xi32>
        %sub3A_1701 = arith.subi %sub3A_1700, %shift_right_arithmetic3A_1698 : vector<16xi32>
        %bitcast3A_1702 = vector.bitcast %sub3A_1701 : vector<16xi32> to vector<16xf32>
        %mul3A_1703 = arith.constant 5.000000e-01 : f32
        %mul3A_1704 = vector.broadcast %mul3A_1703 : f32 to vector<16xf32>
        %mul3A_1705 = arith.mulf %mul3A_1704, %select_n3A_1044 : vector<16xf32>
        %mul3A_1706 = arith.mulf %mul3A_1705, %bitcast3A_1702 : vector<16xf32>
        %mul3A_1707 = arith.mulf %mul3A_1706, %bitcast3A_1702 : vector<16xf32>
        %sub3A_1708 = arith.constant 1.500000e+00 : f32
        %sub3A_1709 = vector.broadcast %sub3A_1708 : f32 to vector<16xf32>
        %sub3A_1710 = arith.subf %sub3A_1709, %mul3A_1707 : vector<16xf32>
        %mul3A_1711 = arith.mulf %bitcast3A_1702, %sub3A_1710 : vector<16xf32>
        %mul3A_1712 = arith.mulf %mul3A_1705, %mul3A_1711 : vector<16xf32>
        %mul3A_1713 = arith.mulf %mul3A_1712, %mul3A_1711 : vector<16xf32>
        %sub3A_1714 = arith.constant 1.500000e+00 : f32
        %sub3A_1715 = vector.broadcast %sub3A_1714 : f32 to vector<16xf32>
        %sub3A_1716 = arith.subf %sub3A_1715, %mul3A_1713 : vector<16xf32>
        %mul3A_1717 = arith.mulf %mul3A_1711, %sub3A_1716 : vector<16xf32>
        %mul3A_1718 = arith.mulf %mul3A_1705, %mul3A_1717 : vector<16xf32>
        %mul3A_1719 = arith.mulf %mul3A_1718, %mul3A_1717 : vector<16xf32>
        %sub3A_1720 = arith.constant 1.500000e+00 : f32
        %sub3A_1721 = vector.broadcast %sub3A_1720 : f32 to vector<16xf32>
        %sub3A_1722 = arith.subf %sub3A_1721, %mul3A_1719 : vector<16xf32>
        %mul3A_1723 = arith.mulf %mul3A_1717, %sub3A_1722 : vector<16xf32>
        %mul3A_1724 = arith.mulf %mul3A_1705, %mul3A_1723 : vector<16xf32>
        %mul3A_1725 = arith.mulf %mul3A_1724, %mul3A_1723 : vector<16xf32>
        %sub3A_1726 = arith.constant 1.500000e+00 : f32
        %sub3A_1727 = vector.broadcast %sub3A_1726 : f32 to vector<16xf32>
        %sub3A_1728 = arith.subf %sub3A_1727, %mul3A_1725 : vector<16xf32>
        %mul3A_1729 = arith.mulf %mul3A_1723, %sub3A_1728 : vector<16xf32>
        %mul3A_1730 = arith.mulf %select_n3A_1044, %mul3A_1729 : vector<16xf32>
        %bitcast3A_1731 = vector.bitcast %gather3A_88 : vector<16xf32> to vector<16xi32>
        %shift_right_arithmetic3A_1732 = arith.constant 1 : i32
        %shift_right_arithmetic3A_1733 = vector.broadcast %shift_right_arithmetic3A_1732 : i32 to vector<16xi32>
        %shift_right_arithmetic3A_1734 = arith.shrsi %bitcast3A_1731, %shift_right_arithmetic3A_1733 : vector<16xi32>
        %sub3A_1735 = arith.constant 1597463007 : i32
        %sub3A_1736 = vector.broadcast %sub3A_1735 : i32 to vector<16xi32>
        %sub3A_1737 = arith.subi %sub3A_1736, %shift_right_arithmetic3A_1734 : vector<16xi32>
        %bitcast3A_1738 = vector.bitcast %sub3A_1737 : vector<16xi32> to vector<16xf32>
        %mul3A_1739 = arith.constant 5.000000e-01 : f32
        %mul3A_1740 = vector.broadcast %mul3A_1739 : f32 to vector<16xf32>
        %mul3A_1741 = arith.mulf %mul3A_1740, %gather3A_88 : vector<16xf32>
        %mul3A_1742 = arith.mulf %mul3A_1741, %bitcast3A_1738 : vector<16xf32>
        %mul3A_1743 = arith.mulf %mul3A_1742, %bitcast3A_1738 : vector<16xf32>
        %sub3A_1744 = arith.constant 1.500000e+00 : f32
        %sub3A_1745 = vector.broadcast %sub3A_1744 : f32 to vector<16xf32>
        %sub3A_1746 = arith.subf %sub3A_1745, %mul3A_1743 : vector<16xf32>
        %mul3A_1747 = arith.mulf %bitcast3A_1738, %sub3A_1746 : vector<16xf32>
        %mul3A_1748 = arith.mulf %mul3A_1741, %mul3A_1747 : vector<16xf32>
        %mul3A_1749 = arith.mulf %mul3A_1748, %mul3A_1747 : vector<16xf32>
        %sub3A_1750 = arith.constant 1.500000e+00 : f32
        %sub3A_1751 = vector.broadcast %sub3A_1750 : f32 to vector<16xf32>
        %sub3A_1752 = arith.subf %sub3A_1751, %mul3A_1749 : vector<16xf32>
        %mul3A_1753 = arith.mulf %mul3A_1747, %sub3A_1752 : vector<16xf32>
        %mul3A_1754 = arith.mulf %mul3A_1741, %mul3A_1753 : vector<16xf32>
        %mul3A_1755 = arith.mulf %mul3A_1754, %mul3A_1753 : vector<16xf32>
        %sub3A_1756 = arith.constant 1.500000e+00 : f32
        %sub3A_1757 = vector.broadcast %sub3A_1756 : f32 to vector<16xf32>
        %sub3A_1758 = arith.subf %sub3A_1757, %mul3A_1755 : vector<16xf32>
        %mul3A_1759 = arith.mulf %mul3A_1753, %sub3A_1758 : vector<16xf32>
        %mul3A_1760 = arith.mulf %mul3A_1741, %mul3A_1759 : vector<16xf32>
        %mul3A_1761 = arith.mulf %mul3A_1760, %mul3A_1759 : vector<16xf32>
        %sub3A_1762 = arith.constant 1.500000e+00 : f32
        %sub3A_1763 = vector.broadcast %sub3A_1762 : f32 to vector<16xf32>
        %sub3A_1764 = arith.subf %sub3A_1763, %mul3A_1761 : vector<16xf32>
        %mul3A_1765 = arith.mulf %mul3A_1759, %sub3A_1764 : vector<16xf32>
        %mul3A_1766 = arith.mulf %gather3A_88, %mul3A_1765 : vector<16xf32>
        %sub3A_1767 = arith.subf %mul3A_1730, %mul3A_1766 : vector<16xf32>
        %mul3A_1768 = arith.mulf %sub3A_1767, %sub3A_1767 : vector<16xf32>
        %add3A_1769 = arith.addf %add3A_1694, %mul3A_1768 : vector<16xf32>
        %bitcast3A_1770 = vector.bitcast %select_n3A_1045 : vector<16xf32> to vector<16xi32>
        %shift_right_arithmetic3A_1771 = arith.constant 1 : i32
        %shift_right_arithmetic3A_1772 = vector.broadcast %shift_right_arithmetic3A_1771 : i32 to vector<16xi32>
        %shift_right_arithmetic3A_1773 = arith.shrsi %bitcast3A_1770, %shift_right_arithmetic3A_1772 : vector<16xi32>
        %sub3A_1774 = arith.constant 1597463007 : i32
        %sub3A_1775 = vector.broadcast %sub3A_1774 : i32 to vector<16xi32>
        %sub3A_1776 = arith.subi %sub3A_1775, %shift_right_arithmetic3A_1773 : vector<16xi32>
        %bitcast3A_1777 = vector.bitcast %sub3A_1776 : vector<16xi32> to vector<16xf32>
        %mul3A_1778 = arith.constant 5.000000e-01 : f32
        %mul3A_1779 = vector.broadcast %mul3A_1778 : f32 to vector<16xf32>
        %mul3A_1780 = arith.mulf %mul3A_1779, %select_n3A_1045 : vector<16xf32>
        %mul3A_1781 = arith.mulf %mul3A_1780, %bitcast3A_1777 : vector<16xf32>
        %mul3A_1782 = arith.mulf %mul3A_1781, %bitcast3A_1777 : vector<16xf32>
        %sub3A_1783 = arith.constant 1.500000e+00 : f32
        %sub3A_1784 = vector.broadcast %sub3A_1783 : f32 to vector<16xf32>
        %sub3A_1785 = arith.subf %sub3A_1784, %mul3A_1782 : vector<16xf32>
        %mul3A_1786 = arith.mulf %bitcast3A_1777, %sub3A_1785 : vector<16xf32>
        %mul3A_1787 = arith.mulf %mul3A_1780, %mul3A_1786 : vector<16xf32>
        %mul3A_1788 = arith.mulf %mul3A_1787, %mul3A_1786 : vector<16xf32>
        %sub3A_1789 = arith.constant 1.500000e+00 : f32
        %sub3A_1790 = vector.broadcast %sub3A_1789 : f32 to vector<16xf32>
        %sub3A_1791 = arith.subf %sub3A_1790, %mul3A_1788 : vector<16xf32>
        %mul3A_1792 = arith.mulf %mul3A_1786, %sub3A_1791 : vector<16xf32>
        %mul3A_1793 = arith.mulf %mul3A_1780, %mul3A_1792 : vector<16xf32>
        %mul3A_1794 = arith.mulf %mul3A_1793, %mul3A_1792 : vector<16xf32>
        %sub3A_1795 = arith.constant 1.500000e+00 : f32
        %sub3A_1796 = vector.broadcast %sub3A_1795 : f32 to vector<16xf32>
        %sub3A_1797 = arith.subf %sub3A_1796, %mul3A_1794 : vector<16xf32>
        %mul3A_1798 = arith.mulf %mul3A_1792, %sub3A_1797 : vector<16xf32>
        %mul3A_1799 = arith.mulf %mul3A_1780, %mul3A_1798 : vector<16xf32>
        %mul3A_1800 = arith.mulf %mul3A_1799, %mul3A_1798 : vector<16xf32>
        %sub3A_1801 = arith.constant 1.500000e+00 : f32
        %sub3A_1802 = vector.broadcast %sub3A_1801 : f32 to vector<16xf32>
        %sub3A_1803 = arith.subf %sub3A_1802, %mul3A_1800 : vector<16xf32>
        %mul3A_1804 = arith.mulf %mul3A_1798, %sub3A_1803 : vector<16xf32>
        %mul3A_1805 = arith.mulf %select_n3A_1045, %mul3A_1804 : vector<16xf32>
        %bitcast3A_1806 = vector.bitcast %gather3A_92 : vector<16xf32> to vector<16xi32>
        %shift_right_arithmetic3A_1807 = arith.constant 1 : i32
        %shift_right_arithmetic3A_1808 = vector.broadcast %shift_right_arithmetic3A_1807 : i32 to vector<16xi32>
        %shift_right_arithmetic3A_1809 = arith.shrsi %bitcast3A_1806, %shift_right_arithmetic3A_1808 : vector<16xi32>
        %sub3A_1810 = arith.constant 1597463007 : i32
        %sub3A_1811 = vector.broadcast %sub3A_1810 : i32 to vector<16xi32>
        %sub3A_1812 = arith.subi %sub3A_1811, %shift_right_arithmetic3A_1809 : vector<16xi32>
        %bitcast3A_1813 = vector.bitcast %sub3A_1812 : vector<16xi32> to vector<16xf32>
        %mul3A_1814 = arith.constant 5.000000e-01 : f32
        %mul3A_1815 = vector.broadcast %mul3A_1814 : f32 to vector<16xf32>
        %mul3A_1816 = arith.mulf %mul3A_1815, %gather3A_92 : vector<16xf32>
        %mul3A_1817 = arith.mulf %mul3A_1816, %bitcast3A_1813 : vector<16xf32>
        %mul3A_1818 = arith.mulf %mul3A_1817, %bitcast3A_1813 : vector<16xf32>
        %sub3A_1819 = arith.constant 1.500000e+00 : f32
        %sub3A_1820 = vector.broadcast %sub3A_1819 : f32 to vector<16xf32>
        %sub3A_1821 = arith.subf %sub3A_1820, %mul3A_1818 : vector<16xf32>
        %mul3A_1822 = arith.mulf %bitcast3A_1813, %sub3A_1821 : vector<16xf32>
        %mul3A_1823 = arith.mulf %mul3A_1816, %mul3A_1822 : vector<16xf32>
        %mul3A_1824 = arith.mulf %mul3A_1823, %mul3A_1822 : vector<16xf32>
        %sub3A_1825 = arith.constant 1.500000e+00 : f32
        %sub3A_1826 = vector.broadcast %sub3A_1825 : f32 to vector<16xf32>
        %sub3A_1827 = arith.subf %sub3A_1826, %mul3A_1824 : vector<16xf32>
        %mul3A_1828 = arith.mulf %mul3A_1822, %sub3A_1827 : vector<16xf32>
        %mul3A_1829 = arith.mulf %mul3A_1816, %mul3A_1828 : vector<16xf32>
        %mul3A_1830 = arith.mulf %mul3A_1829, %mul3A_1828 : vector<16xf32>
        %sub3A_1831 = arith.constant 1.500000e+00 : f32
        %sub3A_1832 = vector.broadcast %sub3A_1831 : f32 to vector<16xf32>
        %sub3A_1833 = arith.subf %sub3A_1832, %mul3A_1830 : vector<16xf32>
        %mul3A_1834 = arith.mulf %mul3A_1828, %sub3A_1833 : vector<16xf32>
        %mul3A_1835 = arith.mulf %mul3A_1816, %mul3A_1834 : vector<16xf32>
        %mul3A_1836 = arith.mulf %mul3A_1835, %mul3A_1834 : vector<16xf32>
        %sub3A_1837 = arith.constant 1.500000e+00 : f32
        %sub3A_1838 = vector.broadcast %sub3A_1837 : f32 to vector<16xf32>
        %sub3A_1839 = arith.subf %sub3A_1838, %mul3A_1836 : vector<16xf32>
        %mul3A_1840 = arith.mulf %mul3A_1834, %sub3A_1839 : vector<16xf32>
        %mul3A_1841 = arith.mulf %gather3A_92, %mul3A_1840 : vector<16xf32>
        %sub3A_1842 = arith.subf %mul3A_1805, %mul3A_1841 : vector<16xf32>
        %mul3A_1843 = arith.mulf %sub3A_1842, %sub3A_1842 : vector<16xf32>
        %add3A_1844 = arith.addf %add3A_1769, %mul3A_1843 : vector<16xf32>
        %sub3A_1845 = arith.subf %div3A_1060, %while3A_1483#4 : vector<16xf32>
        %mul3A_1846 = arith.mulf %sub3A_1845, %sub3A_1845 : vector<16xf32>
        %mul3A_1847 = arith.mulf %div3A_1060, %div3A_1060 : vector<16xf32>
        %mul3A_1848 = arith.constant 2.500000e-01 : f32
        %mul3A_1849 = vector.broadcast %mul3A_1848 : f32 to vector<16xf32>
        %mul3A_1850 = arith.mulf %mul3A_1849, %mul3A_1847 : vector<16xf32>
        %sub3A_1851 = arith.subf %mul3A_1846, %mul3A_1850 : vector<16xf32>
        %mul3A_1852 = arith.constant 5.000000e+00 : f32
        %mul3A_1853 = vector.broadcast %mul3A_1852 : f32 to vector<16xf32>
        %mul3A_1854 = arith.mulf %mul3A_1853, %add3A_1844 : vector<16xf32>
        %add3A_1855 = arith.addf %sub3A_1851, %mul3A_1854 : vector<16xf32>
        %jit3A_1856 = arith.constant 0.000000e+00 : f32
        %broadcast_in_dim3A_1857 = vector.broadcast %jit3A_1856 : f32 to vector<16xf32>
        %select_n3A_1858 = arith.select %and3A_1681, %add3A_1855, %broadcast_in_dim3A_1857 : vector<16xi1>, vector<16xf32>
        %jit3A_1859 = arith.constant 0.000000e+00 : f32
        %broadcast_in_dim3A_1860 = vector.broadcast %jit3A_1859 : f32 to vector<16xf32>
        %select_n3A_1861 = arith.select %and3A_1685, %add3A_1457, %broadcast_in_dim3A_1860 : vector<16xi1>, vector<16xf32>
        %add3A_1862 = arith.addf %select_n3A_1858, %select_n3A_1861 : vector<16xf32>
        %mul3A_1863 = arith.constant 2.000000e+00 : f32
        %mul3A_1864 = vector.broadcast %mul3A_1863 : f32 to vector<16xf32>
        %mul3A_1865 = arith.mulf %mul3A_1864, %div3A_1075 : vector<16xf32>
        %sub3A_1866 = arith.constant 1.000000e+00 : f32
        %sub3A_1867 = vector.broadcast %sub3A_1866 : f32 to vector<16xf32>
        %sub3A_1868 = arith.subf %sub3A_1867, %mul3A_1865 : vector<16xf32>
        %jit3A_1869 = arith.constant 0.000000e+00 : f32
        %broadcast_in_dim3A_1870 = vector.broadcast %jit3A_1869 : f32 to vector<16xf32>
        %select_n3A_1871 = arith.select %and3A_1689, %sub3A_1868, %broadcast_in_dim3A_1870 : vector<16xi1>, vector<16xf32>
        %add3A_1872 = arith.addf %add3A_1862, %select_n3A_1871 : vector<16xf32>
        %add3A_1873 = arith.addf %add3A_1677, %add3A_1872 : vector<16xf32>
        scf.yield %add3A_1873 : vector<16xf32>
      } else {
        %while3A = arith.constant 0 : i32
        %while3A_805 = arith.subi %reduce_max3A_113, %while3A : i32
        %while3A_806 = arith.addi %while3A, %while3A_805 : i32
        %while3A_807 = arith.constant 1 : i32
        %while3A_808 = arith.divsi %while3A_805, %while3A_807 : i32
        %while3A_809 = arith.muli %while3A_808, %while3A_807 : i32
        %while3A_810 = arith.addi %while3A, %while3A_809 : i32
        %while3A_811 = arith.constant 1 : i32
        %while3A_812:4 = scf.for %while3A_1009 = %while3A to %while3A_810 step %while3A_811 iter_args(%while3A_1010 = %broadcast_in_dim3A_777, %while3A_1011 = %broadcast_in_dim3A_779, %while3A_1012 = %broadcast_in_dim3A_779, %while3A_1013 = %broadcast_in_dim3A_779) -> (vector<16xf32>, vector<16xi32>, vector<16xi32>, vector<16xi32>)  : i32 {
          %broadcast_in_dim3A_1014 = vector.broadcast %while3A_1009 : i32 to vector<16xi32>
          %gather3A_1015 = tpu.vector_load_idx %arg7[%broadcast_in_dim3A_1014] : memref<128xf32, #tpu.memory_space<vmem>>[vector<16xi32>], vector<16xf32>,
          %add3A_1016 = arith.constant 32 : i32
          %add3A_1017 = vector.broadcast %add3A_1016 : i32 to vector<16xi32>
          %add3A_1018 = arith.addi %broadcast_in_dim3A_1014, %add3A_1017 : vector<16xi32>
          %gather3A_1019 = tpu.vector_load_idx %arg7[%add3A_1018] : memref<128xf32, #tpu.memory_space<vmem>>[vector<16xi32>], vector<16xf32>,
          %add3A_1020 = arith.constant 64 : i32
          %add3A_1021 = vector.broadcast %add3A_1020 : i32 to vector<16xi32>
          %add3A_1022 = arith.addi %broadcast_in_dim3A_1014, %add3A_1021 : vector<16xi32>
          %gather3A_1023 = tpu.vector_load_idx %arg7[%add3A_1022] : memref<128xf32, #tpu.memory_space<vmem>>[vector<16xi32>], vector<16xf32>,
          %add3A_1024 = arith.constant 96 : i32
          %add3A_1025 = vector.broadcast %add3A_1024 : i32 to vector<16xi32>
          %add3A_1026 = arith.addi %broadcast_in_dim3A_1014, %add3A_1025 : vector<16xi32>
          %gather3A_1027 = tpu.vector_load_idx %arg7[%add3A_1026] : memref<128xf32, #tpu.memory_space<vmem>>[vector<16xi32>], vector<16xf32>,
          %gather3A_1028 = tpu.vector_load_idx %arg8[%broadcast_in_dim3A_1014] : memref<64xi32, #tpu.memory_space<vmem>>[vector<16xi32>], vector<16xi32>,
          %add3A_1029 = arith.constant 32 : i32
          %add3A_1030 = vector.broadcast %add3A_1029 : i32 to vector<16xi32>
          %add3A_1031 = arith.addi %broadcast_in_dim3A_1014, %add3A_1030 : vector<16xi32>
          %gather3A_1032 = tpu.vector_load_idx %arg8[%add3A_1031] : memref<64xi32, #tpu.memory_space<vmem>>[vector<16xi32>], vector<16xi32>,
          %shift_right_arithmetic3A_1033 = arith.constant 1 : i32
          %shift_right_arithmetic3A_1034 = vector.broadcast %shift_right_arithmetic3A_1033 : i32 to vector<16xi32>
          %shift_right_arithmetic3A_1035 = arith.shrsi %gather3A_1028, %shift_right_arithmetic3A_1034 : vector<16xi32>
          %mul3A_1036 = arith.constant 5.000000e-01 : f32
          %mul3A_1037 = vector.broadcast %mul3A_1036 : f32 to vector<16xf32>
          %mul3A_1038 = arith.mulf %select_n3A_346, %mul3A_1037 : vector<16xf32>
          %sub3A_1039 = arith.subf %add3A_772, %mul3A_1038 : vector<16xf32>
          %mul3A_1040 = arith.constant 5.000000e-01 : f32
          %mul3A_1041 = vector.broadcast %mul3A_1040 : f32 to vector<16xf32>
          %mul3A_1042 = arith.mulf %gather3A_1023, %mul3A_1041 : vector<16xf32>
          %sub3A_1043 = arith.subf %gather3A_1015, %mul3A_1042 : vector<16xf32>
          %max3A_1044 = arith.maximumf %sub3A_1039, %sub3A_1043 : vector<16xf32>
          %mul3A_1045 = arith.constant 5.000000e-01 : f32
          %mul3A_1046 = vector.broadcast %mul3A_1045 : f32 to vector<16xf32>
          %mul3A_1047 = arith.mulf %select_n3A_347, %mul3A_1046 : vector<16xf32>
          %sub3A_1048 = arith.subf %add3A_773, %mul3A_1047 : vector<16xf32>
          %mul3A_1049 = arith.constant 5.000000e-01 : f32
          %mul3A_1050 = vector.broadcast %mul3A_1049 : f32 to vector<16xf32>
          %mul3A_1051 = arith.mulf %gather3A_1027, %mul3A_1050 : vector<16xf32>
          %sub3A_1052 = arith.subf %gather3A_1019, %mul3A_1051 : vector<16xf32>
          %max3A_1053 = arith.maximumf %sub3A_1048, %sub3A_1052 : vector<16xf32>
          %mul3A_1054 = arith.constant 5.000000e-01 : f32
          %mul3A_1055 = vector.broadcast %mul3A_1054 : f32 to vector<16xf32>
          %mul3A_1056 = arith.mulf %select_n3A_346, %mul3A_1055 : vector<16xf32>
          %add3A_1057 = arith.addf %add3A_772, %mul3A_1056 : vector<16xf32>
          %mul3A_1058 = arith.constant 5.000000e-01 : f32
          %mul3A_1059 = vector.broadcast %mul3A_1058 : f32 to vector<16xf32>
          %mul3A_1060 = arith.mulf %gather3A_1023, %mul3A_1059 : vector<16xf32>
          %add3A_1061 = arith.addf %gather3A_1015, %mul3A_1060 : vector<16xf32>
          %min3A_1062 = arith.minimumf %add3A_1057, %add3A_1061 : vector<16xf32>
          %mul3A_1063 = arith.constant 5.000000e-01 : f32
          %mul3A_1064 = vector.broadcast %mul3A_1063 : f32 to vector<16xf32>
          %mul3A_1065 = arith.mulf %select_n3A_347, %mul3A_1064 : vector<16xf32>
          %add3A_1066 = arith.addf %add3A_773, %mul3A_1065 : vector<16xf32>
          %mul3A_1067 = arith.constant 5.000000e-01 : f32
          %mul3A_1068 = vector.broadcast %mul3A_1067 : f32 to vector<16xf32>
          %mul3A_1069 = arith.mulf %gather3A_1027, %mul3A_1068 : vector<16xf32>
          %add3A_1070 = arith.addf %gather3A_1019, %mul3A_1069 : vector<16xf32>
          %min3A_1071 = arith.minimumf %add3A_1066, %add3A_1070 : vector<16xf32>
          %sub3A_1072 = arith.subf %min3A_1062, %max3A_1044 : vector<16xf32>
          %max3A_1073 = arith.constant 0.000000e+00 : f32
          %max3A_1074 = vector.broadcast %max3A_1073 : f32 to vector<16xf32>
          %max3A_1075 = arith.maximumf %sub3A_1072, %max3A_1074 : vector<16xf32>
          %sub3A_1076 = arith.subf %min3A_1071, %max3A_1053 : vector<16xf32>
          %max3A_1077 = arith.constant 0.000000e+00 : f32
          %max3A_1078 = vector.broadcast %max3A_1077 : f32 to vector<16xf32>
          %max3A_1079 = arith.maximumf %sub3A_1076, %max3A_1078 : vector<16xf32>
          %mul3A_1080 = arith.mulf %max3A_1075, %max3A_1079 : vector<16xf32>
          %mul3A_1081 = arith.mulf %select_n3A_346, %select_n3A_347 : vector<16xf32>
          %mul3A_1082 = arith.mulf %gather3A_1023, %gather3A_1027 : vector<16xf32>
          %add3A_1083 = arith.addf %mul3A_1081, %mul3A_1082 : vector<16xf32>
          %sub3A_1084 = arith.subf %add3A_1083, %mul3A_1080 : vector<16xf32>
          %div3A_1085 = arith.divf %mul3A_1080, %sub3A_1084 : vector<16xf32>
          %add3A_1086 = arith.constant 0 : i32
          %add3A_1087 = vector.broadcast %add3A_1086 : i32 to vector<16xi32>
          %add3A_1088 = arith.addi %add3A_1087, %iota3A : vector<16xi32>
          %eq3A_1089 = arith.cmpi eq, %shift_right_arithmetic3A_1035, %add3A_121 : vector<16xi32>
          %max3A_1090 = arith.maximumf %while3A_1010, %div3A_1085 : vector<16xf32>
          %eq3A_1091 = arith.cmpi eq, %gather3A_1028, %add3A_343 : vector<16xi32>
          %gt3A_1092 = vector.broadcast %while3A_1009 : i32 to vector<16xi32>
          %gt3A_1093 = arith.cmpi sgt, %gt3A_1092, %add3A_1088 : vector<16xi32>
          %and3A_1094 = arith.andi %eq3A_1091, %gt3A_1093 : vector<16xi1>
          %jit3A_1095 = arith.constant 1 : i32
          %jit3A_1096 = arith.constant 0 : i32
          %broadcast_in_dim3A_1097 = vector.broadcast %jit3A_1095 : i32 to vector<16xi32>
          %broadcast_in_dim3A_1098 = vector.broadcast %jit3A_1096 : i32 to vector<16xi32>
          %select_n3A_1099 = arith.select %and3A_1094, %broadcast_in_dim3A_1097, %broadcast_in_dim3A_1098 : vector<16xi1>, vector<16xi32>
          %or3A = arith.ori %while3A_1011, %select_n3A_1099 : vector<16xi32>
          %eq3A_1100 = arith.cmpi eq, %gather3A_1032, %convert_element_type3A : vector<16xi32>
          %and3A_1101 = arith.andi %eq3A_1089, %eq3A_1100 : vector<16xi1>
          %lt3A_1102 = vector.broadcast %while3A_1009 : i32 to vector<16xi32>
          %lt3A_1103 = arith.cmpi slt, %lt3A_1102, %add3A_1088 : vector<16xi32>
          %and3A_1104 = arith.andi %and3A_1101, %lt3A_1103 : vector<16xi1>
          %jit3A_1105 = arith.constant 1 : i32
          %jit3A_1106 = arith.constant 0 : i32
          %broadcast_in_dim3A_1107 = vector.broadcast %jit3A_1105 : i32 to vector<16xi32>
          %broadcast_in_dim3A_1108 = vector.broadcast %jit3A_1106 : i32 to vector<16xi32>
          %select_n3A_1109 = arith.select %and3A_1104, %broadcast_in_dim3A_1107, %broadcast_in_dim3A_1108 : vector<16xi1>, vector<16xi32>
          %or3A_1110 = arith.ori %while3A_1012, %select_n3A_1109 : vector<16xi32>
          %lt3A_1111 = vector.broadcast %while3A_1009 : i32 to vector<16xi32>
          %lt3A_1112 = arith.cmpi slt, %lt3A_1111, %add3A_1088 : vector<16xi32>
          %and3A_1113 = arith.andi %eq3A_1089, %lt3A_1112 : vector<16xi1>
          %jit3A_1114 = arith.constant 1 : i32
          %jit3A_1115 = arith.constant 0 : i32
          %broadcast_in_dim3A_1116 = vector.broadcast %jit3A_1114 : i32 to vector<16xi32>
          %broadcast_in_dim3A_1117 = vector.broadcast %jit3A_1115 : i32 to vector<16xi32>
          %select_n3A_1118 = arith.select %and3A_1113, %broadcast_in_dim3A_1116, %broadcast_in_dim3A_1117 : vector<16xi1>, vector<16xi32>
          %or3A_1119 = arith.ori %while3A_1013, %select_n3A_1118 : vector<16xi32>
          scf.yield %max3A_1090, %or3A, %or3A_1110, %or3A_1119 : vector<16xf32>, vector<16xi32>, vector<16xi32>, vector<16xi32>
        }
        %while3A_813 = arith.constant 1 : i32
        %while3A_814:4 = scf.for %while3A_1009 = %while3A_810 to %while3A_806 step %while3A_813 iter_args(%while3A_1010 = %while3A_812#0, %while3A_1011 = %while3A_812#1, %while3A_1012 = %while3A_812#2, %while3A_1013 = %while3A_812#3) -> (vector<16xf32>, vector<16xi32>, vector<16xi32>, vector<16xi32>)  : i32 {
          %broadcast_in_dim3A_1014 = vector.broadcast %while3A_1009 : i32 to vector<16xi32>
          %gather3A_1015 = tpu.vector_load_idx %arg7[%broadcast_in_dim3A_1014] : memref<128xf32, #tpu.memory_space<vmem>>[vector<16xi32>], vector<16xf32>,
          %add3A_1016 = arith.constant 32 : i32
          %add3A_1017 = vector.broadcast %add3A_1016 : i32 to vector<16xi32>
          %add3A_1018 = arith.addi %broadcast_in_dim3A_1014, %add3A_1017 : vector<16xi32>
          %gather3A_1019 = tpu.vector_load_idx %arg7[%add3A_1018] : memref<128xf32, #tpu.memory_space<vmem>>[vector<16xi32>], vector<16xf32>,
          %add3A_1020 = arith.constant 64 : i32
          %add3A_1021 = vector.broadcast %add3A_1020 : i32 to vector<16xi32>
          %add3A_1022 = arith.addi %broadcast_in_dim3A_1014, %add3A_1021 : vector<16xi32>
          %gather3A_1023 = tpu.vector_load_idx %arg7[%add3A_1022] : memref<128xf32, #tpu.memory_space<vmem>>[vector<16xi32>], vector<16xf32>,
          %add3A_1024 = arith.constant 96 : i32
          %add3A_1025 = vector.broadcast %add3A_1024 : i32 to vector<16xi32>
          %add3A_1026 = arith.addi %broadcast_in_dim3A_1014, %add3A_1025 : vector<16xi32>
          %gather3A_1027 = tpu.vector_load_idx %arg7[%add3A_1026] : memref<128xf32, #tpu.memory_space<vmem>>[vector<16xi32>], vector<16xf32>,
          %gather3A_1028 = tpu.vector_load_idx %arg8[%broadcast_in_dim3A_1014] : memref<64xi32, #tpu.memory_space<vmem>>[vector<16xi32>], vector<16xi32>,
          %add3A_1029 = arith.constant 32 : i32
          %add3A_1030 = vector.broadcast %add3A_1029 : i32 to vector<16xi32>
          %add3A_1031 = arith.addi %broadcast_in_dim3A_1014, %add3A_1030 : vector<16xi32>
          %gather3A_1032 = tpu.vector_load_idx %arg8[%add3A_1031] : memref<64xi32, #tpu.memory_space<vmem>>[vector<16xi32>], vector<16xi32>,
          %shift_right_arithmetic3A_1033 = arith.constant 1 : i32
          %shift_right_arithmetic3A_1034 = vector.broadcast %shift_right_arithmetic3A_1033 : i32 to vector<16xi32>
          %shift_right_arithmetic3A_1035 = arith.shrsi %gather3A_1028, %shift_right_arithmetic3A_1034 : vector<16xi32>
          %mul3A_1036 = arith.constant 5.000000e-01 : f32
          %mul3A_1037 = vector.broadcast %mul3A_1036 : f32 to vector<16xf32>
          %mul3A_1038 = arith.mulf %select_n3A_346, %mul3A_1037 : vector<16xf32>
          %sub3A_1039 = arith.subf %add3A_772, %mul3A_1038 : vector<16xf32>
          %mul3A_1040 = arith.constant 5.000000e-01 : f32
          %mul3A_1041 = vector.broadcast %mul3A_1040 : f32 to vector<16xf32>
          %mul3A_1042 = arith.mulf %gather3A_1023, %mul3A_1041 : vector<16xf32>
          %sub3A_1043 = arith.subf %gather3A_1015, %mul3A_1042 : vector<16xf32>
          %max3A_1044 = arith.maximumf %sub3A_1039, %sub3A_1043 : vector<16xf32>
          %mul3A_1045 = arith.constant 5.000000e-01 : f32
          %mul3A_1046 = vector.broadcast %mul3A_1045 : f32 to vector<16xf32>
          %mul3A_1047 = arith.mulf %select_n3A_347, %mul3A_1046 : vector<16xf32>
          %sub3A_1048 = arith.subf %add3A_773, %mul3A_1047 : vector<16xf32>
          %mul3A_1049 = arith.constant 5.000000e-01 : f32
          %mul3A_1050 = vector.broadcast %mul3A_1049 : f32 to vector<16xf32>
          %mul3A_1051 = arith.mulf %gather3A_1027, %mul3A_1050 : vector<16xf32>
          %sub3A_1052 = arith.subf %gather3A_1019, %mul3A_1051 : vector<16xf32>
          %max3A_1053 = arith.maximumf %sub3A_1048, %sub3A_1052 : vector<16xf32>
          %mul3A_1054 = arith.constant 5.000000e-01 : f32
          %mul3A_1055 = vector.broadcast %mul3A_1054 : f32 to vector<16xf32>
          %mul3A_1056 = arith.mulf %select_n3A_346, %mul3A_1055 : vector<16xf32>
          %add3A_1057 = arith.addf %add3A_772, %mul3A_1056 : vector<16xf32>
          %mul3A_1058 = arith.constant 5.000000e-01 : f32
          %mul3A_1059 = vector.broadcast %mul3A_1058 : f32 to vector<16xf32>
          %mul3A_1060 = arith.mulf %gather3A_1023, %mul3A_1059 : vector<16xf32>
          %add3A_1061 = arith.addf %gather3A_1015, %mul3A_1060 : vector<16xf32>
          %min3A_1062 = arith.minimumf %add3A_1057, %add3A_1061 : vector<16xf32>
          %mul3A_1063 = arith.constant 5.000000e-01 : f32
          %mul3A_1064 = vector.broadcast %mul3A_1063 : f32 to vector<16xf32>
          %mul3A_1065 = arith.mulf %select_n3A_347, %mul3A_1064 : vector<16xf32>
          %add3A_1066 = arith.addf %add3A_773, %mul3A_1065 : vector<16xf32>
          %mul3A_1067 = arith.constant 5.000000e-01 : f32
          %mul3A_1068 = vector.broadcast %mul3A_1067 : f32 to vector<16xf32>
          %mul3A_1069 = arith.mulf %gather3A_1027, %mul3A_1068 : vector<16xf32>
          %add3A_1070 = arith.addf %gather3A_1019, %mul3A_1069 : vector<16xf32>
          %min3A_1071 = arith.minimumf %add3A_1066, %add3A_1070 : vector<16xf32>
          %sub3A_1072 = arith.subf %min3A_1062, %max3A_1044 : vector<16xf32>
          %max3A_1073 = arith.constant 0.000000e+00 : f32
          %max3A_1074 = vector.broadcast %max3A_1073 : f32 to vector<16xf32>
          %max3A_1075 = arith.maximumf %sub3A_1072, %max3A_1074 : vector<16xf32>
          %sub3A_1076 = arith.subf %min3A_1071, %max3A_1053 : vector<16xf32>
          %max3A_1077 = arith.constant 0.000000e+00 : f32
          %max3A_1078 = vector.broadcast %max3A_1077 : f32 to vector<16xf32>
          %max3A_1079 = arith.maximumf %sub3A_1076, %max3A_1078 : vector<16xf32>
          %mul3A_1080 = arith.mulf %max3A_1075, %max3A_1079 : vector<16xf32>
          %mul3A_1081 = arith.mulf %select_n3A_346, %select_n3A_347 : vector<16xf32>
          %mul3A_1082 = arith.mulf %gather3A_1023, %gather3A_1027 : vector<16xf32>
          %add3A_1083 = arith.addf %mul3A_1081, %mul3A_1082 : vector<16xf32>
          %sub3A_1084 = arith.subf %add3A_1083, %mul3A_1080 : vector<16xf32>
          %div3A_1085 = arith.divf %mul3A_1080, %sub3A_1084 : vector<16xf32>
          %add3A_1086 = arith.constant 0 : i32
          %add3A_1087 = vector.broadcast %add3A_1086 : i32 to vector<16xi32>
          %add3A_1088 = arith.addi %add3A_1087, %iota3A : vector<16xi32>
          %eq3A_1089 = arith.cmpi eq, %shift_right_arithmetic3A_1035, %add3A_121 : vector<16xi32>
          %max3A_1090 = arith.maximumf %while3A_1010, %div3A_1085 : vector<16xf32>
          %eq3A_1091 = arith.cmpi eq, %gather3A_1028, %add3A_343 : vector<16xi32>
          %gt3A_1092 = vector.broadcast %while3A_1009 : i32 to vector<16xi32>
          %gt3A_1093 = arith.cmpi sgt, %gt3A_1092, %add3A_1088 : vector<16xi32>
          %and3A_1094 = arith.andi %eq3A_1091, %gt3A_1093 : vector<16xi1>
          %jit3A_1095 = arith.constant 1 : i32
          %jit3A_1096 = arith.constant 0 : i32
          %broadcast_in_dim3A_1097 = vector.broadcast %jit3A_1095 : i32 to vector<16xi32>
          %broadcast_in_dim3A_1098 = vector.broadcast %jit3A_1096 : i32 to vector<16xi32>
          %select_n3A_1099 = arith.select %and3A_1094, %broadcast_in_dim3A_1097, %broadcast_in_dim3A_1098 : vector<16xi1>, vector<16xi32>
          %or3A = arith.ori %while3A_1011, %select_n3A_1099 : vector<16xi32>
          %eq3A_1100 = arith.cmpi eq, %gather3A_1032, %convert_element_type3A : vector<16xi32>
          %and3A_1101 = arith.andi %eq3A_1089, %eq3A_1100 : vector<16xi1>
          %lt3A_1102 = vector.broadcast %while3A_1009 : i32 to vector<16xi32>
          %lt3A_1103 = arith.cmpi slt, %lt3A_1102, %add3A_1088 : vector<16xi32>
          %and3A_1104 = arith.andi %and3A_1101, %lt3A_1103 : vector<16xi1>
          %jit3A_1105 = arith.constant 1 : i32
          %jit3A_1106 = arith.constant 0 : i32
          %broadcast_in_dim3A_1107 = vector.broadcast %jit3A_1105 : i32 to vector<16xi32>
          %broadcast_in_dim3A_1108 = vector.broadcast %jit3A_1106 : i32 to vector<16xi32>
          %select_n3A_1109 = arith.select %and3A_1104, %broadcast_in_dim3A_1107, %broadcast_in_dim3A_1108 : vector<16xi1>, vector<16xi32>
          %or3A_1110 = arith.ori %while3A_1012, %select_n3A_1109 : vector<16xi32>
          %lt3A_1111 = vector.broadcast %while3A_1009 : i32 to vector<16xi32>
          %lt3A_1112 = arith.cmpi slt, %lt3A_1111, %add3A_1088 : vector<16xi32>
          %and3A_1113 = arith.andi %eq3A_1089, %lt3A_1112 : vector<16xi1>
          %jit3A_1114 = arith.constant 1 : i32
          %jit3A_1115 = arith.constant 0 : i32
          %broadcast_in_dim3A_1116 = vector.broadcast %jit3A_1114 : i32 to vector<16xi32>
          %broadcast_in_dim3A_1117 = vector.broadcast %jit3A_1115 : i32 to vector<16xi32>
          %select_n3A_1118 = arith.select %and3A_1113, %broadcast_in_dim3A_1116, %broadcast_in_dim3A_1117 : vector<16xi1>, vector<16xi32>
          %or3A_1119 = arith.ori %while3A_1013, %select_n3A_1118 : vector<16xi32>
          scf.yield %max3A_1090, %or3A, %or3A_1110, %or3A_1119 : vector<16xf32>, vector<16xi32>, vector<16xi32>, vector<16xi32>
        }
        %eq3A_815 = arith.constant 0 : i32
        %eq3A_816 = vector.broadcast %eq3A_815 : i32 to vector<16xi32>
        %eq3A_817 = arith.cmpi eq, %while3A_814#1, %eq3A_816 : vector<16xi32>
        %and3A_818 = arith.andi %and3A, %eq3A_817 : vector<16xi1>
        %eq3A_819 = arith.constant 0 : i32
        %eq3A_820 = vector.broadcast %eq3A_819 : i32 to vector<16xi32>
        %eq3A_821 = arith.cmpi eq, %while3A_814#3, %eq3A_820 : vector<16xi32>
        %and3A_822 = arith.andi %and3A, %eq3A_821 : vector<16xi1>
        %eq3A_823 = arith.constant 0 : i32
        %eq3A_824 = vector.broadcast %eq3A_823 : i32 to vector<16xi32>
        %eq3A_825 = arith.cmpi eq, %while3A_814#2, %eq3A_824 : vector<16xi32>
        %and3A_826 = arith.andi %and3A, %eq3A_825 : vector<16xi1>
        %sub3A_827 = arith.subf %select_n3A_344, %sub3A_774 : vector<16xf32>
        %mul3A_828 = arith.mulf %sub3A_827, %sub3A_827 : vector<16xf32>
        %sub3A_829 = arith.subf %select_n3A_345, %sub3A_775 : vector<16xf32>
        %mul3A_830 = arith.mulf %sub3A_829, %sub3A_829 : vector<16xf32>
        %add3A_831 = arith.addf %mul3A_828, %mul3A_830 : vector<16xf32>
        %bitcast3A = vector.bitcast %select_n3A_346 : vector<16xf32> to vector<16xi32>
        %shift_right_arithmetic3A = arith.constant 1 : i32
        %shift_right_arithmetic3A_832 = vector.broadcast %shift_right_arithmetic3A : i32 to vector<16xi32>
        %shift_right_arithmetic3A_833 = arith.shrsi %bitcast3A, %shift_right_arithmetic3A_832 : vector<16xi32>
        %sub3A_834 = arith.constant 1597463007 : i32
        %sub3A_835 = vector.broadcast %sub3A_834 : i32 to vector<16xi32>
        %sub3A_836 = arith.subi %sub3A_835, %shift_right_arithmetic3A_833 : vector<16xi32>
        %bitcast3A_837 = vector.bitcast %sub3A_836 : vector<16xi32> to vector<16xf32>
        %mul3A_838 = arith.constant 5.000000e-01 : f32
        %mul3A_839 = vector.broadcast %mul3A_838 : f32 to vector<16xf32>
        %mul3A_840 = arith.mulf %mul3A_839, %select_n3A_346 : vector<16xf32>
        %mul3A_841 = arith.mulf %mul3A_840, %bitcast3A_837 : vector<16xf32>
        %mul3A_842 = arith.mulf %mul3A_841, %bitcast3A_837 : vector<16xf32>
        %sub3A_843 = arith.constant 1.500000e+00 : f32
        %sub3A_844 = vector.broadcast %sub3A_843 : f32 to vector<16xf32>
        %sub3A_845 = arith.subf %sub3A_844, %mul3A_842 : vector<16xf32>
        %mul3A_846 = arith.mulf %bitcast3A_837, %sub3A_845 : vector<16xf32>
        %mul3A_847 = arith.mulf %mul3A_840, %mul3A_846 : vector<16xf32>
        %mul3A_848 = arith.mulf %mul3A_847, %mul3A_846 : vector<16xf32>
        %sub3A_849 = arith.constant 1.500000e+00 : f32
        %sub3A_850 = vector.broadcast %sub3A_849 : f32 to vector<16xf32>
        %sub3A_851 = arith.subf %sub3A_850, %mul3A_848 : vector<16xf32>
        %mul3A_852 = arith.mulf %mul3A_846, %sub3A_851 : vector<16xf32>
        %mul3A_853 = arith.mulf %mul3A_840, %mul3A_852 : vector<16xf32>
        %mul3A_854 = arith.mulf %mul3A_853, %mul3A_852 : vector<16xf32>
        %sub3A_855 = arith.constant 1.500000e+00 : f32
        %sub3A_856 = vector.broadcast %sub3A_855 : f32 to vector<16xf32>
        %sub3A_857 = arith.subf %sub3A_856, %mul3A_854 : vector<16xf32>
        %mul3A_858 = arith.mulf %mul3A_852, %sub3A_857 : vector<16xf32>
        %mul3A_859 = arith.mulf %mul3A_840, %mul3A_858 : vector<16xf32>
        %mul3A_860 = arith.mulf %mul3A_859, %mul3A_858 : vector<16xf32>
        %sub3A_861 = arith.constant 1.500000e+00 : f32
        %sub3A_862 = vector.broadcast %sub3A_861 : f32 to vector<16xf32>
        %sub3A_863 = arith.subf %sub3A_862, %mul3A_860 : vector<16xf32>
        %mul3A_864 = arith.mulf %mul3A_858, %sub3A_863 : vector<16xf32>
        %mul3A_865 = arith.mulf %select_n3A_346, %mul3A_864 : vector<16xf32>
        %bitcast3A_866 = vector.bitcast %gather3A_51 : vector<16xf32> to vector<16xi32>
        %shift_right_arithmetic3A_867 = arith.constant 1 : i32
        %shift_right_arithmetic3A_868 = vector.broadcast %shift_right_arithmetic3A_867 : i32 to vector<16xi32>
        %shift_right_arithmetic3A_869 = arith.shrsi %bitcast3A_866, %shift_right_arithmetic3A_868 : vector<16xi32>
        %sub3A_870 = arith.constant 1597463007 : i32
        %sub3A_871 = vector.broadcast %sub3A_870 : i32 to vector<16xi32>
        %sub3A_872 = arith.subi %sub3A_871, %shift_right_arithmetic3A_869 : vector<16xi32>
        %bitcast3A_873 = vector.bitcast %sub3A_872 : vector<16xi32> to vector<16xf32>
        %mul3A_874 = arith.constant 5.000000e-01 : f32
        %mul3A_875 = vector.broadcast %mul3A_874 : f32 to vector<16xf32>
        %mul3A_876 = arith.mulf %mul3A_875, %gather3A_51 : vector<16xf32>
        %mul3A_877 = arith.mulf %mul3A_876, %bitcast3A_873 : vector<16xf32>
        %mul3A_878 = arith.mulf %mul3A_877, %bitcast3A_873 : vector<16xf32>
        %sub3A_879 = arith.constant 1.500000e+00 : f32
        %sub3A_880 = vector.broadcast %sub3A_879 : f32 to vector<16xf32>
        %sub3A_881 = arith.subf %sub3A_880, %mul3A_878 : vector<16xf32>
        %mul3A_882 = arith.mulf %bitcast3A_873, %sub3A_881 : vector<16xf32>
        %mul3A_883 = arith.mulf %mul3A_876, %mul3A_882 : vector<16xf32>
        %mul3A_884 = arith.mulf %mul3A_883, %mul3A_882 : vector<16xf32>
        %sub3A_885 = arith.constant 1.500000e+00 : f32
        %sub3A_886 = vector.broadcast %sub3A_885 : f32 to vector<16xf32>
        %sub3A_887 = arith.subf %sub3A_886, %mul3A_884 : vector<16xf32>
        %mul3A_888 = arith.mulf %mul3A_882, %sub3A_887 : vector<16xf32>
        %mul3A_889 = arith.mulf %mul3A_876, %mul3A_888 : vector<16xf32>
        %mul3A_890 = arith.mulf %mul3A_889, %mul3A_888 : vector<16xf32>
        %sub3A_891 = arith.constant 1.500000e+00 : f32
        %sub3A_892 = vector.broadcast %sub3A_891 : f32 to vector<16xf32>
        %sub3A_893 = arith.subf %sub3A_892, %mul3A_890 : vector<16xf32>
        %mul3A_894 = arith.mulf %mul3A_888, %sub3A_893 : vector<16xf32>
        %mul3A_895 = arith.mulf %mul3A_876, %mul3A_894 : vector<16xf32>
        %mul3A_896 = arith.mulf %mul3A_895, %mul3A_894 : vector<16xf32>
        %sub3A_897 = arith.constant 1.500000e+00 : f32
        %sub3A_898 = vector.broadcast %sub3A_897 : f32 to vector<16xf32>
        %sub3A_899 = arith.subf %sub3A_898, %mul3A_896 : vector<16xf32>
        %mul3A_900 = arith.mulf %mul3A_894, %sub3A_899 : vector<16xf32>
        %mul3A_901 = arith.mulf %gather3A_51, %mul3A_900 : vector<16xf32>
        %sub3A_902 = arith.subf %mul3A_865, %mul3A_901 : vector<16xf32>
        %mul3A_903 = arith.mulf %sub3A_902, %sub3A_902 : vector<16xf32>
        %add3A_904 = arith.addf %add3A_831, %mul3A_903 : vector<16xf32>
        %bitcast3A_905 = vector.bitcast %select_n3A_347 : vector<16xf32> to vector<16xi32>
        %shift_right_arithmetic3A_906 = arith.constant 1 : i32
        %shift_right_arithmetic3A_907 = vector.broadcast %shift_right_arithmetic3A_906 : i32 to vector<16xi32>
        %shift_right_arithmetic3A_908 = arith.shrsi %bitcast3A_905, %shift_right_arithmetic3A_907 : vector<16xi32>
        %sub3A_909 = arith.constant 1597463007 : i32
        %sub3A_910 = vector.broadcast %sub3A_909 : i32 to vector<16xi32>
        %sub3A_911 = arith.subi %sub3A_910, %shift_right_arithmetic3A_908 : vector<16xi32>
        %bitcast3A_912 = vector.bitcast %sub3A_911 : vector<16xi32> to vector<16xf32>
        %mul3A_913 = arith.constant 5.000000e-01 : f32
        %mul3A_914 = vector.broadcast %mul3A_913 : f32 to vector<16xf32>
        %mul3A_915 = arith.mulf %mul3A_914, %select_n3A_347 : vector<16xf32>
        %mul3A_916 = arith.mulf %mul3A_915, %bitcast3A_912 : vector<16xf32>
        %mul3A_917 = arith.mulf %mul3A_916, %bitcast3A_912 : vector<16xf32>
        %sub3A_918 = arith.constant 1.500000e+00 : f32
        %sub3A_919 = vector.broadcast %sub3A_918 : f32 to vector<16xf32>
        %sub3A_920 = arith.subf %sub3A_919, %mul3A_917 : vector<16xf32>
        %mul3A_921 = arith.mulf %bitcast3A_912, %sub3A_920 : vector<16xf32>
        %mul3A_922 = arith.mulf %mul3A_915, %mul3A_921 : vector<16xf32>
        %mul3A_923 = arith.mulf %mul3A_922, %mul3A_921 : vector<16xf32>
        %sub3A_924 = arith.constant 1.500000e+00 : f32
        %sub3A_925 = vector.broadcast %sub3A_924 : f32 to vector<16xf32>
        %sub3A_926 = arith.subf %sub3A_925, %mul3A_923 : vector<16xf32>
        %mul3A_927 = arith.mulf %mul3A_921, %sub3A_926 : vector<16xf32>
        %mul3A_928 = arith.mulf %mul3A_915, %mul3A_927 : vector<16xf32>
        %mul3A_929 = arith.mulf %mul3A_928, %mul3A_927 : vector<16xf32>
        %sub3A_930 = arith.constant 1.500000e+00 : f32
        %sub3A_931 = vector.broadcast %sub3A_930 : f32 to vector<16xf32>
        %sub3A_932 = arith.subf %sub3A_931, %mul3A_929 : vector<16xf32>
        %mul3A_933 = arith.mulf %mul3A_927, %sub3A_932 : vector<16xf32>
        %mul3A_934 = arith.mulf %mul3A_915, %mul3A_933 : vector<16xf32>
        %mul3A_935 = arith.mulf %mul3A_934, %mul3A_933 : vector<16xf32>
        %sub3A_936 = arith.constant 1.500000e+00 : f32
        %sub3A_937 = vector.broadcast %sub3A_936 : f32 to vector<16xf32>
        %sub3A_938 = arith.subf %sub3A_937, %mul3A_935 : vector<16xf32>
        %mul3A_939 = arith.mulf %mul3A_933, %sub3A_938 : vector<16xf32>
        %mul3A_940 = arith.mulf %select_n3A_347, %mul3A_939 : vector<16xf32>
        %bitcast3A_941 = vector.bitcast %gather3A_55 : vector<16xf32> to vector<16xi32>
        %shift_right_arithmetic3A_942 = arith.constant 1 : i32
        %shift_right_arithmetic3A_943 = vector.broadcast %shift_right_arithmetic3A_942 : i32 to vector<16xi32>
        %shift_right_arithmetic3A_944 = arith.shrsi %bitcast3A_941, %shift_right_arithmetic3A_943 : vector<16xi32>
        %sub3A_945 = arith.constant 1597463007 : i32
        %sub3A_946 = vector.broadcast %sub3A_945 : i32 to vector<16xi32>
        %sub3A_947 = arith.subi %sub3A_946, %shift_right_arithmetic3A_944 : vector<16xi32>
        %bitcast3A_948 = vector.bitcast %sub3A_947 : vector<16xi32> to vector<16xf32>
        %mul3A_949 = arith.constant 5.000000e-01 : f32
        %mul3A_950 = vector.broadcast %mul3A_949 : f32 to vector<16xf32>
        %mul3A_951 = arith.mulf %mul3A_950, %gather3A_55 : vector<16xf32>
        %mul3A_952 = arith.mulf %mul3A_951, %bitcast3A_948 : vector<16xf32>
        %mul3A_953 = arith.mulf %mul3A_952, %bitcast3A_948 : vector<16xf32>
        %sub3A_954 = arith.constant 1.500000e+00 : f32
        %sub3A_955 = vector.broadcast %sub3A_954 : f32 to vector<16xf32>
        %sub3A_956 = arith.subf %sub3A_955, %mul3A_953 : vector<16xf32>
        %mul3A_957 = arith.mulf %bitcast3A_948, %sub3A_956 : vector<16xf32>
        %mul3A_958 = arith.mulf %mul3A_951, %mul3A_957 : vector<16xf32>
        %mul3A_959 = arith.mulf %mul3A_958, %mul3A_957 : vector<16xf32>
        %sub3A_960 = arith.constant 1.500000e+00 : f32
        %sub3A_961 = vector.broadcast %sub3A_960 : f32 to vector<16xf32>
        %sub3A_962 = arith.subf %sub3A_961, %mul3A_959 : vector<16xf32>
        %mul3A_963 = arith.mulf %mul3A_957, %sub3A_962 : vector<16xf32>
        %mul3A_964 = arith.mulf %mul3A_951, %mul3A_963 : vector<16xf32>
        %mul3A_965 = arith.mulf %mul3A_964, %mul3A_963 : vector<16xf32>
        %sub3A_966 = arith.constant 1.500000e+00 : f32
        %sub3A_967 = vector.broadcast %sub3A_966 : f32 to vector<16xf32>
        %sub3A_968 = arith.subf %sub3A_967, %mul3A_965 : vector<16xf32>
        %mul3A_969 = arith.mulf %mul3A_963, %sub3A_968 : vector<16xf32>
        %mul3A_970 = arith.mulf %mul3A_951, %mul3A_969 : vector<16xf32>
        %mul3A_971 = arith.mulf %mul3A_970, %mul3A_969 : vector<16xf32>
        %sub3A_972 = arith.constant 1.500000e+00 : f32
        %sub3A_973 = vector.broadcast %sub3A_972 : f32 to vector<16xf32>
        %sub3A_974 = arith.subf %sub3A_973, %mul3A_971 : vector<16xf32>
        %mul3A_975 = arith.mulf %mul3A_969, %sub3A_974 : vector<16xf32>
        %mul3A_976 = arith.mulf %gather3A_55, %mul3A_975 : vector<16xf32>
        %sub3A_977 = arith.subf %mul3A_940, %mul3A_976 : vector<16xf32>
        %mul3A_978 = arith.mulf %sub3A_977, %sub3A_977 : vector<16xf32>
        %add3A_979 = arith.addf %add3A_904, %mul3A_978 : vector<16xf32>
        %sub3A_980 = arith.subf %div3A_362, %while3A_814#0 : vector<16xf32>
        %mul3A_981 = arith.mulf %sub3A_980, %sub3A_980 : vector<16xf32>
        %mul3A_982 = arith.mulf %div3A_362, %div3A_362 : vector<16xf32>
        %mul3A_983 = arith.constant 2.500000e-01 : f32
        %mul3A_984 = vector.broadcast %mul3A_983 : f32 to vector<16xf32>
        %mul3A_985 = arith.mulf %mul3A_984, %mul3A_982 : vector<16xf32>
        %sub3A_986 = arith.subf %mul3A_981, %mul3A_985 : vector<16xf32>
        %mul3A_987 = arith.constant 5.000000e+00 : f32
        %mul3A_988 = vector.broadcast %mul3A_987 : f32 to vector<16xf32>
        %mul3A_989 = arith.mulf %mul3A_988, %add3A_979 : vector<16xf32>
        %add3A_990 = arith.addf %sub3A_986, %mul3A_989 : vector<16xf32>
        %jit3A_991 = arith.constant 0.000000e+00 : f32
        %broadcast_in_dim3A_992 = vector.broadcast %jit3A_991 : f32 to vector<16xf32>
        %select_n3A_993 = arith.select %and3A_818, %add3A_990, %broadcast_in_dim3A_992 : vector<16xi1>, vector<16xf32>
        %jit3A_994 = arith.constant 0.000000e+00 : f32
        %broadcast_in_dim3A_995 = vector.broadcast %jit3A_994 : f32 to vector<16xf32>
        %select_n3A_996 = arith.select %and3A_822, %add3A_759, %broadcast_in_dim3A_995 : vector<16xi1>, vector<16xf32>
        %add3A_997 = arith.addf %select_n3A_993, %select_n3A_996 : vector<16xf32>
        %mul3A_998 = arith.constant 2.000000e+00 : f32
        %mul3A_999 = vector.broadcast %mul3A_998 : f32 to vector<16xf32>
        %mul3A_1000 = arith.mulf %mul3A_999, %div3A_377 : vector<16xf32>
        %sub3A_1001 = arith.constant 1.000000e+00 : f32
        %sub3A_1002 = vector.broadcast %sub3A_1001 : f32 to vector<16xf32>
        %sub3A_1003 = arith.subf %sub3A_1002, %mul3A_1000 : vector<16xf32>
        %jit3A_1004 = arith.constant 0.000000e+00 : f32
        %broadcast_in_dim3A_1005 = vector.broadcast %jit3A_1004 : f32 to vector<16xf32>
        %select_n3A_1006 = arith.select %and3A_826, %sub3A_1003, %broadcast_in_dim3A_1005 : vector<16xi1>, vector<16xf32>
        %add3A_1007 = arith.addf %add3A_997, %select_n3A_1006 : vector<16xf32>
        %add3A_1008 = arith.addf %broadcast_in_dim3A_783, %add3A_1007 : vector<16xf32>
        scf.yield %add3A_1008 : vector<16xf32>
      }
      %add3A_787 = arith.addf %scan3A_27, %cond3A_786 : vector<16xf32>
      %broadcast_in_dim3A_788 = arith.constant 0.000000e+00 : f32
      %broadcast_in_dim3A_789 = vector.broadcast %broadcast_in_dim3A_788 : f32 to vector<16xf32>
      %scan3A_790 = arith.constant 0 : i32
      %scan3A_791 = arith.constant 4 : i32
      %scan3A_792 = arith.addi %scan3A_790, %scan3A_791 : i32
      %scan3A_793 = arith.constant 1 : i32
      %scan3A_794 = scf.for %scan3A_805 = %scan3A_790 to %scan3A_792 step %scan3A_793 iter_args(%scan3A_806 = %broadcast_in_dim3A_789) -> (vector<16xf32>)  : i32 {
        %mul3A_807 = arith.constant 16 : i32
        %mul3A_808 = arith.muli %scan3A_805, %mul3A_807 : i32
        %add3A_809 = vector.broadcast %mul3A_808 : i32 to vector<16xi32>
        %add3A_810 = arith.addi %add3A_809, %iota3A : vector<16xi32>
        %min3A_811 = arith.constant 48 : i32
        %min3A_812 = vector.broadcast %min3A_811 : i32 to vector<16xi32>
        %min3A_813 = arith.minsi %add3A_810, %min3A_812 : vector<16xi32>
        %mul3A_814 = arith.constant 30 : i32
        %mul3A_815 = vector.broadcast %mul3A_814 : i32 to vector<16xi32>
        %mul3A_816 = arith.muli %min3A_813, %mul3A_815 : vector<16xi32>
        %add3A_817 = vector.broadcast %mul3A_29 : i32 to vector<16xi32>
        %add3A_818 = arith.addi %add3A_817, %mul3A_816 : vector<16xi32>
        %add3A_819 = arith.constant 8 : i32
        %add3A_820 = vector.broadcast %add3A_819 : i32 to vector<16xi32>
        %add3A_821 = arith.addi %add3A_818, %add3A_820 : vector<16xi32>
        %gather3A_822 = tpu.vector_load_idx %arg5[%add3A_821] : memref<11760xf32, #tpu.memory_space<vmem>>[vector<16xi32>], vector<16xf32>,
        %neg3A_823 = arith.constant 0.000000e+00 : f32
        %neg3A_824 = vector.broadcast %neg3A_823 : f32 to vector<16xf32>
        %neg3A_825 = arith.subf %neg3A_824, %gather3A_822 : vector<16xf32>
        %exp3A_826 = math.exp %neg3A_825 : vector<16xf32>
        %add3A_827 = arith.constant 1.000000e+00 : f32
        %add3A_828 = vector.broadcast %add3A_827 : f32 to vector<16xf32>
        %add3A_829 = arith.addf %add3A_828, %exp3A_826 : vector<16xf32>
        %div3A_830 = arith.constant 1.000000e+00 : f32
        %div3A_831 = vector.broadcast %div3A_830 : f32 to vector<16xf32>
        %div3A_832 = arith.divf %div3A_831, %add3A_829 : vector<16xf32>
        %add3A_833 = arith.constant 9 : i32
        %add3A_834 = vector.broadcast %add3A_833 : i32 to vector<16xi32>
        %add3A_835 = arith.addi %add3A_818, %add3A_834 : vector<16xi32>
        %gather3A_836 = tpu.vector_load_idx %arg5[%add3A_835] : memref<11760xf32, #tpu.memory_space<vmem>>[vector<16xi32>], vector<16xf32>,
        %neg3A_837 = arith.constant 0.000000e+00 : f32
        %neg3A_838 = vector.broadcast %neg3A_837 : f32 to vector<16xf32>
        %neg3A_839 = arith.subf %neg3A_838, %gather3A_836 : vector<16xf32>
        %exp3A_840 = math.exp %neg3A_839 : vector<16xf32>
        %add3A_841 = arith.constant 1.000000e+00 : f32
        %add3A_842 = vector.broadcast %add3A_841 : f32 to vector<16xf32>
        %add3A_843 = arith.addf %add3A_842, %exp3A_840 : vector<16xf32>
        %div3A_844 = arith.constant 1.000000e+00 : f32
        %div3A_845 = vector.broadcast %div3A_844 : f32 to vector<16xf32>
        %div3A_846 = arith.divf %div3A_845, %add3A_843 : vector<16xf32>
        %lt3A_847 = arith.constant 49 : i32
        %lt3A_848 = vector.broadcast %lt3A_847 : i32 to vector<16xi32>
        %lt3A_849 = arith.cmpi slt, %add3A_810, %lt3A_848 : vector<16xi32>
        %mul3A_850 = arith.mulf %div3A_832, %div3A_832 : vector<16xf32>
        %mul3A_851 = arith.mulf %div3A_846, %div3A_846 : vector<16xf32>
        %add3A_852 = arith.addf %mul3A_850, %mul3A_851 : vector<16xf32>
        %jit3A_853 = arith.constant 0.000000e+00 : f32
        %broadcast_in_dim3A_854 = vector.broadcast %jit3A_853 : f32 to vector<16xf32>
        %select_n3A_855 = arith.select %lt3A_849, %add3A_852, %broadcast_in_dim3A_854 : vector<16xi1>, vector<16xf32>
        %add3A_856 = arith.addf %scan3A_806, %select_n3A_855 : vector<16xf32>
        scf.yield %add3A_856 : vector<16xf32>
      }
      %scan3A_795 = arith.constant 4 : i32
      %gt3A_796 = arith.constant 0 : i32
      %gt3A_797 = arith.cmpi sgt, %reduce_max3A_113, %gt3A_796 : i32
      %mul3A_798 = arith.constant 2.500000e-01 : f32
      %mul3A_799 = vector.broadcast %mul3A_798 : f32 to vector<16xf32>
      %mul3A_800 = arith.mulf %mul3A_799, %scan3A_794 : vector<16xf32>
      %jit3A_801 = arith.constant 0.000000e+00 : f32
      %broadcast_in_dim3A_802 = vector.broadcast %jit3A_801 : f32 to vector<16xf32>
      %select_n3A_803 = arith.select %gt3A_797, %mul3A_800, %broadcast_in_dim3A_802 : vector<16xf32>
      %add3A_804 = arith.addf %add3A_787, %select_n3A_803 : vector<16xf32>
      scf.yield %add3A_804 : vector<16xf32>
    }
    %scan3A_16 = arith.constant 8 : i32
    %reduce_sum3A = arith.constant true
    %reduce_sum3A_17 = vector.broadcast %reduce_sum3A : i1 to vector<16xi1>
    %reduce_sum3A_18 = tpu.scan <sum>, %scan3A_15 masked %reduce_sum3A_17 : vector<16xf32>, vector<16xi1> -> vector<16xf32>
    %reduce_sum3A_19 = vector.extract %reduce_sum3A_18[15] : f32 from vector<16xf32>
    %eq3A = arith.constant 0 : i32
    %eq3A_20 = vector.broadcast %eq3A : i32 to vector<16xi32>
    %eq3A_21 = arith.cmpi eq, %iota3A, %eq3A_20 : vector<16xi32>
    %broadcast_in_dim3A_22 = arith.constant 0.000000e+00 : f32
    %broadcast_in_dim3A_23 = vector.broadcast %broadcast_in_dim3A_22 : f32 to vector<16xf32>
    %broadcast_in_dim3A_24 = vector.broadcast %reduce_sum3A_19 : f32 to vector<16xf32>
    %select_n3A = arith.select %eq3A_21, %broadcast_in_dim3A_24, %broadcast_in_dim3A_23 : vector<16xi1>, vector<16xf32>
    %swap3A = arith.constant 0 : index
    %swap3A_25 = tpu.vector_load %arg9[%swap3A] {strides = array<i32>} : memref<16xf32, #tpu.memory_space<vmem>>, vector<16xf32>,
    tpu.vector_store %arg9[%swap3A], %select_n3A {strides = array<i32>} : memref<16xf32, #tpu.memory_space<vmem>>, vector<16xf32>,
    "tpu.region"() ({
      %run_scoped3A = tpu.sem_alloc : memref<!tpu.dma_semaphore, #tpu.memory_space<semaphore_mem>>
      %dma_start3A_26 = arith.constant 0 : i32
      %dma_start3A_27 = tpu.memref_slice %arg4[%add3A, %dma_start3A_26] : memref<32x16xf32, #tpu.memory_space<hbm>> -> memref<1x16xf32, #tpu.memory_space<hbm>>
      %dma_start3A_28 = tpu.memref_squeeze %dma_start3A_27 : memref<1x16xf32, #tpu.memory_space<hbm>> -> memref<16xf32, #tpu.memory_space<hbm>>
      %dma_start3A_29 = arith.constant 0 : i32
      %dma_start3A_30 = tpu.memref_slice %arg4[%add3A, %dma_start3A_29] : memref<32x16xf32, #tpu.memory_space<hbm>> -> memref<1x16xf32, #tpu.memory_space<hbm>>
      %dma_start3A_31 = tpu.memref_squeeze %dma_start3A_30 : memref<1x16xf32, #tpu.memory_space<hbm>> -> memref<16xf32, #tpu.memory_space<hbm>>
      tpu.enqueue_dma source(%arg9 : memref<16xf32, #tpu.memory_space<vmem>>) target(%dma_start3A_31 : memref<16xf32, #tpu.memory_space<hbm>>) target_semaphore(%run_scoped3A : memref<!tpu.dma_semaphore, #tpu.memory_space<semaphore_mem>>)
      %dma_wait3A_32 = arith.constant 0 : i32
      %dma_wait3A_33 = tpu.memref_slice %arg4[%add3A, %dma_wait3A_32] : memref<32x16xf32, #tpu.memory_space<hbm>> -> memref<1x16xf32, #tpu.memory_space<hbm>>
      %dma_wait3A_34 = tpu.memref_squeeze %dma_wait3A_33 : memref<1x16xf32, #tpu.memory_space<hbm>> -> memref<16xf32, #tpu.memory_space<hbm>>
      %dma_wait3A_35 = arith.constant 0 : i32
      %dma_wait3A_36 = tpu.memref_slice %arg4[%add3A, %dma_wait3A_35] : memref<32x16xf32, #tpu.memory_space<hbm>> -> memref<1x16xf32, #tpu.memory_space<hbm>>
      %dma_wait3A_37 = tpu.memref_squeeze %dma_wait3A_36 : memref<1x16xf32, #tpu.memory_space<hbm>> -> memref<16xf32, #tpu.memory_space<hbm>>
      tpu.wait_dma2 semaphore(%run_scoped3A : memref<!tpu.dma_semaphore, #tpu.memory_space<semaphore_mem>>) src(%arg9 : memref<16xf32, #tpu.memory_space<vmem>>) dst(%dma_wait3A_37 : memref<16xf32, #tpu.memory_space<hbm>>)
      tpu.yield
    }) : () -> ()
    return
  }
}

</mosaic_0001>

<sc_bundles>
// kernel: kernel.3.cloned.1.call-start
scs
__scs_entry_jumppad:
0x0: {  	(pc) =	sbr.rel $0x88, $3  }
0x1: {  	(tag) =	ssettag $0x0;
	lr =	simm.s32 $0x1  }
0x2: {  	[smem:$0x3F9F] =	sst lr;
	_ =	strace $0xD0000000  }
0x3: {  	_ = 	snop  }
0x4: {  	_ = 	snop  }
0x5: {  	_ = 	snop  }
0x6: {  	_ = 	snop  }
0x7: {  	_ = 	snop  }
__scs_overlays_trampoline_lowered:
0x8: {  	[smem:$0x3FAE] =	sst s0  }
0x9: {  	[smem:$0x3FAF] =	sst s1  }
0xa: {  	[smem:$0x3FB0] =	sst s2  }
0xb: {  	[smem:$0x3FB1] =	sst s3  }
0xc: {  	[smem:$0x3FB2] =	sst s4  }
0xd: {  	[smem:$0x3FB3] =	sst s5  }
0xe: {  	[smem:$0x3FB4] =	sst s6  }
0xf: {  	[smem:$0x3FB5] =	sst s7  }
0x10: {  	[smem:$0x3FB6] =	sst s8  }
0x11: {  	[smem:$0x3FB7] =	sst s9;
	s0 =	simm.s32 @!p0 $0x0  }
0x12: {  	s1 =	sld [smem:$0x3F9D];
	s0 =	simm.s32 @p0 $0x1  }
0x13: {  	[smem:$0x3FB8] =	sst s0;
	s0 =	simm.s32 @!p1 $0x0  }
0x14: {  	s2 =	sld [smem:$0x3F9C];
	s0 =	simm.s32 @p1 $0x1  }
0x15: {  	[smem:$0x3FB9] =	sst s0;
	s0 =	simm.s32 @!p2 $0x0  }
0x16: {  	s3 =	sld [smem:$0x3FDB];
	s0 =	simm.s32 @p2 $0x1  }
0x17: {  	s4 =	simm.s32 $0x1BF5;
	[smem:$0x3FBB] =	sst s0  }
0x18: {  	s0 =	sld [smem:$0x3F9E];
	_ =	swait.ge [sflag:s4], $0x0  }
0x19: {  	s7 =	sld [smem:$0x3F9F]  }
0x1a: {  	s8 =	sadd.s32 $0xFFFFE003, lr  }
0x1b: {  	s9 =	sadd.s32 $0xFFFFFEF7, lr;
	s5 =	simm.s32 $0xFFFFFFFF;
	p2 =	slt.u32 s8, $0xFFFFF086  }
0x1c: {  	p1 =	slt.u32 s9, $0xF7A;
	s5 =	simm.s32 @!p2 $0x0  }
0x1d: {  	s5 =	simm.s32 @p1 $0x1;
	p0 =	seq.s32 s7, s2  }
0x1e: {  	s7 =	smul.u32 @!p0 $0xF7A, s2;
	p2 =	seq.s32 @!p0 s5, $0x0  }
0x1f: {  	s9 =	smul.u32 $0xF7A, s1;
	s8 =	simm.s32 @!p0 $0x1BF5;
	p2 =	por !p2, p0  }
0x20: {  	[sflag:s8] =	ssyncset.s32 @!p0 $0xFFFFF086;
	s6 =	sadd.s32 @!p0 s3, s7;
	s7 =	simm.s32 @!p0 $0x108  }
0x21: {  	s3 =	sadd.s32 s3, s9;
	s6 =	sadd.s32 @!p0 $0x88, s6;
	s7 =	simm.s32 @p2 $0x1082  }
0x22: {  	[simem:s7], [sflag:s8] =	dma.local @!p0 [hbm:s6], $0xF7A  }
0x23: {  	s9 =	sor.u32 $0xD0000000, s2;
	s6 =	simm.s32 $0x108;
	_ =	swait.ge @!p0 [sflag:s8], $0x0  }
0x24: {  	s3 =	sadd.s32 $0x88, s3;
	s6 =	simm.s32 @!p1 $0x1082;
	[sflag:s4] =	ssyncset.s32 $0xFFFFF086  }
0x25: {  	[simem:s6], [sflag:s4] =	dma.local [hbm:s3], $0xF7A  }
0x26: {  	[smem:$0x3F9F] =	sst s1;
	(tag) =	ssettag s2;
	_ =	strace s9  }
0x27: {  	s1 =	sld [smem:$0x3FAF]  }
0x28: {  	s2 =	sld [smem:$0x3FB0]  }
0x29: {  	s4 =	sld [smem:$0x3FB2]  }
0x2a: {  	p0 =	seq.s32 s5, $0x0;
	s5 =	sld [smem:$0x3FB3]  }
0x2b: {  	s6 =	sld [smem:$0x3FB4]  }
0x2c: {  	s7 =	sld [smem:$0x3FB5]  }
0x2d: {  	s3 =	simm.s32 $0x108;
	s8 =	sld [smem:$0x3FB6]  }
0x2e: {  	s3 =	simm.s32 @!p0 $0x1082;
	s9 =	sld [smem:$0x3FB7]  }
0x2f: {  	lr =	sadd.s32 s0, s3;
	s0 =	sld [smem:$0x3FAE]  }
0x30: {  	s3 =	sld [smem:$0x3FB1]  }
0x31: {  	[smem:$0x3FBA] =	sst s10  }
0x32: {  	s10 =	sld [smem:$0x3FB8];
	_ =	sdelay $0x3  }
0x33: {  	p0 =	seq.s32 s10, $0x1;
	s10 =	sld [smem:$0x3FBA];
	_ =	sdelay $0x3  }
0x34: {  	[smem:$0x3FBA] =	sst s10  }
0x35: {  	s10 =	sld [smem:$0x3FB9];
	_ =	sdelay $0x3  }
0x36: {  	p1 =	seq.s32 s10, $0x1;
	s10 =	sld [smem:$0x3FBA];
	_ =	sdelay $0x3  }
0x37: {  	[smem:$0x3FBA] =	sst s10  }
0x38: {  	s10 =	sld [smem:$0x3FBB]  }
0x39: {  	_ = 	snop;
	(pc) =	sbr.ind lr, $3  }
0x3a: {  	_ = 	snop  }
0x3b: {  	_ = 	snop  }
0x3c: {  	p2 =	seq.s32 s10, $0x1;
	s10 =	sld [smem:$0x3FBA]  }
0x3d: {  	_ =	shalt  }
0x3e: {  	_ =	shalt  }
0x3f: {  	_ =	shalt  }
0x40: {  	_ =	shalt  }
0x41: {  	_ =	shalt  }
0x42: {  	_ =	shalt  }
0x43: {  	_ =	shalt  }
0x44: {  	_ =	shalt  }
0x45: {  	_ =	shalt  }
0x46: {  	_ =	shalt  }
0x47: {  	_ =	shalt  }
0x48: {  	_ =	shalt  }
0x49: {  	_ =	shalt  }
0x4a: {  	_ =	shalt  }
0x4b: {  	_ =	shalt  }
0x4c: {  	_ =	shalt  }
0x4d: {  	_ =	shalt  }
0x4e: {  	_ =	shalt  }
0x4f: {  	_ =	shalt  }
0x50: {  	_ =	shalt  }
0x51: {  	_ =	shalt  }
0x52: {  	_ =	shalt  }
0x53: {  	_ =	shalt  }
0x54: {  	_ =	shalt  }
0x55: {  	_ =	shalt  }
0x56: {  	_ =	shalt  }
0x57: {  	_ =	shalt  }
0x58: {  	_ =	shalt  }
0x59: {  	_ =	shalt  }
0x5a: {  	_ =	shalt  }
0x5b: {  	_ =	shalt  }
0x5c: {  	_ =	shalt  }
0x5d: {  	_ =	shalt  }
0x5e: {  	_ =	shalt  }
0x5f: {  	_ =	shalt  }
0x60: {  	_ =	shalt  }
0x61: {  	_ =	shalt  }
0x62: {  	_ =	shalt  }
0x63: {  	_ =	shalt  }
0x64: {  	_ =	shalt  }
0x65: {  	_ =	shalt  }
0x66: {  	_ =	shalt  }
0x67: {  	_ =	shalt  }
0x68: {  	_ =	shalt  }
0x69: {  	_ =	shalt  }
0x6a: {  	_ =	shalt  }
0x6b: {  	_ =	shalt  }
0x6c: {  	_ =	shalt  }
0x6d: {  	_ =	shalt  }
0x6e: {  	_ =	shalt  }
0x6f: {  	_ =	shalt  }
0x70: {  	_ =	shalt  }
0x71: {  	_ =	shalt  }
0x72: {  	_ =	shalt  }
0x73: {  	_ =	shalt  }
0x74: {  	_ =	shalt  }
0x75: {  	_ =	shalt  }
0x76: {  	_ =	shalt  }
0x77: {  	_ =	shalt  }
0x78: {  	_ =	shalt  }
0x79: {  	_ =	shalt  }
0x7a: {  	_ =	shalt  }
0x7b: {  	_ =	shalt  }
0x7c: {  	_ =	shalt  }
0x7d: {  	_ =	shalt  }
0x7e: {  	_ =	shalt  }
0x7f: {  	_ =	shalt  }
0x80: {  	_ =	shalt  }
0x81: {  	_ =	shalt  }
0x82: {  	_ =	shalt  }
0x83: {  	_ =	shalt  }
0x84: {  	_ =	shalt  }
0x85: {  	_ =	shalt  }
0x86: {  	_ =	shalt  }
0x87: {  	_ =	shalt  }
.Lfunc_end0:
.L_simem_size_0:
called_computation_lowered:
.L_overlay_start_0:
0x88: {  	s2 =	sld [smem:$0x3FD9]  }
0x89: {  	s3 =	sld [smem:$0x3FFE];
	_ =	sdelay $0x1  }
0x8a: {  	s1 =	srdreg.scid  }
0x8b: {  	s0 =	sand.u32 $0x1, s1  }
0x8c: {  	s16 =	sshll.u32 s0, $0xA;
	s2 =	sadd.s32 s3, s2  }
0x8d: {  	s2 =	sadd.s32 s2, s16  }
0x8e: {  	[smem:$0x3FC6] =	sst s2  }
0x8f: {  	_ = 	snop  }
0x90: {  	(tm) =	ssettm $0x1  }
0x91: {  	s17 =	sld [smem:$0x3FFB];
	_ =	sdelay $0x3  }
0x92: {  	_ =	strace s17  }
0x93: {  	s2 =	sld [smem:$0x3FFC];
	_ =	sdelay $0x3  }
0x94: {  	_ =	strace s2  }
0x95: {  	s2 =	sld [smem:$0x3FFD];
	_ =	sdelay $0x3  }
0x96: {  	_ =	strace s2  }
0x97: {  	_ =	strace $0x8FFFFFFF  }
0x98: {  	s18 =	sld [smem:$0x3FDB];
	_ =	sdelay $0x1  }
0x99: {  	s19 =	simm.s32 $_scs_section_size  }
0x9a: {  	s4 =	simm.s32 $_size__tile_overlayer_lowered;
	s5 =	simm.s32 $_tile_overlayer_lowered  }
0x9b: {  	s22 =	simm.s32 $0x1BFF;
	s21 =	sshll.u32 s5, $0x1;
	s2 =	sadd.s32 s19, s18  }
0x9c: {  	s6 =	simm.s32 $0x0;
	s20 =	sshll.u32 s4, $0x1;
	s4 =	sadd.s32 s21, s2  }
0x9d: {  	[timem:s6], [sflag:s22] =	dma.local [hbm:s4], s20  }
0x9e: {  	_ =	swait.ge [sflag:s22], s20  }
0x9f: {  	s3 =	ssub.s32 $0x0, s20;
	[sflag:s22] =	ssyncset.done $0x0  }
0xa0: {  	[sflag:s22] =	ssyncadd.s32 s3;
	_ =	sdelay $0x1  }
0xa1: {  	s23 =	simm.s32 $0x1B8B  }
0xa2: {  	_ =	swait.ge [sflag:s23], $0x1  }
0xa3: {  	[sflag:s23] =	ssyncset.done $0x0  }
0xa4: {  	s25 =	simm.s32 $0x1B8E;
	s24 =	sld [smem:$0x3FFE];
	[sflag:s23] =	ssyncadd.s32 $0xFFFFFFFF  }
0xa5: {  	s26 =	simm.s32 $execute0_lowered;
	[smem:$0x3FD2] =	sst s25  }
0xa6: {  	s4 =	sshll.u32 s26, $0x1;
	_ =	strace $0x80000046;
	[dreg:$0x1] =	wrdreg $0xFFFFFFFF  }
0xa7: {  	s28 =	simm.s32 $_size_execute0_lowered;
	s2 =	sadd.s32 s2, s4;
	[dreg:$0x0] =	wrdreg $0x0  }
0xa8: {  	s4 =	sshll.u32 s28, $0x1;
	[dreg:$0x2] =	wrdreg s2  }
0xa9: {  	[dreg:$0x3] =	wrdreg s4  }
0xaa: {  	[dreg:$0x4] =	wrdreg $0xC0  }
0xab: {  	_ =	task [dreg:s6], $0x5FFFF  }
0xac: {  	[dreg:$0x1] =	wrdreg $0xFFFFFFFF  }
0xad: {  	[dreg:$0x0] =	wrdreg $0x60  }
0xae: {  	[dreg:$0x2] =	wrdreg s24  }
0xaf: {  	[dreg:$0x3] =	wrdreg $0x9  }
0xb0: {  	_ =	task.clear_ibuf [dreg:s6], $0x4FFFF;
	_ =	strace $0x90000046  }
0xb1: {  	s29 =	simm.s32 $0x9;
	_ =	strace $0x80000048  }
0xb2: {  	_ =	swait.ge [sflag:s29], $0x1  }
0xb3: {  	[sflag:s29] =	ssyncadd.s32 $0xFFFFFFFF  }
0xb4: {  	_ =	strace $0x90000048  }
0xb5: {  	_ =	sfence  }
0xb6: {  	s30 =	sld [smem:$0x0];
	_ =	sdelay $0x2  }
0xb7: {  	s31 =	sshll.u32 s1, $0xD;
	s1 =	sshrl.u32 s1, $0x2  }
0xb8: {  	s3 =	sand.u32 $0x4000, s31;
	s1 =	sadd.s32 s1, s30  }
0xb9: {  	s0 =	sor.u32 s3, s0;
	s1 =	sshll.u32 s1, $0x11  }
0xba: {  	s0 =	sor.u32 s1, s0  }
0xbb: {  	s0 =	sadd.s32 $0x8F2B, s0  }
0xbc: {  	[sflag:s0] =	ssyncadd.remote.s32 $0x1  }
0xbd: {  	_ =	sfence.sel $0xFFFF  }
0xbe: {  	[dreg:$0x0] =	wrdreg $0xFFFFFFFF;
	(pc) =	sbr.abs _section_cstart, $3  }
0xbf: {  	[dreg:$0x1] =	wrdreg $0xFFFFFFFF  }
0xc0: {  	_ =	task.clear_ibuf [dreg:s6], $0x2FFFF;
	_ =	strace $0x9FFFFFFF  }
0xc1: {  	(tm) =	ssettm $0x7FFFFFFF  }
tec
execute0_lowered:
.L_overlay_start_1:
0x0: {  	(tag) =	ssettag $0x1  }
0x1: {  	v0 =	vlaneseq.u32  }
0x2: {  	s0 =	srdreg.scid;
	s4 =	rddreg [dreg:$0x0];
	s2 =	simm.s32 $0x0;
	v48 =	vmul.u32 $0x5, v0  }
0x3: {  	s1 =	stileid.u32;
	s10 =	simm.s32 $0x3180;
	[smem:$0x7FF] =	sst s2  }
0x4: {  	s3 =	sand.u32 $0x1, s0;
	s0 =	rddreg [dreg:$0x1];
	_ =	strace $0x80000047;
	v49 =	vadd.s32 $0x1, v48;
	[tilespmem:$0x1FF60] =	vst v48  }
0x5: {  	v1 =	vimm.s32 $0x5F5A5550;
	vm0 =	vcmask $0xF00;
	s11 =	simm.s32 $0x3200;
	s12 =	simm.s32 $0x3280;
	s5 =	sshll.u32 s3, $0x4;
	v50 =	vadd.s32 $0x2, v48;
	[tilespmem:$0x1FF70] =	vst v49  }
0x6: {  	v2 =	vimm.s32 $0x605B5651;
	s13 =	simm.s32 $0x3;
	s8 =	sshll.u32 s1, $0x4;
	v1 =	vunpack.c.0.s8.s32 v1;
	s5 =	sor.u32 s1, s5;
	v51 =	vadd.s32 $0x3, v48;
	[tilespmem:$0x1FF80] =	vst v50  }
0x7: {  	v3 =	vimm.s32 $0x615C5752;
	s14 =	simm.s32 $0x0;
	v2 =	vunpack.c.0.s8.s32 v2;
	s8 =	sand.u32 $0x70, s8;
	v52 =	vadd.s32 $0x4, v48;
	s6 =	smul.u32 $0x5BE, s5;
	[tilespmem:$0x1FF90] =	vst v51  }
0x8: {  	v4 =	vimm.s32 $0x625D5853;
	v3 =	vunpack.c.0.s8.s32 v3;
	s3 =	ssub.s32 $0x2, s3;
	s8 =	sadd.s32 s8, s4;
	v53 =	vnsel vm0, $0x0, v1;
	s7 =	smul.u32 $0x64, s5;
	[tilespmem:$0x1FFA0] =	vst v52  }
.Ltmp0:
0x9: {  	v5 =	vimm.s32 $0x635E5954;
	v4 =	vunpack.c.0.s8.s32 v4;
	s9 =	sshrl.u32 s3, $0x1;
	v54 =	vnsel vm0, $0x1, v2;
	s5 =	sshll.u32 s5, $0x4;
	[tilespmem:$0x1FFB0] =	vst v53;
	(pc) =	sbr.rel .LBB2_1-.Ltmp0, $4  }
0xa: {  	v1 =	vunpack.c.0.s8.s32 v5;
	v55 =	vnsel vm0, $0x2, v3;
	s31 =	ssub.s32 s3, s9;
	s9 =	simm.s32 $0x1;
	[tilespmem:$0x1FFC0] =	vst v54;
	s5 =	sand.u32 $0x180, s5  }
0xb: {  	v56 =	vnsel vm0, $0x3, v4;
	[tilespmem:$0x1FFD0] =	vst v55;
	s6 =	sadd.s32 s6, s4;
	s4 =	sadd.s32 s7, s4;
	s5 =	sadd.s32 s5, s8  }
0xc: {  	[tilespmem:$0x1FFE0] =	vst v56;
	v57 =	vnsel vm0, $0x4, v1;
	s7 =	simm.s32 $0x2E00;
	s8 =	simm.s32 $0x2;
	s3 =	sadd.s32 $0x200, s6  }
0xd: {  	v11 =	vimm.s32 $0x0;
	vm0 =	vmmov $0xf;
	[tilespmem:$0x1FFF0] =	vst v57;
	s4 =	sadd.s32 $0xBA00, s4;
	s5 =	sadd.s32 $0xC800, s5;
	s6 =	smax.u32 s31, $0x1  }
.LBB2_23:
0xe: {  	(xrf2) =	vadd.scan.msk.f32 $0xffff, v58;
	_ =	sdelay $0x9  }
0xf: {  	v1, _, _ =	vpop (xrf2)  }
0x10: {  	v1 =	vbroadcast v1, $0xF  }
0x11: {  	vm1 =	vmmov $0x1;
	s14 =	sadd.s32 $0x1, s14  }
0x12: {  	p0 =	sne.s32 s14, s6;
	v1 =	vnsel vm1, $0x0, v1  }
.Ltmp1:
0x13: {  	[tilespmem:$0x3280] =	vst v1;
	(pc) =	sbr.rel @!p0 .LBB2_24-.Ltmp1, $4  }
0x14: {  	[hbm4b:s5+s2] =	stream.linear.scatter [tilespmem:s12], [sflag:$0x3], $0x80, $0x38;
	[tilespmem:$0x3300] =	vst v63  }
0x15: {  	_ =	swait.ge [sflag:s13], $0x80  }
0x16: {  	[sflag:s13] =	ssyncset.done $0x0  }
0x17: {  	[sflag:s13] =	ssyncadd.s32 $0xFFFFFF80  }
.LBB2_1:
0x18: {  	[tilespmem:s2], [sflag:$0x1] =	stream.linear.gather [hbm4b:s3+s2], $0x2DF0, $0x38;
	[tilespmem:$0x3300] =	vst v63  }
0x19: {  	_ = 	snop  }
0x1a: {  	[tilespmem:s7], [sflag:$0x2] =	stream.linear.gather [hbm4b:s4+s2], $0x320, $0x38;
	[tilespmem:$0x3300] =	vst v63  }
0x1b: {  	_ =	swait.ge [sflag:s8], $0x320  }
0x1c: {  	[sflag:s8] =	ssyncset.done $0x0  }
0x1d: {  	[sflag:s8] =	ssyncadd.s32 $0xFFFFFCE0  }
0x1e: {  	_ =	swait.ge [sflag:s9], $0x2DF0  }
0x1f: {  	[sflag:s9] =	ssyncset.done $0x0  }
0x20: {  	v58 =	vimm.f32 $0.0e+00;
	s15 =	simm.s32 $0x0;
	[sflag:s9] =	ssyncadd.s32 $0xFFFFD210  }
.LBB2_2:
0x21: {  	s17 =	smul.u32 $0x64, s15;
	_ =	sdelay $0x1  }
0x22: {  	v1 =	vadd.s32 s17, v49;
	_ =	sdelay $0x1  }
0x23: {  	v2 =	vadd.s32 s17, v48;
	_ =	sdelay $0x2  }
0x24: {  	v24 =	vld.idx.msk [tilespmem:v1+s7+$0x0], $0xffff;
	_ =	sdelay $0x1  }
0x25: {  	v26 =	vld.idx.msk [tilespmem:v2+s7+$0x0], $0xffff;
	_ =	sdelay $0x2  }
0x26: {  	v1 =	vtrunc.f32 v24  }
0x27: {  	v6 =	vcvt.f32.s32 v1  }
0x28: {  	v1 =	vtrunc.f32 v26  }
0x29: {  	v5 =	vcvt.f32.s32 v1;
	v1 =	vmul.u32 $0x7, v6;
	_ =	sdelay $0x1  }
0x2a: {  	v21 =	vadd.s32 v5, v1  }
0x2b: {  	s16 =	smul.u32 $0x5BE, s15;
	v1 =	vmul.u32 $0x1E, v21;
	_ =	sdelay $0x1  }
0x2c: {  	v8 =	vadd.s32 s16, v1;
	_ =	sdelay $0x4  }
0x2d: {  	v1 =	vld.idx.msk [tilespmem:v8+s2+$0x0], $0xffff;
	_ =	sdelay $0x4  }
0x2e: {  	v1 =	vsub.f32 $0.0e+00, v1;
	_ =	sdelay $0x1  }
0x2f: {  	v1 =	vmul.f32 $1.442695020e+00, v1  }
0x30: {  	v2 =	vor.u32 $0x1, v8  }
0x31: {  	(erf) = vpow2.f32 v1;
	_ =	sdelay $0x3  }
0x32: {  	v1 =	vld.idx.msk [tilespmem:v2+s2+$0x0], $0xffff;
	_ =	sdelay $0x4  }
0x33: {  	v1 =	vsub.f32 $0.0e+00, v1;
	v2 =	vpop (erf)  }
0x34: {  	v2 =	vadd.f32 $1.000000000e+00, v2  }
0x35: {  	v1 =	vmul.f32 $1.442695020e+00, v1  }
0x36: {  	(erf) = vrcp.f32 v2;
	v2 =	vadd.s32 $0x2, v8  }
0x37: {  	(erf) = vpow2.f32 v1;
	_ =	sdelay $0x3  }
0x38: {  	v1 =	vld.idx.msk [tilespmem:v2+s2+$0x0], $0xffff;
	_ =	sdelay $0x3  }
0x39: {  	v20 =	vpop (erf)  }
0x3a: {  	v2 =	vpop (erf);
	v1 =	vsub.f32 $0.0e+00, v1  }
0x3b: {  	v2 =	vadd.f32 $1.000000000e+00, v2  }
0x3c: {  	v1 =	vmul.f32 $1.442695020e+00, v1  }
0x3d: {  	(erf) = vrcp.f32 v2;
	v2 =	vadd.s32 $0x3, v8  }
0x3e: {  	(erf) = vpow2.f32 v1;
	_ =	sdelay $0x3  }
0x3f: {  	v1 =	vld.idx.msk [tilespmem:v2+s2+$0x0], $0xffff;
	_ =	sdelay $0x3  }
0x40: {  	v22 =	vpop (erf)  }
0x41: {  	v2 =	vpop (erf);
	v1 =	vsub.f32 $0.0e+00, v1  }
0x42: {  	v2 =	vadd.f32 $1.000000000e+00, v2  }
0x43: {  	v1 =	vmul.f32 $1.442695020e+00, v1  }
0x44: {  	(erf) = vrcp.f32 v2;
	v2 =	vadd.s32 $0x4, v8  }
0x45: {  	(erf) = vpow2.f32 v1;
	_ =	sdelay $0x3  }
0x46: {  	v2 =	vld.idx.msk [tilespmem:v2+s2+$0x0], $0xffff;
	_ =	sdelay $0x3  }
0x47: {  	v1 =	vpop (erf)  }
0x48: {  	v3 =	vpop (erf);
	v2 =	vsub.f32 $0.0e+00, v2  }
0x49: {  	v3 =	vadd.f32 $1.000000000e+00, v3  }
0x4a: {  	v2 =	vmul.f32 $1.442695020e+00, v2  }
0x4b: {  	(erf) = vrcp.f32 v3;
	v3 =	vadd.s32 $0x5, v8  }
0x4c: {  	(erf) = vpow2.f32 v2;
	_ =	sdelay $0x3  }
0x4d: {  	v3 =	vld.idx.msk [tilespmem:v3+s2+$0x0], $0xffff;
	_ =	sdelay $0x3  }
0x4e: {  	v2 =	vpop (erf)  }
0x4f: {  	v4 =	vpop (erf);
	v3 =	vsub.f32 $0.0e+00, v3  }
0x50: {  	v4 =	vadd.f32 $1.000000000e+00, v4  }
0x51: {  	v3 =	vmul.f32 $1.442695020e+00, v3  }
0x52: {  	(erf) = vrcp.f32 v4;
	v4 =	vadd.s32 $0x6, v8  }
0x53: {  	(erf) = vpow2.f32 v3;
	_ =	sdelay $0x3  }
0x54: {  	v4 =	vld.idx.msk [tilespmem:v4+s2+$0x0], $0xffff;
	_ =	sdelay $0x3  }
0x55: {  	v3 =	vpop (erf)  }
0x56: {  	v7 =	vpop (erf);
	v4 =	vsub.f32 $0.0e+00, v4  }
0x57: {  	v7 =	vadd.f32 $1.000000000e+00, v7  }
0x58: {  	v4 =	vmul.f32 $1.442695020e+00, v4  }
0x59: {  	(erf) = vrcp.f32 v7;
	v7 =	vadd.s32 $0x7, v8  }
0x5a: {  	(erf) = vpow2.f32 v4;
	_ =	sdelay $0x3  }
0x5b: {  	v7 =	vld.idx.msk [tilespmem:v7+s2+$0x0], $0xffff;
	_ =	sdelay $0x3  }
0x5c: {  	v4 =	vpop (erf)  }
0x5d: {  	v9 =	vpop (erf);
	v7 =	vsub.f32 $0.0e+00, v7  }
0x5e: {  	v9 =	vadd.f32 $1.000000000e+00, v9  }
0x5f: {  	v7 =	vmul.f32 $1.442695020e+00, v7  }
0x60: {  	(erf) = vrcp.f32 v9  }
0x61: {  	(erf) = vpow2.f32 v7;
	_ =	sdelay $0x2  }
0x62: {  	v10 =	vadd.s32 s17, v51  }
0x63: {  	v9 =	vadd.s32 s17, v50;
	_ =	sdelay $0x3  }
0x64: {  	v13 =	vld.idx.msk [tilespmem:v10+s7+$0x0], $0xffff;
	v7 =	vpop (erf)  }
0x65: {  	v17 =	vld.idx.msk [tilespmem:v9+s7+$0x0], $0xffff;
	v9 =	vpop (erf)  }
0x66: {  	v9 =	vadd.f32 $1.000000000e+00, v9;
	_ =	sdelay $0x1  }
0x67: {  	v6 =	vcvt.s32.f32 v6;
	(erf) = vrcp.f32 v9  }
0x68: {  	v15 =	vmul.f32 $5.000000000e-01, v13  }
0x69: {  	v12 =	vadd.f32 v6, v22;
	v14 =	vmul.f32 $5.000000000e-01, v2  }
0x6a: {  	v25 =	vsub.f32 v24, v15;
	v5 =	vcvt.s32.f32 v5  }
0x6b: {  	v23 =	vsub.f32 v12, v14;
	v12 =	vadd.f32 v14, v12;
	v18 =	vmul.f32 $5.000000000e-01, v17  }
0x6c: {  	v10 =	vmul.f32 $5.000000000e-01, v1;
	v14 =	vadd.f32 v15, v24;
	v9 =	vadd.f32 v5, v20  }
0x6d: {  	v23 =	vmax.f32 v23, v25;
	v19 =	vsub.f32 v26, v18;
	v27 =	vadd.f32 v18, v26  }
0x6e: {  	v12 =	vmin.f32 v12, v14;
	v16 =	vsub.f32 v9, v10;
	v10 =	vadd.f32 v10, v9  }
0x6f: {  	v12 =	vsub.f32 v12, v23;
	v28 =	vadd.f32 v5, v3  }
0x70: {  	v30 =	vmul.f32 $5.000000000e-01, v7;
	v16 =	vmax.f32 v16, v19;
	v10 =	vmin.f32 v10, v27;
	v9 =	vpop (erf)  }
0x71: {  	v29 =	vadd.f32 v6, v4;
	v10 =	vsub.f32 v10, v16;
	v31 =	vmul.f32 $5.000000000e-01, v9  }
0x72: {  	v16 =	vsub.f32 v28, v30;
	v28 =	vadd.f32 v30, v28  }
0x73: {  	v12 =	vmax.f32 v12, $0.0e+00;
	v23 =	vsub.f32 v29, v31;
	v29 =	vadd.f32 v31, v29  }
0x74: {  	v46 =	vmul.f32 v13, v17;
	v30 =	vmul.f32 v2, v1;
	v16 =	vmax.f32 v16, v19  }
0x75: {  	v19 =	vmax.f32 v23, v25;
	v23 =	vmin.f32 v28, v27;
	v14 =	vmin.f32 v29, v14  }
0x76: {  	v10 =	vmax.f32 v10, $0.0e+00;
	v16 =	vsub.f32 v23, v16;
	v14 =	vsub.f32 v14, v19  }
0x77: {  	v10 =	vmul.f32 v12, v10;
	v12 =	vmul.f32 v9, v7  }
0x78: {  	v19 =	vadd.f32 v30, v46;
	v16 =	vmax.f32 v16, $0.0e+00;
	v14 =	vmax.f32 v14, $0.0e+00  }
0x79: {  	v12 =	vadd.f32 v12, v46;
	v14 =	vmul.f32 v14, v16  }
0x7a: {  	v16 =	vsub.f32 v19, v10  }
0x7b: {  	v12 =	vsub.f32 v12, v14  }
0x7c: {  	(erf) = vrcp.f32 v16  }
0x7d: {  	(erf) = vrcp.f32 v12;
	_ =	sdelay $0x7  }
0x7e: {  	v12 =	vpop (erf)  }
0x7f: {  	v16 =	vpop (erf)  }
0x80: {  	v10 =	vmul.f32 v12, v10;
	v12 =	vmul.f32 v16, v14;
	_ =	sdelay $0x1  }
0x81: {  	vm2 =	vgt.f32 v12, v10  }
0x82: {  	v10 =	vsel vm2, $0x1, v11  }
0x83: {  	v12 =	vadd.s32 s17, v52;
	v14 =	vor.u32 v10, v8  }
0x84: {  	v14 =	vadd.s32 $0x8, v14;
	_ =	sdelay $0x3  }
0x85: {  	v12 =	vld.idx.msk [tilespmem:v12+s7+$0x0], $0xffff  }
0x86: {  	v14 =	vld.idx.msk [tilespmem:v14+s2+$0x0], $0xffff;
	_ =	sdelay $0x4  }
0x87: {  	v16 =	vtrunc.f32 v12;
	v14 =	vsub.f32 $0.0e+00, v14  }
0x88: {  	v28 =	vcvt.f32.s32 v16  }
0x89: {  	v16 =	vadd.s32 $0xA, v8;
	v14 =	vmul.f32 $1.442695020e+00, v14  }
0x8a: {  	v19 =	vadd.s32 v28, v16  }
0x8b: {  	(erf) = vpow2.f32 v14;
	_ =	sdelay $0x3  }
0x8c: {  	v14 =	vld.idx.msk [tilespmem:v19+s2+$0x0], $0xffff;
	_ =	sdelay $0x4  }
0x8d: {  	v14 =	vsub.f32 $0.0e+00, v14;
	v19 =	vpop (erf)  }
0x8e: {  	v19 =	vadd.f32 $1.000000000e+00, v19  }
0x8f: {  	v14 =	vmul.f32 $1.442695020e+00, v14  }
0x90: {  	(erf) = vrcp.f32 v19  }
0x91: {  	(erf) = vpow2.f32 v14;
	_ =	sdelay $0x3  }
0x92: {  	v14 =	vld.idx.msk [tilespmem:v16+s2+$0x0], $0xffff;
	_ =	sdelay $0x3  }
0x93: {  	v60 =	vpop (erf)  }
0x94: {  	v14 =	vsub.f32 $0.0e+00, v14;
	v16 =	vpop (erf)  }
0x95: {  	v16 =	vadd.f32 $1.000000000e+00, v16  }
0x96: {  	v14 =	vmul.f32 $1.442695020e+00, v14  }
0x97: {  	(erf) = vrcp.f32 v16;
	v16 =	vadd.s32 $0xB, v8  }
0x98: {  	(erf) = vpow2.f32 v14;
	_ =	sdelay $0x3  }
0x99: {  	v14 =	vld.idx.msk [tilespmem:v16+s2+$0x0], $0xffff;
	_ =	sdelay $0x3  }
0x9a: {  	v59 =	vpop (erf)  }
0x9b: {  	v16 =	vpop (erf);
	v14 =	vsub.f32 $0.0e+00, v14  }
0x9c: {  	v16 =	vadd.f32 $1.000000000e+00, v16  }
0x9d: {  	v14 =	vmul.f32 $1.442695020e+00, v14  }
0x9e: {  	(erf) = vrcp.f32 v16;
	v16 =	vadd.s32 $0xC, v8  }
0x9f: {  	(erf) = vpow2.f32 v14;
	_ =	sdelay $0x3  }
0xa0: {  	v16 =	vld.idx.msk [tilespmem:v16+s2+$0x0], $0xffff;
	_ =	sdelay $0x3  }
0xa1: {  	v14 =	vpop (erf)  }
0xa2: {  	v19 =	vpop (erf);
	v16 =	vsub.f32 $0.0e+00, v16  }
0xa3: {  	v19 =	vadd.f32 $1.000000000e+00, v19  }
0xa4: {  	v16 =	vmul.f32 $1.442695020e+00, v16  }
0xa5: {  	(erf) = vrcp.f32 v19;
	v19 =	vadd.s32 $0xD, v8  }
0xa6: {  	(erf) = vpow2.f32 v16;
	_ =	sdelay $0x3  }
0xa7: {  	v19 =	vld.idx.msk [tilespmem:v19+s2+$0x0], $0xffff;
	_ =	sdelay $0x3  }
0xa8: {  	v16 =	vpop (erf)  }
0xa9: {  	v23 =	vpop (erf);
	v19 =	vsub.f32 $0.0e+00, v19  }
0xaa: {  	v23 =	vadd.f32 $1.000000000e+00, v23  }
0xab: {  	v19 =	vmul.f32 $1.442695020e+00, v19  }
0xac: {  	(erf) = vrcp.f32 v23;
	v23 =	vadd.s32 $0xE, v8  }
0xad: {  	(erf) = vpow2.f32 v19;
	_ =	sdelay $0x3  }
0xae: {  	v23 =	vld.idx.msk [tilespmem:v23+s2+$0x0], $0xffff;
	_ =	sdelay $0x3  }
0xaf: {  	v19 =	vpop (erf)  }
0xb0: {  	v47 =	vpop (erf);
	v23 =	vsub.f32 $0.0e+00, v23  }
0xb1: {  	v25 =	vadd.f32 $1.000000000e+00, v47  }
0xb2: {  	v23 =	vmul.f32 $1.442695020e+00, v23  }
0xb3: {  	v61 =	vadd.s32 $0xF, v8;
	(erf) = vrcp.f32 v25  }
0xb4: {  	(erf) = vpow2.f32 v23;
	_ =	sdelay $0x3  }
0xb5: {  	v25 =	vld.idx.msk [tilespmem:v61+s2+$0x0], $0xffff;
	_ =	sdelay $0x3  }
0xb6: {  	v23 =	vpop (erf)  }
0xb7: {  	v25 =	vsub.f32 $0.0e+00, v25;
	v27 =	vpop (erf)  }
0xb8: {  	v27 =	vadd.f32 $1.000000000e+00, v27  }
0xb9: {  	v25 =	vmul.f32 $1.442695020e+00, v25  }
0xba: {  	(erf) = vrcp.f32 v27;
	v27 =	vadd.s32 $0x10, v8  }
0xbb: {  	(erf) = vpow2.f32 v25;
	_ =	sdelay $0x3  }
0xbc: {  	v27 =	vld.idx.msk [tilespmem:v27+s2+$0x0], $0xffff;
	_ =	sdelay $0x3  }
0xbd: {  	v25 =	vpop (erf)  }
0xbe: {  	v29 =	vpop (erf);
	v27 =	vsub.f32 $0.0e+00, v27  }
0xbf: {  	v29 =	vadd.f32 $1.000000000e+00, v29  }
0xc0: {  	v27 =	vmul.f32 $1.442695020e+00, v27  }
0xc1: {  	(erf) = vrcp.f32 v29;
	v29 =	vadd.s32 $0x11, v8  }
0xc2: {  	(erf) = vpow2.f32 v27;
	_ =	sdelay $0x3  }
0xc3: {  	v29 =	vld.idx.msk [tilespmem:v29+s2+$0x0], $0xffff;
	_ =	sdelay $0x3  }
0xc4: {  	v27 =	vpop (erf)  }
0xc5: {  	v30 =	vpop (erf);
	v29 =	vsub.f32 $0.0e+00, v29  }
0xc6: {  	v30 =	vadd.f32 $1.000000000e+00, v30  }
0xc7: {  	v29 =	vmul.f32 $1.442695020e+00, v29  }
0xc8: {  	(erf) = vrcp.f32 v30;
	v30 =	vadd.s32 $0x12, v8  }
0xc9: {  	(erf) = vpow2.f32 v29;
	_ =	sdelay $0x3  }
0xca: {  	v30 =	vld.idx.msk [tilespmem:v30+s2+$0x0], $0xffff;
	_ =	sdelay $0x3  }
0xcb: {  	v29 =	vpop (erf)  }
0xcc: {  	v31 =	vpop (erf);
	v30 =	vsub.f32 $0.0e+00, v30  }
0xcd: {  	v31 =	vadd.f32 $1.000000000e+00, v31  }
0xce: {  	v30 =	vmul.f32 $1.442695020e+00, v30  }
0xcf: {  	(erf) = vrcp.f32 v31;
	v31 =	vadd.s32 $0x13, v8  }
0xd0: {  	(erf) = vpow2.f32 v30;
	_ =	sdelay $0x3  }
0xd1: {  	v30 =	vld.idx.msk [tilespmem:v31+s2+$0x0], $0xffff;
	_ =	sdelay $0x3  }
0xd2: {  	v34 =	vpop (erf)  }
0xd3: {  	v31 =	vpop (erf);
	v30 =	vsub.f32 $0.0e+00, v30  }
0xd4: {  	v31 =	vadd.f32 $1.000000000e+00, v31  }
0xd5: {  	v30 =	vmul.f32 $1.442695020e+00, v30  }
0xd6: {  	(erf) = vrcp.f32 v31;
	v31 =	vadd.s32 $0x14, v8  }
0xd7: {  	(erf) = vpow2.f32 v30;
	_ =	sdelay $0x3  }
0xd8: {  	v30 =	vld.idx.msk [tilespmem:v31+s2+$0x0], $0xffff;
	_ =	sdelay $0x3  }
0xd9: {  	v35 =	vpop (erf)  }
0xda: {  	v31 =	vpop (erf);
	v30 =	vsub.f32 $0.0e+00, v30  }
0xdb: {  	v31 =	vadd.f32 $1.000000000e+00, v31  }
0xdc: {  	v30 =	vmul.f32 $1.442695020e+00, v30  }
0xdd: {  	(erf) = vrcp.f32 v31;
	v31 =	vadd.s32 $0x15, v8  }
0xde: {  	(erf) = vpow2.f32 v30;
	_ =	sdelay $0x3  }
0xdf: {  	v30 =	vld.idx.msk [tilespmem:v31+s2+$0x0], $0xffff;
	_ =	sdelay $0x3  }
0xe0: {  	v36 =	vpop (erf)  }
0xe1: {  	v31 =	vpop (erf);
	v30 =	vsub.f32 $0.0e+00, v30  }
0xe2: {  	v31 =	vadd.f32 $1.000000000e+00, v31  }
0xe3: {  	v30 =	vmul.f32 $1.442695020e+00, v30  }
0xe4: {  	(erf) = vrcp.f32 v31;
	v31 =	vadd.s32 $0x16, v8  }
0xe5: {  	(erf) = vpow2.f32 v30;
	_ =	sdelay $0x3  }
0xe6: {  	v30 =	vld.idx.msk [tilespmem:v31+s2+$0x0], $0xffff;
	_ =	sdelay $0x3  }
0xe7: {  	v37 =	vpop (erf)  }
0xe8: {  	v31 =	vpop (erf);
	v30 =	vsub.f32 $0.0e+00, v30  }
0xe9: {  	v31 =	vadd.f32 $1.000000000e+00, v31  }
0xea: {  	v30 =	vmul.f32 $1.442695020e+00, v30  }
0xeb: {  	(erf) = vrcp.f32 v31;
	v31 =	vadd.s32 $0x17, v8  }
0xec: {  	(erf) = vpow2.f32 v30;
	_ =	sdelay $0x3  }
0xed: {  	v30 =	vld.idx.msk [tilespmem:v31+s2+$0x0], $0xffff;
	_ =	sdelay $0x3  }
0xee: {  	v38 =	vpop (erf)  }
0xef: {  	v31 =	vpop (erf);
	v30 =	vsub.f32 $0.0e+00, v30  }
0xf0: {  	v31 =	vadd.f32 $1.000000000e+00, v31  }
0xf1: {  	v30 =	vmul.f32 $1.442695020e+00, v30  }
0xf2: {  	(erf) = vrcp.f32 v31;
	v31 =	vadd.s32 $0x18, v8  }
0xf3: {  	(erf) = vpow2.f32 v30;
	_ =	sdelay $0x3  }
0xf4: {  	v30 =	vld.idx.msk [tilespmem:v31+s2+$0x0], $0xffff;
	_ =	sdelay $0x3  }
0xf5: {  	v39 =	vpop (erf)  }
0xf6: {  	v31 =	vpop (erf);
	v30 =	vsub.f32 $0.0e+00, v30  }
0xf7: {  	v31 =	vadd.f32 $1.000000000e+00, v31  }
0xf8: {  	v30 =	vmul.f32 $1.442695020e+00, v30  }
0xf9: {  	(erf) = vrcp.f32 v31;
	v31 =	vadd.s32 $0x19, v8  }
0xfa: {  	(erf) = vpow2.f32 v30;
	_ =	sdelay $0x3  }
0xfb: {  	v30 =	vld.idx.msk [tilespmem:v31+s2+$0x0], $0xffff;
	_ =	sdelay $0x3  }
0xfc: {  	v40 =	vpop (erf)  }
0xfd: {  	v31 =	vpop (erf);
	v30 =	vsub.f32 $0.0e+00, v30  }
0xfe: {  	v31 =	vadd.f32 $1.000000000e+00, v31  }
0xff: {  	v30 =	vmul.f32 $1.442695020e+00, v30  }
0x100: {  	(erf) = vrcp.f32 v31;
	v31 =	vadd.s32 $0x1A, v8  }
0x101: {  	(erf) = vpow2.f32 v30;
	_ =	sdelay $0x3  }
0x102: {  	v30 =	vld.idx.msk [tilespmem:v31+s2+$0x0], $0xffff;
	_ =	sdelay $0x3  }
0x103: {  	v41 =	vpop (erf)  }
0x104: {  	v31 =	vpop (erf);
	v30 =	vsub.f32 $0.0e+00, v30  }
0x105: {  	v31 =	vadd.f32 $1.000000000e+00, v31  }
0x106: {  	v30 =	vmul.f32 $1.442695020e+00, v30  }
0x107: {  	(erf) = vrcp.f32 v31;
	v31 =	vadd.s32 $0x1B, v8  }
0x108: {  	(erf) = vpow2.f32 v30;
	_ =	sdelay $0x3  }
0x109: {  	v30 =	vld.idx.msk [tilespmem:v31+s2+$0x0], $0xffff;
	_ =	sdelay $0x3  }
0x10a: {  	v42 =	vpop (erf)  }
0x10b: {  	v31 =	vpop (erf);
	v30 =	vsub.f32 $0.0e+00, v30  }
0x10c: {  	v31 =	vadd.f32 $1.000000000e+00, v31  }
0x10d: {  	v30 =	vmul.f32 $1.442695020e+00, v30  }
0x10e: {  	(erf) = vrcp.f32 v31  }
0x10f: {  	(erf) = vpow2.f32 v30;
	v30 =	vadd.s32 $0x1C, v8;
	_ =	sdelay $0x1  }
0x110: {  	v31 =	vadd.s32 s17, v53  }
0x111: {  	v32 =	vadd.s32 s17, v54;
	_ =	sdelay $0x1  }
0x112: {  	v43 =	vadd.s32 s17, v55;
	v44 =	vld.idx.msk [tilespmem:v30+s2+$0x0], $0xffff;
	_ =	sdelay $0x1  }
0x113: {  	v33 =	vld.idx.msk [tilespmem:v31+s7+$0x0], $0xffff;
	v31 =	vadd.s32 s17, v56  }
0x114: {  	v32 =	vld.idx.msk [tilespmem:v32+s7+$0x0], $0xffff;
	v14 =	vmul.f32 v14, v14;
	v16 =	vmul.f32 v16, v16  }
0x115: {  	v46 =	vadd.s32 s17, v57;
	v45 =	vpop (erf)  }
0x116: {  	v14 =	vadd.f32 v16, v14;
	v19 =	vmul.f32 v19, v19;
	v30 =	vld.idx.msk [tilespmem:v43+s7+$0x0], $0xffff;
	v47 =	vpop (erf);
	v44 =	vsub.f32 $0.0e+00, v44  }
0x117: {  	v62 =	vadd.f32 $1.000000000e+00, v47  }
0x118: {  	v14 =	vadd.f32 v19, v14;
	v31 =	vld.idx.msk [tilespmem:v31+s7+$0x0], $0xffff;
	v16 =	vmul.f32 $1.442695020e+00, v44  }
0x119: {  	v61 =	vadd.s32 $0x1D, v8;
	v63 =	vadd.f32 v32, v33;
	(erf) = vrcp.f32 v62  }
0x11a: {  	v23 =	vmul.f32 v23, v23;
	v8 =	vld.idx.msk [tilespmem:v46+s7+$0x0], $0xffff;
	(erf) = vpow2.f32 v16;
	v16 =	vadd.f32 v24, v26  }
0x11b: {  	v19 =	vadd.f32 v30, v63  }
0x11c: {  	v14 =	vadd.f32 v23, v14;
	v23 =	vmul.f32 v25, v25;
	v16 =	vadd.f32 v17, v16  }
0x11d: {  	v19 =	vadd.f32 v31, v19  }
0x11e: {  	v14 =	vadd.f32 v23, v14;
	v23 =	vmul.f32 v27, v27;
	v16 =	vadd.f32 v13, v16  }
0x11f: {  	v19 =	vadd.f32 v8, v19  }
0x120: {  	v44 =	vadd.f32 v12, v16;
	v12 =	vadd.f32 v23, v14;
	v14 =	vmul.f32 v29, v29;
	_ =	sdelay $0x1  }
0x121: {  	vm1 =	vgt.f32 v19, $0.0e+00  }
0x122: {  	vm1 =	vmand vm1, vm0;
	vm3 =	vgt.f32 v44, $0.0e+00;
	v16 =	vpop (erf)  }
0x123: {  	v62 =	vld.idx.msk [tilespmem:v61+s2+$0x0], $0xffff;
	v63 =	vmpcnt.ones.xlane vm1;
	v12 =	vadd.f32 v14, v12;
	v19 =	vmpcnt.ones.xlane vm3;
	v14 =	vpop (erf)  }
0x124: {  	v14 =	vadd.f32 $1.000000000e+00, v14  }
0x125: {  	v19 =	vadd.s32 v19, v63  }
0x126: {  	(erf) = vrcp.f32 v14;
	v14 =	vxor.u32 $0x80000000, v19  }
0x127: {  	(xrf0) =	vmax.scan.msk.u32 $0xffff, v14  }
0x128: {  	v23 =	vsub.f32 $0.0e+00, v62  }
0x129: {  	v27 =	vmul.f32 v34, v34;
	v19 =	vmul.f32 v35, v35  }
0x12a: {  	v23 =	vmul.f32 $1.442695020e+00, v23  }
0x12b: {  	v12 =	vadd.f32 v27, v12  }
0x12c: {  	(erf) = vpow2.f32 v23  }
0x12d: {  	v12 =	vadd.f32 v19, v12;
	v19, _, _ =	vpop (xrf0)  }
0x12e: {  	v14 =	vmul.f32 v36, v36;
	(v2sf) =	vpush v19, $0xF;
	_ =	sdelay $0x1  }
0x12f: {  	v12 =	vadd.f32 v14, v12;
	v14 =	vmul.f32 v37, v37;
	_ =	sdelay $0x1  }
0x130: {  	v12 =	vadd.f32 v14, v12;
	v14 =	vmul.f32 v38, v38;
	_ =	sdelay $0x1  }
0x131: {  	v12 =	vadd.f32 v14, v12;
	v14 =	vmul.f32 v39, v39;
	v23 =	vpop (erf)  }
0x132: {  	v19 =	vpop (erf)  }
0x133: {  	v12 =	vadd.f32 v14, v12;
	v14 =	vmul.f32 v40, v40;
	v19 =	vadd.f32 $1.000000000e+00, v19;
	_ =	sdelay $0x1  }
0x134: {  	v12 =	vadd.f32 v14, v12;
	v14 =	vmul.f32 v41, v41;
	(erf) = vrcp.f32 v19;
	_ =	sdelay $0x1  }
0x135: {  	v12 =	vadd.f32 v14, v12;
	v14 =	vmul.f32 v42, v42;
	_ =	sdelay $0x1  }
0x136: {  	v12 =	vadd.f32 v14, v12;
	v14 =	vmul.f32 v45, v45  }
0x137: {  	s31 =	spop (v2sf)  }
0x138: {  	v38 =	vmov s16;
	v12 =	vadd.f32 v14, v12;
	v14 =	vmul.f32 v16, v16;
	s16 =	sxor.u32 $0x80000000, s31  }
0x139: {  	[tilespmem:$0x3180] =	vst v26;
	p0 =	sgt.s32 s16, $0x10  }
.Ltmp2:
0x13a: {  	v43 =	vsub.f32 v26, v5;
	[tilespmem:$0x31A0] =	vst v24;
	v12 =	vadd.f32 v14, v12;
	v14 =	vmul.f32 v23, v23;
	(pc) =	sbr.rel @!p0 .LBB2_3-.Ltmp2, $4  }
0x13b: {  	[tilespmem:$0x31C0] =	vst v17;
	v29 =	vsel vm2, v7, v1;
	v40 =	vsel vm2, v4, v22;
	v41 =	vsub.f32 v24, v6;
	v16 =	vpop (erf)  }
0x13c: {  	[tilespmem:$0x31E0] =	vst v13;
	v19 =	vshll.u32 v21, $0x1;
	v12 =	vadd.f32 v14, v12;
	v14 =	vmul.f32 v16, v16  }
0x13d: {  	[tilespmem:$0x3220] =	vst v28;
	v34 =	vor.u32 v10, v19;
	v42 =	vsel vm2, v3, v20;
	v3 =	vadd.f32 v6, v40  }
0x13e: {  	[tilespmem:$0x3200] =	vst v34;
	v23 =	vsel vm2, v9, v2;
	v39 =	vadd.f32 v14, v12;
	v12 =	vadd.f32 v5, v42  }
0x13f: {  	v1 =	vtrunc.f32 v32  }
0x140: {  	v6 =	vcvt.f32.s32 v1  }
0x141: {  	v1 =	vtrunc.f32 v33  }
0x142: {  	v7 =	vcvt.f32.s32 v1;
	v1 =	vmul.u32 $0x7, v6;
	_ =	sdelay $0x1  }
0x143: {  	v45 =	vadd.s32 v7, v1  }
0x144: {  	v1 =	vmul.u32 $0x1E, v45;
	_ =	sdelay $0x1  }
0x145: {  	v1 =	vadd.s32 v38, v1;
	_ =	sdelay $0x3  }
0x146: {  	s17 =	simm.s32 $0x0  }
0x147: {  	v2 =	vld.idx.msk [tilespmem:v1+s17+$0x0], $0xffff;
	_ =	sdelay $0x4  }
0x148: {  	v2 =	vsub.f32 $0.0e+00, v2;
	_ =	sdelay $0x1  }
0x149: {  	v2 =	vmul.f32 $1.442695020e+00, v2  }
0x14a: {  	v4 =	vor.u32 $0x1, v1  }
0x14b: {  	(erf) = vpow2.f32 v2;
	_ =	sdelay $0x3  }
0x14c: {  	v2 =	vld.idx.msk [tilespmem:v4+s17+$0x0], $0xffff;
	_ =	sdelay $0x4  }
0x14d: {  	v2 =	vsub.f32 $0.0e+00, v2;
	v4 =	vpop (erf)  }
0x14e: {  	v4 =	vadd.f32 $1.000000000e+00, v4  }
0x14f: {  	v2 =	vmul.f32 $1.442695020e+00, v2  }
0x150: {  	(erf) = vrcp.f32 v4;
	v4 =	vadd.s32 $0x2, v1  }
0x151: {  	(erf) = vpow2.f32 v2;
	_ =	sdelay $0x3  }
0x152: {  	v4 =	vld.idx.msk [tilespmem:v4+s17+$0x0], $0xffff;
	_ =	sdelay $0x3  }
0x153: {  	v2 =	vpop (erf)  }
0x154: {  	v5 =	vpop (erf);
	v4 =	vsub.f32 $0.0e+00, v4  }
0x155: {  	v5 =	vadd.f32 $1.000000000e+00, v5  }
0x156: {  	v4 =	vmul.f32 $1.442695020e+00, v4  }
0x157: {  	(erf) = vrcp.f32 v5;
	v5 =	vadd.s32 $0x3, v1  }
0x158: {  	(erf) = vpow2.f32 v4;
	_ =	sdelay $0x3  }
0x159: {  	v5 =	vld.idx.msk [tilespmem:v5+s17+$0x0], $0xffff;
	_ =	sdelay $0x3  }
0x15a: {  	v4 =	vpop (erf)  }
0x15b: {  	v9 =	vpop (erf);
	v5 =	vsub.f32 $0.0e+00, v5  }
0x15c: {  	v9 =	vadd.f32 $1.000000000e+00, v9  }
0x15d: {  	v5 =	vmul.f32 $1.442695020e+00, v5  }
0x15e: {  	(erf) = vrcp.f32 v9;
	v9 =	vadd.s32 $0x4, v1  }
0x15f: {  	(erf) = vpow2.f32 v5;
	_ =	sdelay $0x3  }
0x160: {  	v9 =	vld.idx.msk [tilespmem:v9+s17+$0x0], $0xffff;
	_ =	sdelay $0x3  }
0x161: {  	v5 =	vpop (erf)  }
0x162: {  	v10 =	vpop (erf);
	v9 =	vsub.f32 $0.0e+00, v9  }
0x163: {  	v10 =	vadd.f32 $1.000000000e+00, v10  }
0x164: {  	v9 =	vmul.f32 $1.442695020e+00, v9  }
0x165: {  	(erf) = vrcp.f32 v10;
	v10 =	vadd.s32 $0x5, v1  }
0x166: {  	(erf) = vpow2.f32 v9;
	_ =	sdelay $0x3  }
0x167: {  	v10 =	vld.idx.msk [tilespmem:v10+s17+$0x0], $0xffff;
	_ =	sdelay $0x3  }
0x168: {  	v9 =	vpop (erf)  }
0x169: {  	v14 =	vpop (erf);
	v10 =	vsub.f32 $0.0e+00, v10  }
0x16a: {  	v14 =	vadd.f32 $1.000000000e+00, v14  }
0x16b: {  	v10 =	vmul.f32 $1.442695020e+00, v10  }
0x16c: {  	(erf) = vrcp.f32 v14;
	v14 =	vadd.s32 $0x6, v1  }
0x16d: {  	(erf) = vpow2.f32 v10;
	_ =	sdelay $0x3  }
0x16e: {  	v10 =	vld.idx.msk [tilespmem:v14+s17+$0x0], $0xffff;
	_ =	sdelay $0x3  }
0x16f: {  	v14 =	vpop (erf)  }
0x170: {  	v16 =	vpop (erf);
	v10 =	vsub.f32 $0.0e+00, v10  }
0x171: {  	v16 =	vadd.f32 $1.000000000e+00, v16  }
0x172: {  	v10 =	vmul.f32 $1.442695020e+00, v10  }
0x173: {  	(erf) = vrcp.f32 v16;
	v16 =	vadd.s32 $0x7, v1  }
0x174: {  	(erf) = vpow2.f32 v10;
	_ =	sdelay $0x3  }
0x175: {  	v10 =	vld.idx.msk [tilespmem:v16+s17+$0x0], $0xffff;
	_ =	sdelay $0x3  }
0x176: {  	v16 =	vpop (erf)  }
0x177: {  	v19 =	vpop (erf);
	v10 =	vsub.f32 $0.0e+00, v10  }
0x178: {  	v19 =	vadd.f32 $1.000000000e+00, v19  }
0x179: {  	v10 =	vmul.f32 $1.442695020e+00, v10  }
0x17a: {  	(erf) = vrcp.f32 v19  }
0x17b: {  	(erf) = vpow2.f32 v10;
	_ =	sdelay $0x7  }
0x17c: {  	v20 =	vpop (erf)  }
0x17d: {  	v10 =	vpop (erf)  }
0x17e: {  	[tilespmem:$0x1FD60] =	vst v43;
	v43 =	vcvt.s32.f32 v7;
	v10 =	vadd.f32 $1.000000000e+00, v10  }
0x17f: {  	[tilespmem:$0x1FD80] =	vst v41;
	v36 =	vmul.f32 $5.000000000e-01, v30;
	v41 =	vcvt.s32.f32 v6  }
0x180: {  	v6 =	vadd.f32 v43, v2;
	v7 =	vmul.f32 $5.000000000e-01, v5;
	(erf) = vrcp.f32 v10;
	_ =	sdelay $0x1  }
0x181: {  	v24 =	vsub.f32 v33, v36;
	v22 =	vsub.f32 v6, v7  }
0x182: {  	v6 =	vadd.f32 v7, v6;
	v7 =	vadd.f32 v36, v33  }
0x183: {  	v35 =	vmul.f32 $5.000000000e-01, v31;
	v22 =	vmax.f32 v22, v24  }
0x184: {  	v6 =	vmin.f32 v6, v7;
	v19 =	vmul.f32 $5.000000000e-01, v9;
	v10 =	vadd.f32 v41, v4  }
0x185: {  	v26 =	vsub.f32 v32, v35;
	v6 =	vsub.f32 v6, v22  }
0x186: {  	v37 =	vadd.f32 v43, v14;
	v62 =	vmul.f32 $5.000000000e-01, v20;
	v25 =	vsub.f32 v10, v19  }
0x187: {  	v10 =	vadd.f32 v19, v10;
	v19 =	vadd.f32 v35, v32  }
0x188: {  	v61 =	vadd.f32 v41, v16;
	v22 =	vsub.f32 v37, v62;
	v27 =	vpop (erf)  }
0x189: {  	v25 =	vmax.f32 v25, v26;
	v10 =	vmin.f32 v10, v19;
	v63 =	vmul.f32 $5.000000000e-01, v27  }
0x18a: {  	v37 =	vadd.f32 v62, v37;
	v10 =	vsub.f32 v10, v25  }
0x18b: {  	[tilespmem:$0x1FDE0] =	vst v38;
	v6 =	vmax.f32 v6, $0.0e+00;
	v25 =	vsub.f32 v61, v63;
	v38 =	vadd.f32 v63, v61  }
0x18c: {  	[tilespmem:$0x1FD50] =	vst v44;
	v44 =	vmul.f32 v9, v5;
	v22 =	vmax.f32 v22, v24;
	v7 =	vmin.f32 v37, v7  }
0x18d: {  	v7 =	vsub.f32 v7, v22;
	v24 =	vmax.f32 v25, v26;
	v19 =	vmin.f32 v38, v19  }
0x18e: {  	v10 =	vmax.f32 v10, $0.0e+00;
	v25 =	vmul.f32 v31, v30;
	v19 =	vsub.f32 v19, v24  }
0x18f: {  	v6 =	vmul.f32 v10, v6;
	v10 =	vmul.f32 v27, v20  }
0x190: {  	v7 =	vmax.f32 v7, $0.0e+00;
	v22 =	vadd.f32 v44, v25;
	v19 =	vmax.f32 v19, $0.0e+00  }
0x191: {  	v10 =	vadd.f32 v10, v25;
	v7 =	vmul.f32 v19, v7  }
0x192: {  	v19 =	vsub.f32 v22, v6  }
0x193: {  	v10 =	vsub.f32 v10, v7  }
0x194: {  	(erf) = vrcp.f32 v19  }
0x195: {  	(erf) = vrcp.f32 v10;
	_ =	sdelay $0x7  }
0x196: {  	v10 =	vpop (erf)  }
0x197: {  	v19 =	vpop (erf)  }
0x198: {  	v6 =	vmul.f32 v10, v6;
	v7 =	vmul.f32 v19, v7;
	_ =	sdelay $0x1  }
0x199: {  	vm2 =	vgt.f32 v7, v6;
	v7 =	vadd.s32 $0xA, v1;
	_ =	sdelay $0x1  }
0x19a: {  	v6 =	vtrunc.f32 v8;
	v22 =	vsel vm2, $0x1, v11  }
0x19b: {  	v50 =	vcvt.f32.s32 v6;
	v6 =	vadd.s32 v22, v1  }
0x19c: {  	v6 =	vadd.s32 $0x8, v6  }
0x19d: {  	v10 =	vadd.s32 $0xB, v1;
	v8 =	vadd.s32 v50, v7;
	v7 =	vld.idx.msk [tilespmem:v7+s17+$0x0], $0xffff;
	_ =	sdelay $0x3  }
0x19e: {  	[tilespmem:$0x1FDD0] =	vst v58;
	v58 =	vld.idx.msk [tilespmem:v6+s17+$0x0], $0xffff;
	v6 =	vadd.s32 $0xD, v1  }
0x19f: {  	v24 =	vadd.s32 $0xC, v1;
	[tilespmem:$0x1FE00] =	vst v7;
	v7 =	vld.idx.msk [tilespmem:v10+s17+$0x0], $0xffff;
	_ =	sdelay $0x3  }
0x1a0: {  	v6 =	vld.idx.msk [tilespmem:v6+s17+$0x0], $0xffff  }
0x1a1: {  	[tilespmem:$0x1FE10] =	vst v7;
	v7 =	vld.idx.msk [tilespmem:v24+s17+$0x0], $0xffff;
	v24 =	vadd.s32 $0x11, v1;
	_ =	sdelay $0x4  }
0x1a2: {  	v49 =	vadd.s32 $0x12, v1;
	[tilespmem:$0x1FE30] =	vst v6;
	v6 =	vld.idx.msk [tilespmem:v24+s17+$0x0], $0xffff;
	_ =	sdelay $0x4  }
0x1a3: {  	v51 =	vadd.s32 $0x13, v1;
	[tilespmem:$0x1FE40] =	vst v6;
	v6 =	vld.idx.msk [tilespmem:v49+s17+$0x0], $0xffff;
	_ =	sdelay $0x4  }
0x1a4: {  	v56 =	vadd.s32 $0x14, v1;
	[tilespmem:$0x1FE50] =	vst v6;
	v6 =	vld.idx.msk [tilespmem:v51+s17+$0x0], $0xffff;
	_ =	sdelay $0x4  }
0x1a5: {  	v57 =	vadd.s32 $0x15, v1;
	[tilespmem:$0x1FE60] =	vst v6;
	v6 =	vld.idx.msk [tilespmem:v56+s17+$0x0], $0xffff;
	_ =	sdelay $0x4  }
0x1a6: {  	v24 =	vadd.s32 $0x16, v1;
	[tilespmem:$0x1FE70] =	vst v6;
	v6 =	vld.idx.msk [tilespmem:v57+s17+$0x0], $0xffff;
	_ =	sdelay $0x3  }
0x1a7: {  	[tilespmem:$0x1FDC0] =	vst v59  }
0x1a8: {  	v59 =	vadd.s32 $0x17, v1;
	[tilespmem:$0x1FE80] =	vst v6;
	v6 =	vld.idx.msk [tilespmem:v24+s17+$0x0], $0xffff;
	_ =	sdelay $0x3  }
0x1a9: {  	[tilespmem:$0x1FDB0] =	vst v60  }
0x1aa: {  	v60 =	vadd.s32 $0x18, v1;
	[tilespmem:$0x1FE90] =	vst v6;
	v6 =	vld.idx.msk [tilespmem:v59+s17+$0x0], $0xffff;
	_ =	sdelay $0x4  }
0x1ab: {  	v61 =	vadd.s32 $0x19, v1;
	[tilespmem:$0x1FEA0] =	vst v6;
	v6 =	vld.idx.msk [tilespmem:v60+s17+$0x0], $0xffff;
	_ =	sdelay $0x4  }
0x1ac: {  	v62 =	vadd.s32 $0x1A, v1;
	[tilespmem:$0x1FEB0] =	vst v6;
	v6 =	vld.idx.msk [tilespmem:v61+s17+$0x0], $0xffff;
	_ =	sdelay $0x4  }
0x1ad: {  	v46 =	vadd.s32 $0xE, v1;
	v47 =	vadd.s32 $0xF, v1;
	v24 =	vadd.s32 $0x1B, v1;
	[tilespmem:$0x1FEC0] =	vst v6;
	v6 =	vld.idx.msk [tilespmem:v62+s17+$0x0], $0xffff  }
0x1ae: {  	v48 =	vadd.s32 $0x10, v1;
	v63 =	vadd.s32 $0x1C, v1;
	v1 =	vadd.s32 $0x1D, v1  }
0x1af: {  	[tilespmem:$0x1FD70] =	vst v42  }
0x1b0: {  	[tilespmem:$0x1FD90] =	vst v40;
	v8 =	vld.idx.msk [tilespmem:v8+s17+$0x0], $0xffff  }
0x1b1: {  	[tilespmem:$0x1FDA0] =	vst v39  }
0x1b2: {  	[tilespmem:$0x1FED0] =	vst v6;
	v6 =	vld.idx.msk [tilespmem:v24+s17+$0x0], $0xffff  }
0x1b3: {  	[tilespmem:$0x1FF30] =	vst v41;
	v1 =	vld.idx.msk [tilespmem:v1+s17+$0x0], $0xffff  }
0x1b4: {  	[tilespmem:$0x1FF10] =	vst v43  }
0x1b5: {  	[tilespmem:$0x1FDF0] =	vst v8  }
0x1b6: {  	[tilespmem:$0x1FE20] =	vst v7  }
0x1b7: {  	[tilespmem:$0x1FEE0] =	vst v6;
	v6 =	vld.idx.msk [tilespmem:v63+s17+$0x0], $0xffff  }
0x1b8: {  	v55 =	vld.idx.msk [tilespmem:v47+s17+$0x0], $0xffff;
	[tilespmem:$0x1FF00] =	vst v1;
	v1 =	vsel vm2, v14, v2  }
0x1b9: {  	v25 =	vld.idx.msk [tilespmem:v46+s17+$0x0], $0xffff;
	[tilespmem:$0x1FF20] =	vst v1  }
0x1ba: {  	v19 =	vld.idx.msk [tilespmem:v48+s17+$0x0], $0xffff;
	[tilespmem:$0x3190] =	vst v33  }
0x1bb: {  	v52 =	vimm.s32 $0x0;
	[tilespmem:$0x31B0] =	vst v32  }
0x1bc: {  	v47 =	vmul.f32 $5.000000000e-01, v29;
	[tilespmem:$0x1FEF0] =	vst v6;
	v6 =	vsel vm2, v27, v9;
	v9 =	vmov s17  }
0x1bd: {  	v46 =	vmul.f32 $5.000000000e-01, v23;
	v42 =	vsel vm2, v20, v5;
	v24 =	vshll.u32 v45, $0x1;
	[tilespmem:$0x31D0] =	vst v30  }
0x1be: {  	v2 =	vsel vm2, v16, v4;
	v53 =	vor.u32 v22, v24;
	[tilespmem:$0x31F0] =	vst v31;
	v4 =	vadd.s32 $0x40, v9  }
0x1bf: {  	v57 =	vadd.f32 v47, v12;
	v1 =	vadd.f32 v43, v1;
	[tilespmem:$0x3210] =	vst v53;
	v16 =	vadd.s32 $0x60, v9  }
0x1c0: {  	p1 =	sne.s32 s16, $0x1;
	v43 =	vmul.f32 $5.000000000e-01, v42;
	v62 =	vsub.f32 v12, v47;
	[tilespmem:$0x3230] =	vst v50;
	v12 =	vadd.s32 $0x20, v9  }
.Ltmp3:
0x1c1: {  	v56 =	vmul.f32 v23, v29;
	v59 =	vadd.f32 v46, v3;
	v14 =	vadd.f32 v41, v2;
	v54 =	vld.idx.msk [tilespmem:v9+s11+$0x0], $0xffff;
	(pc) =	sbr.rel @!p1 .LBB2_6-.Ltmp3, $4  }
0x1c2: {  	[tilespmem:$0x1FF40] =	vst v2;
	v61 =	vsub.f32 v3, v46;
	v63 =	vsub.f32 v1, v43;
	v44 =	vmul.f32 $5.000000000e-01, v6;
	v37 =	vld.idx.msk [tilespmem:v9+s10+$0x0], $0xffff  }
0x1c3: {  	v1 =	vadd.f32 v43, v1;
	v60 =	vmul.f32 v6, v42;
	vm3 =	vgt.u32 v9, v0;
	v5 =	vld.idx.msk [tilespmem:v4+s10+$0x0], $0xffff  }
0x1c4: {  	[tilespmem:$0x1FF50] =	vst v6;
	vm4 =	vlt.u32 v9, v0;
	v2 =	vsub.f32 v14, v44;
	v22 =	vld.idx.msk [tilespmem:v16+s10+$0x0], $0xffff;
	v4 =	vor.u32 $0x10, v0  }
0x1c5: {  	p0 =	por $0x0, $0x0;
	s17 =	simm.s32 $0x1;
	v3 =	vadd.f32 v44, v14;
	v38 =	vld.idx.msk [tilespmem:v12+s10+$0x0], $0xffff;
	vm2 =	vgt.u32 v9, v4;
	vm5 =	vlt.u32 v9, v4  }
0x1c6: {  	_ =	sdelay $0x1  }
0x1c7: {  	vm7 =	vmmov vm4;
	vm8 =	vmmov vm2  }
0x1c8: {  	vm6 =	vmmov vm5;
	v9 =	vshra.s32 v54, $0x1;
	vm5 =	veq.s32 v54, v34  }
0x1c9: {  	vm12 =	veq.s32 v54, v53;
	v12 =	vld.idx.msk [tilespmem:v12+s11+$0x0], $0xffff;
	v39 =	vimm.s32 $0x0;
	v48 =	vimm.f32 $-3.000000010e+38  }
0x1ca: {  	vm2 =	veq.s32 v9, v21;
	vm4 =	veq.s32 v9, v45;
	vm11 =	vmand vm3, vm5  }
0x1cb: {  	vm8 =	vmand vm8, vm12;
	v14 =	vmul.f32 $5.000000000e-01, v5;
	vm10 =	vmand vm7, vm2  }
0x1cc: {  	v26 =	vmovc v25;
	v25 =	vmovc v55;
	vm9 =	vmand vm6, vm4;
	v55 =	vsel vm11, $0x1, v11;
	v16 =	vmul.f32 $5.000000000e-01, v22  }
0x1cd: {  	v5 =	vmul.f32 v22, v5;
	v9 =	vsub.f32 v37, v14;
	v14 =	vadd.f32 v14, v37  }
0x1ce: {  	v20 =	vsub.f32 v38, v16;
	v16 =	vadd.f32 v16, v38;
	vm3 =	veq.s32 v12, v28  }
0x1cf: {  	v24 =	vmax.f32 v62, v9;
	v9 =	vmax.f32 v63, v9;
	v37 =	vmin.f32 v1, v14  }
0x1d0: {  	v27 =	vmax.f32 v61, v20;
	v20 =	vmax.f32 v2, v20;
	v38 =	vmin.f32 v3, v16  }
0x1d1: {  	v14 =	vmin.f32 v57, v14;
	v9 =	vsub.f32 v37, v9;
	v20 =	vsub.f32 v38, v20  }
0x1d2: {  	vm5 =	veq.s32 v12, v50;
	v16 =	vmin.f32 v59, v16;
	v14 =	vsub.f32 v14, v24  }
0x1d3: {  	v16 =	vsub.f32 v16, v27;
	v9 =	vmax.f32 v9, $0.0e+00;
	v20 =	vmax.f32 v20, $0.0e+00  }
0x1d4: {  	vm13 =	vmand vm2, vm3;
	v51 =	vmul.f32 v20, v9;
	v9 =	vadd.f32 v5, v60  }
0x1d5: {  	v14 =	vmax.f32 v14, $0.0e+00;
	v16 =	vmax.f32 v16, $0.0e+00;
	v20 =	vmov s17  }
0x1d6: {  	v5 =	vadd.f32 v5, v56;
	v40 =	vmul.f32 v16, v14;
	v9 =	vsub.f32 v9, v51  }
0x1d7: {  	vm14 =	vmand vm4, vm5;
	vm7 =	vmand vm7, vm13;
	v14 =	vadd.s32 $0x40, v20  }
0x1d8: {  	v16 =	vadd.s32 $0x60, v20;
	v5 =	vsub.f32 v5, v40;
	(erf) = vrcp.f32 v9  }
0x1d9: {  	p1 =	sne.s32 s16, $0x2;
	vm6 =	vmand vm6, vm14;
	v24 =	vsel vm10, $0x1, v11;
	v12 =	vadd.s32 $0x20, v20  }
.Ltmp4:
0x1da: {  	v49 =	vsel vm6, $0x1, v11;
	v27 =	vsel vm8, $0x1, v11;
	(erf) = vrcp.f32 v5;
	v54 =	vld.idx.msk [tilespmem:v20+s11+$0x0], $0xffff;
	(pc) =	sbr.rel @!p1 .LBB2_8-.Ltmp4, $4  }
0x1db: {  	v24 =	vor.u32 v24, v52;
	v49 =	vor.u32 v49, v52;
	vm3 =	vgt.u32 v20, v0;
	v37 =	vld.idx.msk [tilespmem:v20+s10+$0x0], $0xffff  }
0x1dc: {  	vm4 =	vlt.u32 v20, v0;
	vm2 =	vgt.u32 v20, v4;
	vm5 =	vlt.u32 v20, v4;
	v5 =	vld.idx.msk [tilespmem:v14+s10+$0x0], $0xffff  }
0x1dd: {  	v9 =	vsel vm7, $0x1, v11;
	v20 =	vor.u32 v55, v52;
	v22 =	vld.idx.msk [tilespmem:v16+s10+$0x0], $0xffff;
	v16 =	vsel vm9, $0x1, v11  }
0x1de: {  	p0 =	por $0x1, $0x1;
	s17 =	simm.s32 $0x2;
	v14 =	vor.u32 v9, v52;
	v38 =	vld.idx.msk [tilespmem:v12+s10+$0x0], $0xffff;
	v9 =	vor.u32 v16, v52;
	v16 =	vimm.f32 $-3.000000010e+38  }
.LBB2_9:
0x1df: {  	v39 =	vor.u32 v27, v39  }
0x1e0: {  	v12 =	vld.idx.msk [tilespmem:v12+s11+$0x0], $0xffff;
	vm6 =	vmmov vm4;
	vm7 =	vmmov vm2;
	vm8 =	vmmov vm5  }
0x1e1: {  	v27 =	vshra.s32 v54, $0x1;
	vm5 =	veq.s32 v54, v34;
	vm9 =	veq.s32 v54, v53;
	v41 =	vpop (erf)  }
0x1e2: {  	vm2 =	veq.s32 v27, v21;
	vm4 =	veq.s32 v27, v45;
	v27 =	vmul.f32 v41, v51  }
0x1e3: {  	v41 =	vmul.f32 $5.000000000e-01, v5;
	v51 =	vmul.f32 $5.000000000e-01, v22;
	vm11 =	vmand vm6, vm2;
	v54 =	vpop (erf)  }
0x1e4: {  	vm10 =	vmand vm8, vm4;
	v55 =	vmul.f32 v54, v40;
	v48 =	vmax.f32 v48, v27  }
0x1e5: {  	vm12 =	vmand vm3, vm5;
	v27 =	vsub.f32 v37, v41;
	v40 =	vsub.f32 v38, v51  }
0x1e6: {  	v37 =	vadd.f32 v41, v37;
	v38 =	vadd.f32 v51, v38;
	vm3 =	veq.s32 v12, v28  }
0x1e7: {  	v41 =	vmax.f32 v62, v27;
	v51 =	vmax.f32 v61, v40;
	v27 =	vmax.f32 v63, v27  }
0x1e8: {  	v40 =	vmax.f32 v2, v40;
	v54 =	vmin.f32 v1, v37;
	v6 =	vmin.f32 v3, v38  }
0x1e9: {  	v37 =	vmin.f32 v57, v37;
	v27 =	vsub.f32 v54, v27;
	v6 =	vsub.f32 v6, v40  }
0x1ea: {  	v5 =	vmul.f32 v22, v5;
	v38 =	vmin.f32 v59, v38;
	v37 =	vsub.f32 v37, v41  }
0x1eb: {  	v22 =	vsub.f32 v38, v51;
	v27 =	vmax.f32 v27, $0.0e+00;
	v6 =	vmax.f32 v6, $0.0e+00  }
0x1ec: {  	v37 =	vmax.f32 v37, $0.0e+00;
	v51 =	vmul.f32 v6, v27;
	v6 =	vadd.f32 v5, v60  }
0x1ed: {  	vm5 =	veq.s32 v12, v50;
	v22 =	vmax.f32 v22, $0.0e+00;
	v5 =	vadd.f32 v5, v56  }
0x1ee: {  	v38 =	vmov s17;
	v40 =	vmul.f32 v22, v37;
	v6 =	vsub.f32 v6, v51  }
0x1ef: {  	vm13 =	vmand vm2, vm3;
	vm14 =	vmand vm4, vm5;
	v22 =	vadd.s32 $0x40, v38  }
0x1f0: {  	s17 =	sadd.s32 $0x1, s17;
	v27 =	vadd.s32 $0x60, v38;
	v5 =	vsub.f32 v5, v40;
	(erf) = vrcp.f32 v6  }
0x1f1: {  	vm3 =	vgt.u32 v38, v0;
	vm4 =	vlt.u32 v38, v0;
	vm2 =	vgt.u32 v38, v4;
	p1 =	sne.s32 s16, s17  }
0x1f2: {  	v12 =	vadd.s32 $0x20, v38;
	vm5 =	vlt.u32 v38, v4;
	(erf) = vrcp.f32 v5  }
.Ltmp5:
0x1f3: {  	vm7 =	vmand vm7, vm9;
	vm6 =	vmand vm6, vm13;
	vm8 =	vmand vm8, vm14;
	v54 =	vld.idx.msk [tilespmem:v38+s11+$0x0], $0xffff;
	(pc) =	sbr.rel @p1 .LBB2_9-.Ltmp5, $4  }
0x1f4: {  	v41 =	vsel vm11, $0x1, v11;
	v7 =	vsel vm8, $0x1, v11;
	v6 =	vsel vm6, $0x1, v11;
	v5 =	vld.idx.msk [tilespmem:v22+s10+$0x0], $0xffff  }
0x1f5: {  	v8 =	vsel vm12, $0x1, v11;
	v10 =	vsel vm10, $0x1, v11;
	v22 =	vld.idx.msk [tilespmem:v27+s10+$0x0], $0xffff;
	v27 =	vsel vm7, $0x1, v11  }
0x1f6: {  	v16 =	vmax.f32 v16, v55;
	v49 =	vor.u32 v7, v49;
	v14 =	vor.u32 v6, v14;
	v37 =	vld.idx.msk [tilespmem:v38+s10+$0x0], $0xffff  }
0x1f7: {  	v20 =	vor.u32 v8, v20;
	v9 =	vor.u32 v10, v9;
	v24 =	vor.u32 v41, v24;
	v38 =	vld.idx.msk [tilespmem:v12+s10+$0x0], $0xffff  }
0x1f8: {  	v55 =	vmov v25;
	v25 =	vmov v26  }
.LBB2_11:
0x1f9: {  	v4 =	vmul.f32 $5.000000000e-01, v5  }
0x1fa: {  	v6 =	vmul.f32 $5.000000000e-01, v22  }
0x1fb: {  	v7 =	vsub.f32 v37, v4;
	v4 =	vadd.f32 v4, v37  }
0x1fc: {  	v8 =	vsub.f32 v38, v6;
	v6 =	vadd.f32 v6, v38  }
0x1fd: {  	v38 =	vmul.f32 v22, v5;
	v10 =	vmax.f32 v62, v7;
	v7 =	vmax.f32 v63, v7  }
0x1fe: {  	v1 =	vmin.f32 v1, v4;
	v2 =	vmax.f32 v2, v8;
	v3 =	vmin.f32 v3, v6  }
0x1ff: {  	v4 =	vmin.f32 v57, v4;
	v1 =	vsub.f32 v1, v7;
	v2 =	vsub.f32 v3, v2  }
0x200: {  	v26 =	vmax.f32 v61, v8;
	v4 =	vsub.f32 v4, v10;
	v3 =	vmin.f32 v59, v6  }
0x201: {  	v3 =	vsub.f32 v3, v26;
	v1 =	vmax.f32 v1, $0.0e+00;
	v2 =	vmax.f32 v2, $0.0e+00  }
0x202: {  	v57 =	vmul.f32 v2, v1  }
0x203: {  	v1 =	vmax.f32 v4, $0.0e+00;
	v2 =	vadd.f32 v38, v60;
	v3 =	vmax.f32 v3, $0.0e+00  }
0x204: {  	v41 =	vadd.f32 v38, v56;
	v56 =	vmul.f32 v3, v1  }
0x205: {  	v1 =	vsub.f32 v2, v57;
	v2 =	vsub.f32 $0.0e+00, v58  }
0x206: {  	v3 =	vsub.f32 v41, v56  }
0x207: {  	(erf) = vrcp.f32 v1;
	v1 =	vmul.f32 $1.442695020e+00, v2  }
0x208: {  	(erf) = vrcp.f32 v3  }
0x209: {  	(erf) = vpow2.f32 v1;
	_ =	sdelay $0x3  }
0x20a: {  	v3 =	vld [tilespmem:$0x1FDF0]  }
0x20b: {  	v2 =	vpop @p0 (erf)  }
0x20c: {  	v1 =	vpop @p0 (erf)  }
0x20d: {  	v59 =	vpop (erf)  }
0x20e: {  	v26 =	vpop (erf)  }
0x20f: {  	v3 =	vsub.f32 $0.0e+00, v3;
	v60 =	vpop (erf)  }
0x210: {  	v4 =	vadd.f32 $1.000000000e+00, v60  }
0x211: {  	v3 =	vmul.f32 $1.442695020e+00, v3  }
0x212: {  	(erf) = vrcp.f32 v4  }
0x213: {  	(erf) = vpow2.f32 v3;
	_ =	sdelay $0x7  }
0x214: {  	v3 =	vpop (erf)  }
0x215: {  	[tilespmem:$0x1FD30] =	vst v3;
	v3 =	vld [tilespmem:$0x1FE00];
	v61 =	vpop (erf)  }
0x216: {  	v4 =	vadd.f32 $1.000000000e+00, v61;
	_ =	sdelay $0x1  }
0x217: {  	(erf) = vrcp.f32 v4;
	_ =	sdelay $0x1  }
0x218: {  	v3 =	vsub.f32 $0.0e+00, v3;
	_ =	sdelay $0x1  }
0x219: {  	v3 =	vmul.f32 $1.442695020e+00, v3;
	_ =	sdelay $0x1  }
0x21a: {  	(erf) = vpow2.f32 v3;
	_ =	sdelay $0x2  }
0x21b: {  	v3 =	vpop (erf)  }
0x21c: {  	[tilespmem:$0x1FD40] =	vst v3;
	v3 =	vld [tilespmem:$0x1FE10];
	_ =	sdelay $0x4  }
0x21d: {  	v3 =	vsub.f32 $0.0e+00, v3;
	v62 =	vpop (erf)  }
0x21e: {  	v4 =	vadd.f32 $1.000000000e+00, v62  }
0x21f: {  	v3 =	vmul.f32 $1.442695020e+00, v3  }
0x220: {  	(erf) = vrcp.f32 v4  }
0x221: {  	(erf) = vpow2.f32 v3;
	_ =	sdelay $0x3  }
0x222: {  	v3 =	vld [tilespmem:$0x1FE20];
	_ =	sdelay $0x3  }
0x223: {  	v38 =	vpop (erf)  }
0x224: {  	v3 =	vsub.f32 $0.0e+00, v3;
	v63 =	vpop (erf)  }
0x225: {  	v4 =	vadd.f32 $1.000000000e+00, v63  }
0x226: {  	v3 =	vmul.f32 $1.442695020e+00, v3  }
0x227: {  	(erf) = vrcp.f32 v4  }
0x228: {  	(erf) = vpow2.f32 v3;
	_ =	sdelay $0x3  }
0x229: {  	v3 =	vld [tilespmem:$0x1FE30];
	_ =	sdelay $0x3  }
0x22a: {  	v41 =	vpop (erf)  }
0x22b: {  	v3 =	vsub.f32 $0.0e+00, v3;
	v22 =	vpop (erf)  }
0x22c: {  	v4 =	vadd.f32 $1.000000000e+00, v22  }
0x22d: {  	v3 =	vmul.f32 $1.442695020e+00, v3  }
0x22e: {  	(erf) = vrcp.f32 v4  }
0x22f: {  	(erf) = vpow2.f32 v3;
	_ =	sdelay $0x7  }
0x230: {  	v5 =	vpop (erf)  }
0x231: {  	v3 =	vsub.f32 $0.0e+00, v25;
	v37 =	vpop (erf)  }
0x232: {  	v4 =	vadd.f32 $1.000000000e+00, v37  }
0x233: {  	v3 =	vmul.f32 $1.442695020e+00, v3  }
0x234: {  	(erf) = vrcp.f32 v4  }
0x235: {  	(erf) = vpow2.f32 v3;
	_ =	sdelay $0x7  }
0x236: {  	v25 =	vpop (erf)  }
0x237: {  	v3 =	vsub.f32 $0.0e+00, v55;
	v55 =	vpop (erf)  }
0x238: {  	v4 =	vadd.f32 $1.000000000e+00, v55  }
0x239: {  	v3 =	vmul.f32 $1.442695020e+00, v3  }
0x23a: {  	(erf) = vrcp.f32 v4  }
0x23b: {  	(erf) = vpow2.f32 v3;
	_ =	sdelay $0x7  }
0x23c: {  	v37 =	vpop (erf)  }
0x23d: {  	v3 =	vsub.f32 $0.0e+00, v19;
	v58 =	vpop (erf)  }
0x23e: {  	v4 =	vadd.f32 $1.000000000e+00, v58  }
0x23f: {  	v3 =	vmul.f32 $1.442695020e+00, v3  }
0x240: {  	(erf) = vrcp.f32 v4  }
0x241: {  	(erf) = vpow2.f32 v3;
	_ =	sdelay $0x3  }
0x242: {  	v3 =	vld [tilespmem:$0x1FE40];
	_ =	sdelay $0x3  }
0x243: {  	v55 =	vpop (erf)  }
0x244: {  	v3 =	vsub.f32 $0.0e+00, v3;
	v60 =	vpop (erf)  }
0x245: {  	v4 =	vadd.f32 $1.000000000e+00, v60  }
0x246: {  	v3 =	vmul.f32 $1.442695020e+00, v3  }
0x247: {  	(erf) = vrcp.f32 v4  }
0x248: {  	(erf) = vpow2.f32 v3;
	_ =	sdelay $0x3  }
0x249: {  	v3 =	vld [tilespmem:$0x1FE50];
	_ =	sdelay $0x3  }
0x24a: {  	v63 =	vpop (erf)  }
0x24b: {  	v3 =	vsub.f32 $0.0e+00, v3;
	v61 =	vpop (erf)  }
0x24c: {  	v4 =	vadd.f32 $1.000000000e+00, v61  }
0x24d: {  	v3 =	vmul.f32 $1.442695020e+00, v3  }
0x24e: {  	(erf) = vrcp.f32 v4  }
0x24f: {  	(erf) = vpow2.f32 v3;
	_ =	sdelay $0x3  }
0x250: {  	v3 =	vld [tilespmem:$0x1FE60];
	_ =	sdelay $0x3  }
0x251: {  	v19 =	vpop (erf)  }
0x252: {  	v3 =	vsub.f32 $0.0e+00, v3;
	v62 =	vpop (erf)  }
0x253: {  	v4 =	vadd.f32 $1.000000000e+00, v62  }
0x254: {  	v3 =	vmul.f32 $1.442695020e+00, v3  }
0x255: {  	(erf) = vrcp.f32 v4  }
0x256: {  	(erf) = vpow2.f32 v3;
	_ =	sdelay $0x3  }
0x257: {  	v3 =	vld [tilespmem:$0x1FE70];
	_ =	sdelay $0x3  }
0x258: {  	v61 =	vpop (erf)  }
0x259: {  	v3 =	vsub.f32 $0.0e+00, v3;
	v22 =	vpop (erf)  }
0x25a: {  	v4 =	vadd.f32 $1.000000000e+00, v22  }
0x25b: {  	v3 =	vmul.f32 $1.442695020e+00, v3  }
0x25c: {  	(erf) = vrcp.f32 v4  }
0x25d: {  	(erf) = vpow2.f32 v3;
	_ =	sdelay $0x3  }
0x25e: {  	v3 =	vld [tilespmem:$0x1FE80];
	_ =	sdelay $0x3  }
0x25f: {  	v22 =	vpop (erf)  }
0x260: {  	v3 =	vsub.f32 $0.0e+00, v3;
	v58 =	vpop (erf)  }
0x261: {  	v4 =	vadd.f32 $1.000000000e+00, v58  }
0x262: {  	v3 =	vmul.f32 $1.442695020e+00, v3  }
0x263: {  	(erf) = vrcp.f32 v4  }
0x264: {  	(erf) = vpow2.f32 v3;
	_ =	sdelay $0x3  }
0x265: {  	v3 =	vld [tilespmem:$0x1FE90];
	_ =	sdelay $0x3  }
0x266: {  	v62 =	vpop (erf)  }
0x267: {  	v3 =	vsub.f32 $0.0e+00, v3;
	v60 =	vpop (erf)  }
0x268: {  	v4 =	vadd.f32 $1.000000000e+00, v60  }
0x269: {  	v3 =	vmul.f32 $1.442695020e+00, v3  }
0x26a: {  	(erf) = vrcp.f32 v4  }
0x26b: {  	(erf) = vpow2.f32 v3;
	_ =	sdelay $0x3  }
0x26c: {  	v3 =	vld [tilespmem:$0x1FEA0];
	_ =	sdelay $0x3  }
0x26d: {  	v60 =	vpop (erf)  }
0x26e: {  	v3 =	vsub.f32 $0.0e+00, v3;
	v58 =	vpop (erf)  }
0x26f: {  	v4 =	vadd.f32 $1.000000000e+00, v58  }
0x270: {  	v3 =	vmul.f32 $1.442695020e+00, v3  }
0x271: {  	(erf) = vrcp.f32 v4  }
0x272: {  	(erf) = vpow2.f32 v3;
	_ =	sdelay $0x3  }
0x273: {  	v3 =	vld [tilespmem:$0x1FEB0];
	_ =	sdelay $0x3  }
0x274: {  	v7 =	vpop (erf)  }
0x275: {  	v3 =	vsub.f32 $0.0e+00, v3;
	v58 =	vpop (erf)  }
0x276: {  	v4 =	vadd.f32 $1.000000000e+00, v58  }
0x277: {  	v3 =	vmul.f32 $1.442695020e+00, v3  }
0x278: {  	(erf) = vrcp.f32 v4  }
0x279: {  	(erf) = vpow2.f32 v3;
	_ =	sdelay $0x3  }
0x27a: {  	v3 =	vld [tilespmem:$0x1FEC0];
	_ =	sdelay $0x3  }
0x27b: {  	v8 =	vpop (erf)  }
0x27c: {  	v3 =	vsub.f32 $0.0e+00, v3;
	v58 =	vpop (erf)  }
0x27d: {  	v4 =	vadd.f32 $1.000000000e+00, v58  }
0x27e: {  	v3 =	vmul.f32 $1.442695020e+00, v3  }
0x27f: {  	(erf) = vrcp.f32 v4  }
0x280: {  	(erf) = vpow2.f32 v3;
	_ =	sdelay $0x3  }
0x281: {  	v3 =	vld [tilespmem:$0x1FED0];
	_ =	sdelay $0x3  }
0x282: {  	v10 =	vpop (erf)  }
0x283: {  	v3 =	vsub.f32 $0.0e+00, v3;
	v58 =	vpop (erf)  }
0x284: {  	v4 =	vadd.f32 $1.000000000e+00, v58  }
0x285: {  	v3 =	vmul.f32 $1.442695020e+00, v3  }
0x286: {  	(erf) = vrcp.f32 v4  }
0x287: {  	(erf) = vpow2.f32 v3;
	_ =	sdelay $0x3  }
0x288: {  	v3 =	vld [tilespmem:$0x1FEE0];
	_ =	sdelay $0x2  }
0x289: {  	v12 =	vld.idx.msk [tilespmem:v12+s11+$0x0], $0xffff;
	vm8 =	veq.s32 v54, v34;
	vm6 =	veq.s32 v54, v53  }
0x28a: {  	vm12 =	vmmov vm4;
	vm13 =	vmmov vm5;
	vm3 =	vmand vm3, vm8;
	v6 =	vpop (erf)  }
0x28b: {  	v2 =	vmul.f32 @p0 v2, v51;
	v26 =	vmul.f32 v26, v56;
	v3 =	vsub.f32 $0.0e+00, v3;
	v58 =	vpop (erf)  }
0x28c: {  	v25 =	vmul.f32 v25, v25;
	v19 =	vmul.f32 v19, v19;
	v4 =	vadd.f32 $1.000000000e+00, v58  }
0x28d: {  	v53 =	vsel vm3, $0x1, v11;
	v22 =	vmul.f32 v22, v22;
	v3 =	vmul.f32 $1.442695020e+00, v3  }
0x28e: {  	vm10 =	veq.s32 v12, v28;
	v7 =	vmul.f32 v7, v7;
	(erf) = vrcp.f32 v4  }
0x28f: {  	vm11 =	veq.s32 v12, v50;
	v8 =	vmul.f32 v8, v8;
	(erf) = vpow2.f32 v3  }
0x290: {  	v10 =	vmul.f32 v10, v10;
	v58 =	vmul.f32 v38, v38;
	v3 =	vshra.s32 v54, $0x1  }
0x291: {  	v4 =	vor.u32 v53, v20;
	v53 =	vshra.s32 v23, $0x1;
	v54 =	vld [tilespmem:$0x1FEF0];
	vm9 =	veq.s32 v3, v21  }
0x292: {  	vm7 =	veq.s32 v3, v45;
	v21 =	vor.u32 @p0 v27, v39;
	vm14 =	vmand vm9, vm10  }
0x293: {  	v3 =	vmul.f32 @p0 v1, v40;
	vm15 =	vmand vm7, vm11;
	vm5 =	vmand vm12, vm14  }
0x294: {  	v27 =	vmax.f32 @p0 v48, v2;
	vm10 =	vmand vm13, vm15;
	v1 =	vsel vm5, $0x1, v11  }
0x295: {  	v45 =	vshra.s32 v29, $0x1;
	v50 =	vsel vm10, $0x1, v11;
	v2 =	vor.u32 v1, v14  }
0x296: {  	v1 =	vor.u32 v50, v49;
	v20 =	vsub.f32 $0.0e+00, v54;
	v49 =	vmul.f32 v41, v41  }
0x297: {  	v48 =	vshra.s32 v17, $0x1;
	vm11 =	vmand vm12, vm9;
	v16 =	vmax.f32 @p0 v16, v3;
	v12 =	vpop (erf)  }
0x298: {  	v20 =	vmul.f32 $1.442695020e+00, v20;
	v14 =	vadd.f32 v49, v58;
	v58 =	vsub.s32 $0x5F3759DF, v53;
	v3 =	vpop (erf)  }
0x299: {  	v53 =	vmul.f32 v55, v55;
	v51 =	vadd.f32 $1.000000000e+00, v3;
	v3 =	vsel vm11, $0x1, v11  }
0x29a: {  	v39 =	vmul.f32 v58, v46;
	v3 =	vor.u32 v3, v24;
	v24 =	vsub.s32 $0x5F3759DF, v45  }
0x29b: {  	v28 =	vsub.s32 $0x5F3759DF, v48;
	v45 =	vmul.f32 v5, v5;
	v50 =	vmul.f32 v24, v47  }
0x29c: {  	vm3 =	vmand vm13, vm7;
	(erf) = vrcp.f32 v51;
	v51 =	vmul.f32 v28, v18  }
0x29d: {  	(erf) = vpow2.f32 v20;
	v14 =	vadd.f32 v45, v14;
	v54 =	vmul.f32 v24, v50  }
0x29e: {  	v48 =	vsel vm3, $0x1, v11;
	v49 =	vmul.f32 v58, v39;
	v20 =	vmul.f32 v28, v51  }
0x29f: {  	v5 =	vor.u32 v48, v9;
	v25 =	vadd.f32 v25, v14;
	v34 =	vsub.f32 $1.500000000e+00, v54  }
0x2a0: {  	v50 =	vmul.f32 v37, v37;
	v9 =	vsub.f32 $1.500000000e+00, v20;
	v20 =	vsub.f32 $1.500000000e+00, v49  }
0x2a1: {  	vm2 =	vmmov vm2;
	v24 =	vmul.f32 v24, v34;
	v34 =	vmul.f32 v59, v57  }
0x2a2: {  	v25 =	vadd.f32 v50, v25;
	v9 =	vmul.f32 v28, v9;
	v20 =	vmul.f32 v58, v20  }
0x2a3: {  	v21 =	vpsel p0, v21, v52;
	v59 =	vmul.f32 v63, v63;
	v51 =	vmul.f32 v24, v47  }
0x2a4: {  	v63 =	vld [tilespmem:$0x1FF00];
	v25 =	vadd.f32 v53, v25;
	v52 =	vmul.f32 v9, v18;
	v55 =	vmul.f32 v20, v46  }
0x2a5: {  	vm2 =	vmand vm2, vm6;
	v6 =	vmul.f32 v6, v6;
	v14 =	vpop (erf);
	v37 =	vmul.f32 v51, v24  }
0x2a6: {  	v25 =	vadd.f32 v59, v25;
	v54 =	vpop (erf);
	v38 =	vmul.f32 v52, v9;
	v58 =	vmul.f32 v55, v20  }
0x2a7: {  	v12 =	vmul.f32 v12, v12;
	v39 =	vadd.f32 $1.000000000e+00, v54;
	v56 =	vsub.f32 $1.500000000e+00, v37  }
0x2a8: {  	v55 =	vmul.f32 v61, v61;
	v57 =	vsub.f32 $1.500000000e+00, v38;
	v45 =	vsub.f32 $1.500000000e+00, v58  }
0x2a9: {  	(erf) = vrcp.f32 v39;
	v39 =	vsub.f32 $0.0e+00, v63;
	v24 =	vmul.f32 v56, v24  }
0x2aa: {  	v19 =	vadd.f32 v19, v25;
	v9 =	vmul.f32 v57, v9;
	v20 =	vmul.f32 v45, v20  }
0x2ab: {  	v50 =	vimm.f32 $-3.000000010e+38;
	v48 =	vmul.f32 $1.442695020e+00, v39;
	v49 =	vmul.f32 v24, v47  }
0x2ac: {  	v19 =	vadd.f32 v55, v19;
	v57 =	vmul.f32 v62, v62;
	v51 =	vmul.f32 v9, v18  }
0x2ad: {  	v27 =	vpsel p0, v27, v50;
	(erf) = vpow2.f32 v48;
	v52 =	vmul.f32 v49, v24  }
0x2ae: {  	v19 =	vadd.f32 v22, v19;
	v54 =	vmul.f32 v20, v46;
	v53 =	vmul.f32 v51, v9  }
0x2af: {  	v59 =	vshra.s32 v13, $0x1;
	v45 =	vmul.f32 v60, v60;
	v28 =	vsub.f32 $1.500000000e+00, v52  }
0x2b0: {  	v19 =	vadd.f32 v57, v19;
	v37 =	vmul.f32 v54, v20;
	v25 =	vsub.f32 $1.500000000e+00, v53  }
0x2b1: {  	v16 =	vpsel p0, v16, v50;
	v39 =	vsub.s32 $0x5F3759DF, v59;
	v24 =	vmul.f32 v28, v24  }
0x2b2: {  	v19 =	vadd.f32 v45, v19;
	v45 =	vld [tilespmem:$0x1FF50];
	v25 =	vmul.f32 v25, v9;
	v9 =	vsub.f32 $1.500000000e+00, v37  }
0x2b3: {  	v50 =	vshra.s32 v30, $0x1;
	v63 =	vmul.f32 v39, v15;
	v58 =	vmul.f32 v24, v47  }
0x2b4: {  	v56 =	vsel vm2, $0x1, v11;
	v61 =	vmul.f32 v25, v18;
	v20 =	vmul.f32 v9, v20  }
0x2b5: {  	v38 =	vmul.f32 v39, v63;
	v9 =	vor.u32 v56, v21;
	v21 =	vpop (erf);
	v62 =	vmul.f32 v58, v24  }
0x2b6: {  	v55 =	vshra.s32 v31, $0x1;
	v18 =	vmul.f32 v61, v25;
	v40 =	vmul.f32 v20, v46;
	v41 =	vpop (erf)  }
0x2b7: {  	v52 =	vshra.s32 v45, $0x1;
	v37 =	vadd.f32 $1.000000000e+00, v41;
	v22 =	vsub.f32 $1.500000000e+00, v62  }
0x2b8: {  	v18 =	vsub.f32 $1.500000000e+00, v18;
	v28 =	vmul.f32 v40, v20;
	v40 =	vsub.s32 $0x5F3759DF, v55  }
0x2b9: {  	v46 =	vsub.f32 $1.500000000e+00, v38;
	(erf) = vrcp.f32 v37;
	v56 =	vmul.f32 v40, v35  }
0x2ba: {  	v37 =	vsub.s32 $0x5F3759DF, v52;
	v22 =	vmul.f32 v22, v24;
	v18 =	vmul.f32 v18, v25  }
0x2bb: {  	v47 =	vsub.f32 $1.500000000e+00, v28;
	v24 =	vmul.f32 v39, v46;
	v28 =	vsub.s32 $0x5F3759DF, v50  }
0x2bc: {  	v48 =	vshra.s32 v42, $0x1;
	v54 =	vmul.f32 v37, v44;
	v53 =	vmul.f32 v28, v36  }
0x2bd: {  	v7 =	vadd.f32 v7, v19;
	v59 =	vmul.f32 v40, v56;
	v17 =	vmul.f32 v18, v17  }
0x2be: {  	v18 =	vmul.f32 v47, v20;
	v49 =	vmul.f32 v24, v15;
	v20 =	vsub.s32 $0x5F3759DF, v48  }
0x2bf: {  	v7 =	vadd.f32 v8, v7;
	v39 =	vmul.f32 v37, v54;
	v51 =	vmul.f32 v20, v43  }
0x2c0: {  	v22 =	vmul.f32 v22, v29;
	v38 =	vmul.f32 v28, v53;
	v62 =	vsub.f32 $1.500000000e+00, v59  }
0x2c1: {  	v25 =	vmul.f32 v49, v24;
	v58 =	vsub.f32 $1.500000000e+00, v39;
	v29 =	vmul.f32 v20, v51  }
0x2c2: {  	v49 =	vmul.f32 v14, v14;
	v57 =	vsub.f32 $1.500000000e+00, v38;
	v8 =	vmul.f32 v40, v62  }
0x2c3: {  	v25 =	vsub.f32 $1.500000000e+00, v25;
	v61 =	vmul.f32 v37, v58;
	v29 =	vsub.f32 $1.500000000e+00, v29  }
0x2c4: {  	v60 =	vmul.f32 v28, v57;
	v41 =	vmul.f32 v8, v35  }
0x2c5: {  	v24 =	vmul.f32 v25, v24;
	v20 =	vmul.f32 v20, v29  }
0x2c6: {  	v38 =	vmul.f32 v61, v44;
	v37 =	vmul.f32 v60, v36  }
0x2c7: {  	v16 =	vmax.f32 v16, v26;
	v28 =	vmul.f32 v41, v8;
	v63 =	vmul.f32 v20, v43  }
0x2c8: {  	v7 =	vadd.f32 v10, v7;
	v10 =	vmul.f32 v38, v61;
	v40 =	vmul.f32 v37, v60  }
0x2c9: {  	v47 =	vmul.f32 v24, v15;
	v48 =	vsub.f32 $1.500000000e+00, v28;
	v39 =	vmul.f32 v63, v20  }
0x2ca: {  	v18 =	vmul.f32 v18, v23;
	v10 =	vsub.f32 $1.500000000e+00, v10;
	v29 =	vsub.f32 $1.500000000e+00, v40  }
0x2cb: {  	v50 =	vmul.f32 v47, v24;
	v8 =	vmul.f32 v48, v8;
	v26 =	vsub.f32 $1.500000000e+00, v39  }
0x2cc: {  	v10 =	vmul.f32 v10, v61;
	v19 =	vmul.f32 v29, v60  }
0x2cd: {  	v6 =	vadd.f32 v6, v7;
	v57 =	vmul.f32 v8, v35;
	v46 =	vmul.f32 v26, v20  }
0x2ce: {  	v62 =	vld [tilespmem:$0x1FD90];
	v14 =	vsub.f32 $1.500000000e+00, v50;
	v54 =	vmul.f32 v10, v44;
	v53 =	vmul.f32 v19, v36  }
0x2cf: {  	v27 =	vmax.f32 v27, v34;
	v63 =	vld [tilespmem:$0x1FD80];
	v58 =	vmul.f32 v57, v8;
	v52 =	vmul.f32 v46, v43  }
0x2d0: {  	v6 =	vadd.f32 v12, v6;
	v14 =	vmul.f32 v14, v24;
	v25 =	vmul.f32 v54, v10  }
0x2d1: {  	v28 =	vld [tilespmem:$0x1FF10];
	v12 =	vmul.f32 v53, v19;
	v61 =	vsub.f32 $1.500000000e+00, v58;
	v20 =	vmul.f32 v52, v46  }
0x2d2: {  	v60 =	vmul.f32 v21, v21;
	v59 =	vsub.f32 $1.500000000e+00, v25;
	v25 =	vmul.f32 v14, v15  }
0x2d3: {  	v12 =	vsub.f32 $1.500000000e+00, v12;
	v8 =	vmul.f32 v61, v8;
	v20 =	vsub.f32 $1.500000000e+00, v20  }
0x2d4: {  	v51 =	vld [tilespmem:$0x1FD50];
	v23 =	vsub.f32 v62, v63;
	v10 =	vmul.f32 v59, v10;
	v15 =	vmul.f32 v25, v14  }
0x2d5: {  	v34 =	vld [tilespmem:$0x1FF30];
	v17 =	vsub.f32 v22, v17;
	v12 =	vmul.f32 v12, v19;
	v7 =	vmul.f32 v20, v46  }
0x2d6: {  	v19 =	vsub.f32 v33, v28;
	v33 =	vmul.f32 v23, v23;
	v40 =	vmul.f32 v8, v35  }
0x2d7: {  	v6 =	vadd.f32 v49, v6;
	v38 =	vmul.f32 v12, v36;
	v37 =	vmul.f32 v7, v43  }
0x2d8: {  	v49 =	vld [tilespmem:$0x1FF20];
	v39 =	vmul.f32 v10, v44;
	v15 =	vsub.f32 $1.500000000e+00, v15;
	v44 =	vmul.f32 v40, v8  }
0x2d9: {  	vm2 =	vgt.f32 v51, $0.0e+00;
	v21 =	vmul.f32 v38, v12;
	v24 =	vmul.f32 v37, v7  }
0x2da: {  	v51 =	vld [tilespmem:$0x1FF40];
	v23 =	vsub.f32 v32, v34;
	v41 =	vmul.f32 v39, v10;
	v14 =	vmul.f32 v15, v14  }
0x2db: {  	v21 =	vsub.f32 $1.500000000e+00, v21;
	v43 =	vsub.f32 $1.500000000e+00, v24  }
0x2dc: {  	v55 =	vld [tilespmem:$0x1FD70];
	v47 =	vsub.f32 $1.500000000e+00, v44;
	v22 =	vsub.f32 $1.500000000e+00, v41;
	v46 =	vmul.f32 v14, v13  }
0x2dd: {  	v56 =	vld [tilespmem:$0x1FD60];
	v14 =	vsub.f32 v49, v19;
	v12 =	vmul.f32 v21, v12;
	v7 =	vmul.f32 v43, v7  }
0x2de: {  	v8 =	vmul.f32 v47, v8;
	v10 =	vmul.f32 v22, v10;
	v13 =	vsub.f32 v18, v46  }
0x2df: {  	v58 =	vld [tilespmem:$0x1FD30];
	v18 =	vsub.f32 v51, v23;
	v12 =	vmul.f32 v12, v30;
	v7 =	vmul.f32 v7, v42  }
0x2e0: {  	v53 =	vmul.f32 v14, v14;
	v8 =	vmul.f32 v8, v31  }
0x2e1: {  	v52 =	vld [tilespmem:$0x1FDB0];
	v10 =	vmul.f32 v10, v45;
	v54 =	vmul.f32 v18, v18;
	v7 =	vsub.f32 v7, v12  }
0x2e2: {  	v26 =	vsub.f32 v55, v56  }
0x2e3: {  	v8 =	vsub.f32 v10, v8;
	v12 =	vadd.f32 v54, v53;
	v7 =	vmul.f32 v7, v7  }
0x2e4: {  	vm12 =	veq.s32 v3, $0x0;
	v29 =	vmul.f32 v26, v26;
	v3 =	vsub.f32 v58, v27  }
0x2e5: {  	v8 =	vmul.f32 v8, v8;
	v7 =	vadd.f32 v7, v12;
	v12 =	vmul.f32 v58, v58  }
0x2e6: {  	v17 =	vmul.f32 v17, v17;
	v20 =	vadd.f32 v33, v29;
	v16 =	vsub.f32 v52, v16  }
0x2e7: {  	v3 =	vmul.f32 v3, v3;
	v7 =	vadd.f32 v7, v8;
	v8 =	vmul.f32 $2.500000000e-01, v12  }
0x2e8: {  	v61 =	vld [tilespmem:$0x1FDC0];
	v48 =	vadd.f32 v17, v20;
	v19 =	vmul.f32 v52, v52;
	v13 =	vmul.f32 v13, v13  }
0x2e9: {  	v6 =	vadd.f32 v60, v6;
	v3 =	vsub.f32 v3, v8;
	v60 =	vmul.f32 $5.000000000e+00, v7  }
0x2ea: {  	v59 =	vld [tilespmem:$0x1FDA0];
	v55 =	vmul.f32 v16, v16;
	v56 =	vmul.f32 $2.500000000e-01, v19;
	v13 =	vadd.f32 v48, v13  }
0x2eb: {  	vm3 =	veq.s32 v4, $0x0;
	vm15 =	veq.s32 v1, $0x0;
	v50 =	vpop (erf);
	v1 =	vadd.f32 v3, v60;
	v3 =	vld [tilespmem:$0x1FD40]  }
0x2ec: {  	v17 =	vmul.f32 v50, v50;
	v50 =	vld [tilespmem:$0x1FF80];
	v57 =	vsub.f32 v55, v56;
	v10 =	vmul.f32 $5.000000000e+00, v13  }
0x2ed: {  	vm13 =	veq.s32 v2, $0x0;
	vm14 =	veq.s32 v5, $0x0;
	v5 =	vadd.f32 v61, v61;
	v38 =	vld [tilespmem:$0x1FDE0]  }
0x2ee: {  	vm3 =	vmand vm2, vm3;
	vm4 =	vmand vm2, vm12;
	v49 =	vld [tilespmem:$0x1FF70];
	v4 =	vadd.f32 v57, v10  }
0x2ef: {  	vm2 =	vmand vm2, vm13;
	v62 =	vsub.f32 $1.000000000e+00, v5;
	v52 =	vld [tilespmem:$0x1FFA0];
	v6 =	vadd.f32 v17, v6  }
0x2f0: {  	v51 =	vld [tilespmem:$0x1FF90];
	v2 =	vnsel vm3, $0x0, v4;
	vm3 =	veq.s32 v9, $0x0;
	v3 =	vadd.f32 v3, v3  }
0x2f1: {  	v55 =	vld [tilespmem:$0x1FFD0];
	v4 =	vnsel vm4, $0x0, v59;
	vm4 =	vmand vm1, vm14;
	vm3 =	vmand vm1, vm3  }
0x2f2: {  	v56 =	vld [tilespmem:$0x1FFE0];
	v63 =	vnsel vm4, $0x0, v6;
	v1 =	vnsel vm3, $0x0, v1;
	v3 =	vsub.f32 $1.000000000e+00, v3  }
.Ltmp6:
0x2f3: {  	v48 =	vld [tilespmem:$0x1FF60];
	v2 =	vadd.f32 v4, v2;
	vm1 =	vmand vm1, vm15;
	v1 =	vadd.f32 v63, v1;
	(pc) =	sbr.rel .LBB2_20-.Ltmp6, $4  }
0x2f4: {  	v53 =	vld [tilespmem:$0x1FFB0];
	v4 =	vnsel vm2, $0x0, v62;
	v3 =	vnsel vm1, $0x0, v3  }
0x2f5: {  	v54 =	vld [tilespmem:$0x1FFC0];
	v2 =	vadd.f32 v2, v4;
	v1 =	vadd.f32 v1, v3  }
0x2f6: {  	v57 =	vld [tilespmem:$0x1FFF0]  }
0x2f7: {  	v58 =	vld [tilespmem:$0x1FDD0];
	v1 =	vadd.f32 v1, v2  }
.LBB2_3:
0x2f8: {  	p0 =	sgt.s32 s16, $0x0  }
.Ltmp7:
0x2f9: {  	_ = 	snop;
	(pc) =	sbr.rel @!p0 .LBB2_4-.Ltmp7, $2  }
0x2fa: {  	_ =	sdelay $0x2  }
0x2fb: {  	v2 =	vmul.f32 $5.000000000e-01, v29;
	v1 =	vmul.f32 $5.000000000e-01, v23  }
0x2fc: {  	s17 =	simm.s32 $0x0  }
0x2fd: {  	v10 =	vmov s17  }
0x2fe: {  	v9 =	vadd.s32 $0x40, v10  }
0x2ff: {  	v5 =	vsub.f32 v12, v2;
	v7 =	vadd.f32 v2, v12;
	v12 =	vadd.s32 $0x60, v10;
	_ =	sdelay $0x2  }
0x300: {  	v14 =	vld.idx.msk [tilespmem:v10+s11+$0x0], $0xffff  }
0x301: {  	v1 =	vmul.f32 $5.000000000e-01, v23;
	v16 =	vadd.s32 $0x20, v10;
	v19 =	vld.idx.msk [tilespmem:v9+s10+$0x0], $0xffff  }
0x302: {  	p1 =	sne.s32 s16, $0x1;
	v9 =	vld.idx.msk [tilespmem:v12+s10+$0x0], $0xffff  }
.Ltmp8:
0x303: {  	v4 =	vmul.f32 v23, v29;
	v20 =	vimm.s32 $0x0;
	v6 =	vsub.f32 v3, v1;
	(pc) =	sbr.rel @!p1 .LBB2_13-.Ltmp8, $4  }
0x304: {  	v8 =	vadd.f32 v1, v3;
	v3 =	vimm.f32 $-3.000000010e+38;
	vm3 =	vgt.u32 v10, v0  }
0x305: {  	vm1 =	vlt.u32 v10, v0;
	v24 =	vld.idx.msk [tilespmem:v10+s10+$0x0], $0xffff;
	v10 =	vshra.s32 v14, $0x1;
	vm4 =	veq.s32 v14, v34  }
0x306: {  	vm1 =	vmmov vm1;
	v26 =	vld.idx.msk [tilespmem:v16+s10+$0x0], $0xffff;
	vm2 =	veq.s32 v10, v21;
	vm3 =	vmand vm3, vm4  }
0x307: {  	p0 =	por $0x0, $0x0;
	s17 =	simm.s32 $0x1;
	v22 =	vld.idx.msk [tilespmem:v16+s11+$0x0], $0xffff;
	v27 =	vmul.f32 $5.000000000e-01, v19;
	v30 =	vmul.f32 $5.000000000e-01, v9;
	vm4 =	vmand vm1, vm2  }
0x308: {  	_ = 	snop  }
0x309: {  	v16 =	vmov s17;
	v10 =	vsel vm3, $0x1, v11  }
0x30a: {  	v12 =	vsel vm4, $0x1, v11;
	v14 =	vsub.f32 v24, v27;
	v24 =	vadd.f32 v27, v24  }
0x30b: {  	v31 =	vadd.s32 $0x40, v16;
	v25 =	vsub.f32 v26, v30;
	v26 =	vadd.f32 v30, v26  }
0x30c: {  	v27 =	vadd.s32 $0x60, v16;
	v30 =	vadd.s32 $0x20, v16;
	v14 =	vmax.f32 v5, v14  }
0x30d: {  	v24 =	vmin.f32 v7, v24;
	v25 =	vmax.f32 v6, v25;
	v26 =	vmin.f32 v8, v26  }
0x30e: {  	vm3 =	veq.s32 v22, v28;
	v22 =	vld.idx.msk [tilespmem:v16+s11+$0x0], $0xffff;
	v14 =	vsub.f32 v24, v14;
	v24 =	vsub.f32 v26, v25  }
0x30f: {  	vm4 =	vlt.u32 v16, v0;
	vm2 =	vmand vm2, vm3;
	v25 =	vmul.f32 v9, v19  }
0x310: {  	v19 =	vld.idx.msk [tilespmem:v31+s10+$0x0], $0xffff;
	vm1 =	vmand vm1, vm2;
	v14 =	vmax.f32 v14, $0.0e+00;
	v24 =	vmax.f32 v24, $0.0e+00  }
0x311: {  	p1 =	sne.s32 s16, $0x2;
	v9 =	vld.idx.msk [tilespmem:v27+s10+$0x0], $0xffff;
	v26 =	vsel vm1, $0x1, v11;
	v14 =	vmul.f32 v24, v14;
	v24 =	vadd.f32 v25, v4  }
.Ltmp9:
0x312: {  	v25 =	vor.u32 v10, v20;
	v10 =	vor.u32 v12, v20;
	v12 =	vor.u32 v26, v20;
	v26 =	vld.idx.msk [tilespmem:v30+s10+$0x0], $0xffff;
	(pc) =	sbr.rel @!p1 .LBB2_15-.Ltmp9, $4  }
0x313: {  	vm3 =	vgt.u32 v16, v0;
	v20 =	vshra.s32 v22, $0x1;
	v27 =	vsub.f32 v24, v14;
	v24 =	vld.idx.msk [tilespmem:v16+s10+$0x0], $0xffff  }
0x314: {  	vm1 =	vmmov vm4;
	vm5 =	veq.s32 v22, v34;
	vm2 =	veq.s32 v20, v21  }
0x315: {  	v22 =	vld.idx.msk [tilespmem:v30+s11+$0x0], $0xffff;
	vm3 =	vmand vm3, vm5;
	v16 =	vimm.f32 $-3.000000010e+38;
	(erf) = vrcp.f32 v27  }
0x316: {  	s17 =	simm.s32 $0x2;
	p0 =	por $0x1, $0x1;
	v30 =	vmul.f32 $5.000000000e-01, v9;
	vm4 =	vmand vm1, vm2;
	v27 =	vmul.f32 $5.000000000e-01, v19  }
.LBB2_16:
0x317: {  	v20 =	vmov s17;
	v31 =	vsel vm3, $0x1, v11;
	v32 =	vsel vm4, $0x1, v11  }
0x318: {  	v33 =	vadd.s32 $0x40, v20;
	v35 =	vsub.f32 v24, v27;
	v36 =	vsub.f32 v26, v30  }
0x319: {  	s17 =	sadd.s32 $0x1, s17;
	v37 =	vadd.s32 $0x60, v20;
	v24 =	vadd.f32 v27, v24;
	v26 =	vadd.f32 v30, v26  }
0x31a: {  	v27 =	vadd.s32 $0x20, v20;
	p1 =	sne.s32 s16, s17;
	vm3 =	veq.s32 v22, v28;
	v30 =	vmax.f32 v5, v35  }
0x31b: {  	v22 =	vmax.f32 v6, v36;
	v24 =	vmin.f32 v7, v24;
	v26 =	vmin.f32 v8, v26  }
0x31c: {  	vm2 =	vmand vm2, vm3;
	v24 =	vsub.f32 v24, v30;
	v22 =	vsub.f32 v26, v22;
	v35 =	vld.idx.msk [tilespmem:v20+s11+$0x0], $0xffff  }
0x31d: {  	vm4 =	vlt.u32 v20, v0;
	vm3 =	vgt.u32 v20, v0;
	v26 =	vmul.f32 v9, v19;
	v19 =	vld.idx.msk [tilespmem:v33+s10+$0x0], $0xffff  }
0x31e: {  	vm1 =	vmand vm1, vm2;
	v30 =	vmax.f32 v24, $0.0e+00;
	v22 =	vmax.f32 v22, $0.0e+00;
	v9 =	vld.idx.msk [tilespmem:v37+s10+$0x0], $0xffff;
	v33 =	vpop (erf)  }
0x31f: {  	v24 =	vld.idx.msk [tilespmem:v20+s10+$0x0], $0xffff;
	v20 =	vadd.f32 v26, v4;
	v33 =	vmul.f32 v33, v14;
	v14 =	vmul.f32 v22, v30  }
.Ltmp10:
0x320: {  	v25 =	vor.u32 v31, v25;
	v10 =	vor.u32 v32, v10;
	v30 =	vsel vm1, $0x1, v11;
	v26 =	vld.idx.msk [tilespmem:v27+s10+$0x0], $0xffff;
	(pc) =	sbr.rel @p1 .LBB2_16-.Ltmp10, $4  }
0x321: {  	v12 =	vor.u32 v30, v12;
	v22 =	vld.idx.msk [tilespmem:v27+s11+$0x0], $0xffff;
	v20 =	vsub.f32 v20, v14;
	v16 =	vmax.f32 v16, v33  }
0x322: {  	vm1 =	vmmov vm4;
	v27 =	vshra.s32 v35, $0x1;
	vm5 =	veq.s32 v35, v34  }
0x323: {  	vm2 =	veq.s32 v27, v21;
	vm3 =	vmand vm3, vm5;
	(erf) = vrcp.f32 v20  }
0x324: {  	v27 =	vmul.f32 $5.000000000e-01, v19;
	v30 =	vmul.f32 $5.000000000e-01, v9;
	vm4 =	vmand vm1, vm2  }
0x325: {  	v20 =	vmov v25  }
.LBB2_18:
0x326: {  	v21 =	vsub.f32 v24, v27;
	v25 =	vsub.f32 v26, v30  }
0x327: {  	v46 =	vadd.f32 v27, v24;
	v47 =	vadd.f32 v30, v26  }
0x328: {  	v5 =	vmax.f32 v5, v21  }
0x329: {  	v6 =	vmax.f32 v6, v25;
	v7 =	vmin.f32 v7, v46;
	v8 =	vmin.f32 v8, v47  }
0x32a: {  	v5 =	vsub.f32 v7, v5;
	v6 =	vsub.f32 v8, v6  }
0x32b: {  	v61 =	vmul.f32 v9, v19  }
0x32c: {  	v5 =	vmax.f32 v5, $0.0e+00;
	v6 =	vmax.f32 v6, $0.0e+00  }
0x32d: {  	v4 =	vadd.f32 v61, v4;
	v5 =	vmul.f32 v6, v5;
	_ =	sdelay $0x1  }
0x32e: {  	v4 =	vsub.f32 v4, v5;
	_ =	sdelay $0x1  }
0x32f: {  	(erf) = vrcp.f32 v4;
	_ =	sdelay $0x6  }
0x330: {  	vm5 =	veq.s32 v22, v28;
	v62 =	vsel vm3, $0x1, v11;
	v63 =	vsel vm4, $0x1, v11;
	v4 =	vpop @p0 (erf)  }
0x331: {  	vm2 =	vmand vm2, vm5;
	v6 =	vor.u32 v62, v20;
	v4 =	vmul.f32 @p0 v4, v14  }
.Ltmp11:
0x332: {  	vm1 =	vmand vm1, vm2;
	v7 =	vor.u32 v63, v10;
	vm2 =	veq.s32 v6, $0x0;
	v8 =	vpop (erf);
	(pc) =	sbr.rel .LBB2_19-.Ltmp11, $4  }
0x333: {  	v4 =	vmax.f32 @p0 v16, v4;
	v5 =	vmul.f32 v8, v5;
	v8 =	vsel vm1, $0x1, v11  }
0x334: {  	v3 =	vpsel p0, v4, v3;
	vm1 =	vgt.f32 v44, $0.0e+00;
	v4 =	vor.u32 v8, v12  }
0x335: {  	vm4 =	veq.s32 v7, $0x0;
	vm3 =	vmand vm1, vm2;
	vm5 =	veq.s32 v4, $0x0  }
0x336: {  	vm2 =	vmand vm1, vm4;
	v3 =	vmax.f32 v3, v5;
	vm1 =	vmand vm1, vm5  }
.LBB2_4:
0x337: {  	v3 =	vimm.f32 $-3.000000010e+38;
	vm1 =	vmmov vm3;
	vm2 =	vmmov vm3  }
.LBB2_19:
0x338: {  	v4 =	vshra.s32 v29, $0x1;
	v5 =	vshra.s32 v17, $0x1  }
0x339: {  	v4 =	vsub.s32 $0x5F3759DF, v4;
	v5 =	vsub.s32 $0x5F3759DF, v5  }
0x33a: {  	v8 =	vshra.s32 v23, $0x1;
	v6 =	vmul.f32 v4, v2;
	v7 =	vmul.f32 v5, v18  }
0x33b: {  	v9 =	vshra.s32 v13, $0x1;
	v8 =	vsub.s32 $0x5F3759DF, v8  }
0x33c: {  	v9 =	vsub.s32 $0x5F3759DF, v9;
	v6 =	vmul.f32 v4, v6;
	v7 =	vmul.f32 v5, v7  }
0x33d: {  	v10 =	vmul.f32 v8, v1;
	v12 =	vmul.f32 v9, v15  }
0x33e: {  	v6 =	vsub.f32 $1.500000000e+00, v6;
	v7 =	vsub.f32 $1.500000000e+00, v7  }
0x33f: {  	v10 =	vmul.f32 v8, v10;
	v12 =	vmul.f32 v9, v12  }
0x340: {  	v4 =	vmul.f32 v4, v6;
	v5 =	vmul.f32 v5, v7  }
0x341: {  	v32 =	vsub.f32 $1.500000000e+00, v10;
	v33 =	vsub.f32 $1.500000000e+00, v12  }
0x342: {  	v10 =	vmul.f32 v4, v2;
	v34 =	vmul.f32 v5, v18  }
0x343: {  	v6 =	vmul.f32 v8, v32;
	v7 =	vmul.f32 v9, v33  }
0x344: {  	v8 =	vmul.f32 v10, v4;
	v9 =	vmul.f32 v34, v5  }
0x345: {  	v35 =	vmul.f32 v7, v15;
	v10 =	vmul.f32 v6, v1  }
0x346: {  	v8 =	vsub.f32 $1.500000000e+00, v8;
	v9 =	vsub.f32 $1.500000000e+00, v9  }
0x347: {  	v12 =	vmul.f32 v35, v7;
	v10 =	vmul.f32 v10, v6  }
0x348: {  	v4 =	vmul.f32 v8, v4;
	v5 =	vmul.f32 v9, v5  }
0x349: {  	v8 =	vsub.f32 $1.500000000e+00, v10;
	v9 =	vsub.f32 $1.500000000e+00, v12  }
0x34a: {  	v10 =	vmul.f32 v4, v2;
	v36 =	vmul.f32 v5, v18  }
0x34b: {  	v6 =	vmul.f32 v8, v6;
	v7 =	vmul.f32 v9, v7  }
0x34c: {  	v8 =	vmul.f32 v10, v4;
	v9 =	vmul.f32 v36, v5  }
0x34d: {  	v10 =	vmul.f32 v6, v1;
	v37 =	vmul.f32 v7, v15  }
0x34e: {  	v8 =	vsub.f32 $1.500000000e+00, v8;
	v9 =	vsub.f32 $1.500000000e+00, v9  }
0x34f: {  	v10 =	vmul.f32 v10, v6;
	v12 =	vmul.f32 v37, v7  }
0x350: {  	v4 =	vmul.f32 v8, v4;
	v5 =	vmul.f32 v9, v5  }
0x351: {  	v8 =	vsub.f32 $1.500000000e+00, v10;
	v9 =	vsub.f32 $1.500000000e+00, v12  }
0x352: {  	v2 =	vmul.f32 v4, v2;
	v10 =	vmul.f32 v5, v18  }
0x353: {  	v6 =	vmul.f32 v8, v6;
	v7 =	vmul.f32 v9, v7  }
0x354: {  	v2 =	vmul.f32 v2, v4;
	v8 =	vmul.f32 v10, v5  }
0x355: {  	v1 =	vmul.f32 v6, v1;
	v9 =	vmul.f32 v7, v15  }
0x356: {  	v2 =	vsub.f32 $1.500000000e+00, v2;
	v8 =	vsub.f32 $1.500000000e+00, v8  }
0x357: {  	v1 =	vmul.f32 v1, v6;
	v9 =	vmul.f32 v9, v7  }
0x358: {  	v10 =	vsub.f32 v42, v43;
	v2 =	vmul.f32 v2, v4;
	v44 =	vmul.f32 v8, v5  }
0x359: {  	v1 =	vsub.f32 $1.500000000e+00, v1;
	v45 =	vsub.f32 $1.500000000e+00, v9  }
0x35a: {  	v8 =	vsub.f32 v40, v41;
	v2 =	vmul.f32 v2, v29;
	v4 =	vmul.f32 v44, v17  }
0x35b: {  	v1 =	vmul.f32 v1, v6;
	v5 =	vmul.f32 v45, v7  }
0x35c: {  	v46 =	vmul.f32 v10, v10;
	v47 =	vmul.f32 v8, v8  }
0x35d: {  	v2 =	vsub.f32 v2, v4;
	v1 =	vmul.f32 v1, v23;
	v61 =	vmul.f32 v5, v13;
	_ =	sdelay $0x1  }
0x35e: {  	v62 =	vadd.f32 v47, v46;
	v2 =	vmul.f32 v2, v2;
	v1 =	vsub.f32 v1, v61  }
0x35f: {  	v3 =	vsub.f32 v60, v3  }
0x360: {  	v63 =	vmul.f32 v60, v60;
	v2 =	vadd.f32 v2, v62;
	v1 =	vmul.f32 v1, v1;
	_ =	sdelay $0x1  }
0x361: {  	v1 =	vadd.f32 v2, v1;
	v2 =	vmul.f32 v3, v3;
	v3 =	vmul.f32 $-2.500000000e-01, v63;
	_ =	sdelay $0x1  }
0x362: {  	v2 =	vadd.f32 v3, v2;
	v1 =	vmul.f32 $5.000000000e+00, v1;
	_ =	sdelay $0x1  }
0x363: {  	v1 =	vadd.f32 v2, v1;
	v2 =	vadd.f32 v59, v59;
	_ =	sdelay $0x1  }
0x364: {  	v3 =	vnsel vm2, $0x0, v39;
	v1 =	vnsel vm3, $0x0, v1;
	v2 =	vsub.f32 $1.000000000e+00, v2  }
0x365: {  	v1 =	vadd.f32 v3, v1  }
0x366: {  	v2 =	vnsel vm1, $0x0, v2  }
0x367: {  	v1 =	vadd.f32 v1, v2  }
.LBB2_20:
0x368: {  	s17 =	simm.s32 $0x0  }
0x369: {  	v2 =	vor.u32 s17, v0  }
0x36a: {  	vm1 =	vlt.s32 v2, $0x30  }
0x36b: {  	v3 =	vnsel vm1, $0x30, v2  }
0x36c: {  	v3 =	vmul.u32 $0x1E, v3  }
0x36d: {  	v5 =	vadd.s32 $0x8, v38  }
0x36e: {  	v6 =	vadd.s32 $0x9, v38;
	v4 =	vadd.s32 v5, v3  }
0x36f: {  	v3 =	vadd.s32 v6, v3;
	_ =	sdelay $0x3  }
0x370: {  	v4 =	vld.idx.msk [tilespmem:v4+s2+$0x0], $0xffff  }
0x371: {  	v3 =	vld.idx.msk [tilespmem:v3+s2+$0x0], $0xffff;
	_ =	sdelay $0x3  }
0x372: {  	v4 =	vsub.f32 $0.0e+00, v4  }
0x373: {  	v3 =	vsub.f32 $0.0e+00, v3  }
0x374: {  	v4 =	vmul.f32 $1.442695020e+00, v4  }
0x375: {  	v7 =	vmul.f32 $1.442695020e+00, v3  }
0x376: {  	(erf) = vpow2.f32 v4  }
0x377: {  	(erf) = vpow2.f32 v7  }
0x378: {  	s31 =	simm.s32 $0x10  }
0x379: {  	v3 =	vor.u32 s31, v0  }
0x37a: {  	vm1 =	vlt.s32 v3, $0x30  }
0x37b: {  	s17 =	simm.s32 $0x20;
	v4 =	vimm.f32 $0.0e+00;
	v7 =	vnsel vm1, $0x30, v3  }
.LBB2_21:
0x37c: {  	p0 =	sne.s32 s17, $0x30;
	v7 =	vmul.u32 $0x1E, v7;
	_ =	sdelay $0x1  }
0x37d: {  	v8 =	vadd.s32 v5, v7  }
0x37e: {  	v7 =	vadd.s32 v6, v7;
	v9 =	vpop (erf)  }
0x37f: {  	v9 =	vadd.f32 $1.000000000e+00, v9;
	v10 =	vpop (erf)  }
0x380: {  	v10 =	vadd.f32 $1.000000000e+00, v10  }
0x381: {  	(erf) = vrcp.f32 v9  }
0x382: {  	v8 =	vld.idx.msk [tilespmem:v8+s2+$0x0], $0xffff;
	(erf) = vrcp.f32 v10  }
0x383: {  	v7 =	vld.idx.msk [tilespmem:v7+s2+$0x0], $0xffff;
	_ =	sdelay $0x5  }
0x384: {  	v8 =	vsub.f32 $0.0e+00, v8;
	v7 =	vsub.f32 $0.0e+00, v7  }
0x385: {  	v9 =	vpop (erf)  }
0x386: {  	v8 =	vmul.f32 $1.442695020e+00, v8;
	v7 =	vmul.f32 $1.442695020e+00, v7;
	v10 =	vpop (erf)  }
0x387: {  	v9 =	vmul.f32 v9, v9;
	v10 =	vmul.f32 v10, v10  }
0x388: {  	(erf) = vpow2.f32 v8  }
.Ltmp12:
0x389: {  	(erf) = vpow2.f32 v7;
	v7 =	vadd.f32 v10, v9;
	(pc) =	sbr.rel @p0 .LBB2_21-.Ltmp12, $4  }
0x38a: {  	vm1 =	vlt.u32 v2, $0x31;
	v2 =	vmov v3  }
0x38b: {  	v3 =	vor.u32 s17, v0;
	v7 =	vnsel vm1, $0x0, v7  }
0x38c: {  	vm1 =	vlt.s32 v3, $0x30;
	v4 =	vadd.f32 v7, v4  }
0x38d: {  	s17 =	sadd.s32 $0x10, s17;
	v7 =	vnsel vm1, $0x30, v3  }
0x38e: {  	v7 =	vmul.u32 $0x1E, v7;
	_ =	sdelay $0x1  }
0x38f: {  	v5 =	vadd.s32 v5, v7  }
0x390: {  	v6 =	vadd.s32 v6, v7;
	_ =	sdelay $0x3  }
0x391: {  	v5 =	vld.idx.msk [tilespmem:v5+s2+$0x0], $0xffff  }
0x392: {  	v6 =	vld.idx.msk [tilespmem:v6+s2+$0x0], $0xffff;
	_ =	sdelay $0x2  }
0x393: {  	v46 =	vpop (erf)  }
0x394: {  	v7 =	vadd.f32 $1.000000000e+00, v46;
	v8 =	vpop (erf);
	v5 =	vsub.f32 $0.0e+00, v5  }
0x395: {  	v8 =	vadd.f32 $1.000000000e+00, v8;
	v6 =	vsub.f32 $0.0e+00, v6  }
0x396: {  	(erf) = vrcp.f32 v7;
	v5 =	vmul.f32 $1.442695020e+00, v5  }
0x397: {  	(erf) = vrcp.f32 v8;
	v6 =	vmul.f32 $1.442695020e+00, v6  }
0x398: {  	(erf) = vpow2.f32 v5  }
0x399: {  	(erf) = vpow2.f32 v6;
	_ =	sdelay $0x5  }
0x39a: {  	v47 =	vpop (erf)  }
0x39b: {  	v59 =	vpop (erf)  }
0x39c: {  	v60 =	vpop (erf)  }
0x39d: {  	v7 =	vadd.f32 $1.000000000e+00, v60;
	v8 =	vpop (erf)  }
0x39e: {  	v8 =	vadd.f32 $1.000000000e+00, v8  }
0x39f: {  	(erf) = vrcp.f32 v7  }
0x3a0: {  	(erf) = vrcp.f32 v8;
	_ =	sdelay $0x7  }
0x3a1: {  	v5 =	vmul.f32 v47, v47;
	v6 =	vmul.f32 v59, v59;
	v7 =	vpop (erf)  }
0x3a2: {  	v8 =	vpop (erf)  }
0x3a3: {  	v5 =	vadd.f32 v6, v5;
	v61 =	vmul.f32 v7, v7;
	v62 =	vmul.f32 v8, v8  }
0x3a4: {  	vm1 =	vlt.u32 v2, $0x31  }
0x3a5: {  	v2 =	vnsel vm1, $0x0, v5;
	v63 =	vadd.f32 v62, v61  }
0x3a6: {  	vm1 =	vlt.u32 v3, $0x31;
	v2 =	vadd.f32 v2, v4  }
0x3a7: {  	v3 =	vnsel vm1, $0x0, v63  }
0x3a8: {  	v2 =	vadd.f32 v3, v2;
	_ =	sdelay $0x1  }
0x3a9: {  	v2 =	vmul.f32 $2.500000000e-01, v2  }
0x3aa: {  	p0 =	sgt.s32 s16, $0x0;
	s15 =	sadd.s32 $0x1, s15  }
0x3ab: {  	v2 =	vpsel !p0, $0x0, v2;
	p0 =	sne.s32 s15, $0x8  }
.Ltmp13:
0x3ac: {  	_ = 	snop;
	(pc) =	sbr.rel @p0 .LBB2_2-.Ltmp13, $4  }
.Ltmp14:
0x3ad: {  	_ = 	snop;
	(pc) =	sbr.rel @!p0 .LBB2_23-.Ltmp14, $4  }
0x3ae: {  	v1 =	vadd.f32 v1, v58  }
0x3af: {  	_ = 	snop  }
0x3b0: {  	v58 =	vadd.f32 v2, v1  }
0x3b1: {  	_ = 	snop  }
.LBB2_6:
.Ltmp15:
0x3b2: {  	(pc) =	sbr.rel .LBB2_11-.Ltmp15, $4  }
0x3b3: {  	_ = 	snop  }
0x3b4: {  	v39 =	vimm.s32 $0x0;
	v48 =	vimm.f32 $-3.000000010e+38  }
0x3b5: {  	v14 =	vimm.s32 $0x0;
	v49 =	vimm.s32 $0x0;
	v16 =	vimm.f32 $-3.000000010e+38  }
0x3b6: {  	v20 =	vimm.s32 $0x0;
	v24 =	vimm.s32 $0x0;
	v9 =	vimm.s32 $0x0  }
.LBB2_8:
.Ltmp16:
0x3b7: {  	(pc) =	sbr.rel .LBB2_11-.Ltmp16, $2  }
0x3b8: {  	_ =	sdelay $0x2  }
0x3b9: {  	v39 =	vimm.s32 $0x0;
	v48 =	vimm.f32 $-3.000000010e+38;
	v16 =	vimm.f32 $-3.000000010e+38;
	v55 =	vmovc v25;
	v25 =	vmovc v26  }
.LBB2_13:
.Ltmp17:
0x3ba: {  	(pc) =	sbr.rel .LBB2_18-.Ltmp17, $2  }
0x3bb: {  	_ =	sdelay $0x2  }
0x3bc: {  	v10 =	vimm.s32 $0x0;
	v12 =	vimm.s32 $0x0;
	v16 =	vimm.f32 $-3.000000010e+38  }
.LBB2_15:
.Ltmp18:
0x3bd: {  	(pc) =	sbr.rel .LBB2_18-.Ltmp18, $2  }
0x3be: {  	_ =	sdelay $0x2  }
0x3bf: {  	v20 =	vmov v25;
	v16 =	vimm.f32 $-3.000000010e+38  }
.LBB2_24:
0x3c0: {  	_ =	sfence.sel $0x180000  }
0x3c1: {  	[bflag:$0x0] =	sbarrier.arrive $0xFFFF  }
0x3c2: {  	p0 =	sne.s32 s1, $0x0;
	_ =	strace $0x90000047  }
0x3c3: {  	s0 =	sadd.s32 @!p0 $0x100000, s0;
	[bflag:$0x2] =	sbarrier.arrive $0xFFFF  }
0x3c4: {  	[sflag:s0] =	ssyncadd.tile.s32 @!p0 $0x1;
	_ =	shalt  }
.Lfunc_end2:
_tile_overlayer_lowered:
.L_overlay_start_2:
0x3c5: {  	(tag) =	ssettag $0x2  }
0x3c6: {  	s0 =	rddreg [dreg:$0x0];
	s2 =	stileid.u32  }
0x3c7: {  	s1 =	rddreg [dreg:$0x1];
	p0 =	sne.s32 s2, $0x0  }
0x3c8: {  	s3 =	rddreg [dreg:$0x2];
	[bflag:$0x3] =	sbarrier.arrive $0xFFFF;
	s2 =	simm.s32 @!p0 $0x1C03  }
0x3c9: {  	[timem:s3], [sflag:s2] =	dma.local @!p0 [hbm:s0], s1  }
0x3ca: {  	s0 =	simm.s32 @!p0 $0x3  }
0x3cb: {  	_ =	swait.ge @!p0 [sflag:s0], s1  }
0x3cc: {  	s1 =	ssub.s32 @!p0 $0x0, s1;
	[sflag:s0] =	ssyncset.done @!p0 $0x0  }
0x3cd: {  	[sflag:s0] =	ssyncadd.s32 @!p0 s1  }
0x3ce: {  	[bflag:$0x3] =	sbarrier.arrive $0xFFFF  }
0x3cf: {  	_ =	shalt  }

</sc_bundles>
